<compile_context>
chip_gen: v7x
topology: tpu7x:2x2x1
jax: 0.10.2.dev20260603
libtpu: 0.0.44.dev20260713+nightly
codegen_flags: <defaults>
</compile_context>

<pallas_src>
import functools

import jax
import jax.numpy as jnp
from jax import lax
from jax.experimental import pallas as pl
from jax.experimental.pallas import tpu as pltpu
from jax.experimental.pallas import tpu_sc as plsc

_N = 10000
_D = 128
_H = 128
_E = 320000
_G = 64

_NC = 2
_NS = 16
_NW = _NC * _NS
_EPW = _E // _NW
_K = 80
_NCHUNK = _EPW // _K
_HH = _H // 2
_EPS = _E // _NS
_NCH2 = _EPS // _K

_RPT8 = 624
_TAIL = _N - _NS * _RPT8

_BN = 1000
_NB = _N // _BN

_mesh = plsc.VectorSubcoreMesh(core_axis_name="c", subcore_axis_name="s")



@functools.partial(
    pl.kernel,
    out_type=jax.ShapeDtypeStruct((_NC, _N, 16), jnp.float32),
    mesh=_mesh,
    scratch_types=[
        pltpu.VMEM((_NCHUNK, _K), jnp.int32),
        pltpu.VMEM((_K, 16), jnp.float32),
        pltpu.VMEM((_RPT8, 16), jnp.float32),
        pltpu.VMEM_SHARED((_N, 16), jnp.float32),
    ],
    compiler_params=pltpu.CompilerParams(use_tc_tiling_on_sc=False),
)
def _deg_kernel(dst_hbm, deg_out, idx_v, ones_v, zero_v, deg_sp):
    c = lax.axis_index("c")
    s = lax.axis_index("s")

    def fill_ones(i, carry):
        ones_v[i, :] = jnp.full((16,), 1.0, jnp.float32)
        return carry

    lax.fori_loop(0, _K, fill_ones, 0)

    def fill_zero(i, carry):
        zero_v[i, :] = jnp.zeros((16,), jnp.float32)
        return carry

    lax.fori_loop(0, _RPT8, fill_zero, 0)

    pltpu.sync_copy(zero_v, deg_sp.at[pl.ds(s * _RPT8, _RPT8)])

    @pl.when(s == _NS - 1)
    def _():
        pltpu.sync_copy(zero_v.at[pl.ds(0, _TAIL)],
                        deg_sp.at[pl.ds(_NS * _RPT8, _TAIL)])

    plsc.subcore_barrier()

    pltpu.sync_copy(dst_hbm.at[c, s], idx_v)

    def chunk(j, carry):
        pltpu.sync_copy(ones_v, deg_sp.at[idx_v.at[j]], add=True)
        return carry

    lax.fori_loop(0, _NCHUNK, chunk, 0)
    plsc.subcore_barrier()

    pltpu.sync_copy(deg_sp.at[pl.ds(s * _RPT8, _RPT8)],
                    deg_out.at[c, pl.ds(s * _RPT8, _RPT8)])

    @pl.when(s == _NS - 1)
    def _():
        pltpu.sync_copy(deg_sp.at[pl.ds(_NS * _RPT8, _TAIL)],
                        deg_out.at[c, pl.ds(_NS * _RPT8, _TAIL)])


@functools.partial(
    pl.kernel,
    out_type=jax.ShapeDtypeStruct((_NC, _N, _HH), jnp.float32),
    mesh=_mesh,
    scratch_types=[
        pltpu.VMEM((_NCH2, _K), jnp.int32),
        pltpu.VMEM((_NCH2, _K), jnp.int32),
        pltpu.VMEM((_K, _HH), jnp.float32),
        pltpu.VMEM((208, _HH), jnp.float32),
        pltpu.VMEM_SHARED((_N, _HH), jnp.float32),
        pltpu.SemaphoreType.DMA,
    ],
    compiler_params=pltpu.CompilerParams(use_tc_tiling_on_sc=False),
)
def _agg_kernel(ya_hbm, yb_hbm, src_hbm, dst_hbm, out_hbm,
                src_v, dst_v, rows_v, zero_v, acc_sp, sem):
    c = lax.axis_index("c")
    s = lax.axis_index("s")

    def fill_zero(i, carry):
        for l in range(_HH // 16):
            zero_v[i, pl.ds(l * 16, 16)] = jnp.zeros((16,), jnp.float32)
        return carry

    lax.fori_loop(0, 208, fill_zero, 0)
    for t in range(_RPT8 // 208):
        pltpu.sync_copy(zero_v, acc_sp.at[pl.ds(s * _RPT8 + t * 208, 208)])

    @pl.when(s == _NS - 1)
    def _():
        pltpu.sync_copy(zero_v.at[pl.ds(0, _TAIL)],
                        acc_sp.at[pl.ds(_NS * _RPT8, _TAIL)])

    plsc.subcore_barrier()

    pltpu.sync_copy(src_hbm.at[s], src_v)
    pltpu.sync_copy(dst_hbm.at[s], dst_v)

    def run_edges(y_hbm):
        def chunk(j, carry):
            pltpu.async_copy(y_hbm.at[src_v.at[j]], rows_v, sem).wait()
            pltpu.sync_copy(rows_v, acc_sp.at[dst_v.at[j]], add=True)
            return carry

        lax.fori_loop(0, _NCH2, chunk, 0)

    @pl.when(c == 0)
    def _():
        run_edges(ya_hbm)

    @pl.when(c == 1)
    def _():
        run_edges(yb_hbm)
    plsc.subcore_barrier()

    pltpu.sync_copy(acc_sp.at[pl.ds(s * _RPT8, _RPT8)],
                    out_hbm.at[c, pl.ds(s * _RPT8, _RPT8)])

    @pl.when(s == _NS - 1)
    def _():
        pltpu.sync_copy(acc_sp.at[pl.ds(_NS * _RPT8, _TAIL)],
                        out_hbm.at[c, pl.ds(_NS * _RPT8, _TAIL)])



def _dinv_of(deg_ref):
    deg = deg_ref[0, :, 0:1] + deg_ref[1, :, 0:1] + 1.0
    return lax.rsqrt(deg)


def _k1_body(deg_ref, x_ref, w_ref, ya_ref, yb_ref):
    dinv = _dinv_of(deg_ref)
    xw = jnp.dot(x_ref[...], w_ref[...], preferred_element_type=jnp.float32)
    y = xw * dinv
    ya_ref[...] = y[:, :_HH]
    yb_ref[...] = y[:, _HH:]


def _halves(ref):
    return jnp.concatenate([ref[0], ref[1]], axis=-1)


def _k3_body(agg_ref, ya_ref, yb_ref, deg_ref, b_ref, h_ref, s_ref, q_ref):
    i = pl.program_id(0)
    dinv = _dinv_of(deg_ref)
    y = jnp.concatenate([ya_ref[...], yb_ref[...]], axis=-1)
    h = dinv * (_halves(agg_ref) + y) + b_ref[...]
    h_ref[...] = h
    cs = jnp.sum(h, axis=0, keepdims=True)
    cq = jnp.sum(h * h, axis=0, keepdims=True)

    @pl.when(i == 0)
    def _():
        s_ref[...] = cs
        q_ref[...] = cq

    @pl.when(i > 0)
    def _():
        s_ref[...] = s_ref[...] + cs
        q_ref[...] = q_ref[...] + cq


_SELU_ALPHA = 1.6732632423543772
_SELU_SCALE = 1.0507009873554805


def _k4_body(h_ref, s_ref, q_ref, bnw_ref, bnb_ref, w2_ref, deg_ref,
             ya_ref, yb_ref):
    m = s_ref[...] * (1.0 / _N)
    v = q_ref[...] * (1.0 / _N) - m * m
    scale = lax.rsqrt(v + 1e-5) * bnw_ref[...]
    hn = (h_ref[...] - m) * scale + bnb_ref[...]
    neg = _SELU_ALPHA * (jnp.exp(jnp.minimum(hn, 0.0)) - 1.0)
    hs = _SELU_SCALE * jnp.where(hn > 0, hn, neg)
    dinv = _dinv_of(deg_ref)
    y2 = jnp.dot(hs, w2_ref[...], preferred_element_type=jnp.float32) * dinv
    ya_ref[...] = y2[:, :_HH]
    yb_ref[...] = y2[:, _HH:]


def _k6_body(agg_ref, ya_ref, yb_ref, deg_ref, b_ref, bi_ref, wp_ref, bp_ref,
             o_ref, sum_s, cnt_s, max_s):
    i = pl.program_id(0)
    dinv = _dinv_of(deg_ref)
    y = jnp.concatenate([ya_ref[...], yb_ref[...]], axis=-1)
    h = dinv * (_halves(agg_ref) + y) + b_ref[...]

    bi = bi_ref[0, 0, :]
    gid = lax.broadcasted_iota(jnp.int32, (_G, _BN), 0)
    oh = (gid == bi[None, :]).astype(jnp.float32)
    ps = jnp.dot(oh, h, preferred_element_type=jnp.float32)
    pc = jnp.broadcast_to(jnp.sum(oh, axis=1, keepdims=True), (_G, _H))

    neg = jnp.float32(-3.0e38)
    rows = []
    for g in range(_G):
        mg = jnp.max(jnp.where(bi[:, None] == g, h, neg), axis=0,
                     keepdims=True)
        rows.append(mg)
    bm = jnp.concatenate(rows, axis=0)

    @pl.when(i == 0)
    def _():
        sum_s[...] = ps
        cnt_s[...] = pc
        max_s[...] = bm

    @pl.when(i > 0)
    def _():
        sum_s[...] = sum_s[...] + ps
        cnt_s[...] = cnt_s[...] + pc
        max_s[...] = jnp.maximum(max_s[...], bm)

    @pl.when(i == _NB - 1)
    def _():
        ssum = sum_s[...]
        cnt = cnt_s[...]
        mean = ssum / jnp.maximum(cnt, 1.0)
        mx = jnp.where(cnt > 0, max_s[...], 0.0)
        o_ref[...] = (jnp.dot(ssum, wp_ref[0], preferred_element_type=jnp.float32)
                      + jnp.dot(mean, wp_ref[1], preferred_element_type=jnp.float32)
                      + jnp.dot(mx, wp_ref[2], preferred_element_type=jnp.float32)
                      + bp_ref[...])


_deg_spec = pl.BlockSpec((_NC, _BN, 16), lambda i: (0, i, 0))
_row_spec = pl.BlockSpec((_BN, _H), lambda i: (i, 0))
_halfrow_spec = pl.BlockSpec((_BN, _HH), lambda i: (i, 0))
_half_spec = pl.BlockSpec((2, _BN, _HH), lambda i: (0, i, 0))
_vec_spec = pl.BlockSpec((1, _H), lambda i: (0, 0))
_w_spec = pl.BlockSpec((_H, _H), lambda i: (0, 0))

_yhalf_shape = [jax.ShapeDtypeStruct((_N, _HH), jnp.float32),
                jax.ShapeDtypeStruct((_N, _HH), jnp.float32)]


def _k1(deg, x, w1):
    return pl.pallas_call(
        _k1_body,
        grid=(_NB,),
        in_specs=[_deg_spec, _row_spec, _w_spec],
        out_specs=[_halfrow_spec, _halfrow_spec],
        out_shape=_yhalf_shape,
    )(deg, x, w1)


def _k3(agg, ya, yb, deg, b):
    return pl.pallas_call(
        _k3_body,
        grid=(_NB,),
        in_specs=[_half_spec, _halfrow_spec, _halfrow_spec, _deg_spec,
                  _vec_spec],
        out_specs=[_row_spec, _vec_spec, _vec_spec],
        out_shape=[
            jax.ShapeDtypeStruct((_N, _H), jnp.float32),
            jax.ShapeDtypeStruct((1, _H), jnp.float32),
            jax.ShapeDtypeStruct((1, _H), jnp.float32),
        ],
    )(agg, ya, yb, deg, b)


def _k4(h, s, q, bnw, bnb, w2, deg):
    return pl.pallas_call(
        _k4_body,
        grid=(_NB,),
        in_specs=[_row_spec, _vec_spec, _vec_spec, _vec_spec, _vec_spec,
                  _w_spec, _deg_spec],
        out_specs=[_halfrow_spec, _halfrow_spec],
        out_shape=_yhalf_shape,
    )(h, s, q, bnw, bnb, w2, deg)


def _k6(agg, ya, yb, deg, b, bi3, wp3, bp):
    return pl.pallas_call(
        _k6_body,
        grid=(_NB,),
        in_specs=[_half_spec, _halfrow_spec, _halfrow_spec, _deg_spec,
                  _vec_spec,
                  pl.BlockSpec((1, 1, _BN), lambda i: (i, 0, 0)),
                  pl.BlockSpec((3, _H, _H), lambda i: (0, 0, 0)),
                  _vec_spec],
        out_specs=pl.BlockSpec((_G, _H), lambda i: (0, 0)),
        out_shape=jax.ShapeDtypeStruct((_G, _H), jnp.float32),
        scratch_shapes=[
            pltpu.VMEM((_G, _H), jnp.float32),
            pltpu.VMEM((_G, _H), jnp.float32),
            pltpu.VMEM((_G, _H), jnp.float32),
        ],
    )(agg, ya, yb, deg, b, bi3, wp3, bp)


def kernel(x, edge_index, batch_index, W1, b1, bn_w, bn_b, W2, b2, Wp, bp):
    srcd = edge_index[0].reshape(_NC, _NS, _NCHUNK, _K)
    dstd = edge_index[1].reshape(_NC, _NS, _NCHUNK, _K)
    src = edge_index[0].reshape(_NS, _NCH2, _K)
    dst = edge_index[1].reshape(_NS, _NCH2, _K)
    bi3 = batch_index.reshape(_NB, 1, _BN)
    wp3 = Wp.reshape(3, _H, _H)
    b1r = b1.reshape(1, _H)
    b2r = b2.reshape(1, _H)
    bnwr = bn_w.reshape(1, _H)
    bnbr = bn_b.reshape(1, _H)
    bpr = bp.reshape(1, _H)

    deg = _deg_kernel(dstd)
    y1a, y1b = _k1(deg, x, W1)
    agg1 = _agg_kernel(y1a, y1b, src, dst)
    h1, s1, q1 = _k3(agg1, y1a, y1b, deg, b1r)
    y2a, y2b = _k4(h1, s1, q1, bnwr, bnbr, W2, deg)
    agg2 = _agg_kernel(y2a, y2b, src, dst)
    return _k6(agg2, y2a, y2b, deg, b2r, bi3, wp3, bpr)


def _mk_spmem_probe(rows, tag):
    @functools.partial(
        pl.kernel,
        out_type=jax.ShapeDtypeStruct((_NC, 8, 128), jnp.float32),
        mesh=_mesh,
        scratch_types=[
            pltpu.VMEM((8, 128), jnp.float32),
            pltpu.VMEM_SHARED((rows, 128), jnp.float32),
        ],
    )
    def _probe(x_hbm, o_hbm, v, sp):
        c = lax.axis_index("c")
        s = lax.axis_index("s")

        @pl.when(s == 0)
        def _():
            pltpu.sync_copy(x_hbm, v)
            pltpu.sync_copy(v, sp.at[pl.ds(0, 8)])
            pltpu.sync_copy(sp.at[pl.ds(0, 8)], o_hbm.at[c])

    return _probe


def probe_fn(x, edge_index, batch_index, W1, b1, bn_w, bn_b, W2, b2, Wp, bp):
    import os as _os
    rows = int(_os.environ.get("PROBE_ROWS", "5000"))
    ninst = int(_os.environ.get("PROBE_NINST", "1"))
    x8 = x[:8]
    outs = []
    for t in range(ninst):
        outs.append(_mk_spmem_probe(rows, t)(x8 + t))
    return sum(o.sum() for o in outs)

# --- scband reference (transcript-rebuilt; emitter-appended) ---
"""Pipeline reference for scband-shared-gnnblock-2199023255808 (READ-ONLY COPY).

The authoritative reference and input builder live on the scoring server;
editing this copy changes nothing except your own understanding.
"""

import jax, jax.numpy as jnp
import numpy as np

N = 10000
D = 128
H = 128
E = 320000
G = 64


def setup_inputs(seed: int = 0):
    key = jax.random.key(seed)
    ks = jax.random.split(key, 10)
    x = jax.random.normal(ks[0], (N, D), dtype=jnp.float32)
    edge_index = jax.random.randint(ks[1], (2, E), 0, N, dtype=jnp.int32)
    batch_index = jnp.sort(jax.random.randint(ks[2], (N,), 0, G, dtype=jnp.int32))
    W1 = jax.random.normal(ks[3], (D, H), dtype=jnp.float32) * 0.05
    b1 = jnp.zeros((H,), dtype=jnp.float32)
    bn_w = jnp.ones((H,), dtype=jnp.float32)
    bn_b = jnp.zeros((H,), dtype=jnp.float32)
    W2 = jax.random.normal(ks[4], (H, H), dtype=jnp.float32) * 0.05
    b2 = jnp.zeros((H,), dtype=jnp.float32)
    Wp = jax.random.normal(ks[5], (H * 3, H), dtype=jnp.float32) * 0.05
    bp = jnp.zeros((H,), dtype=jnp.float32)
    return {"x": x, "edge_index": edge_index, "batch_index": batch_index,
            "W1": W1, "b1": b1, "bn_w": bn_w, "bn_b": bn_b,
            "W2": W2, "b2": b2, "Wp": Wp, "bp": bp}


def _gcn(x, src, dst, W, b, n):
    # GCNConv with added self-loops and symmetric normalization
    loop = jnp.arange(n, dtype=src.dtype)
    s = jnp.concatenate([src, loop])
    d = jnp.concatenate([dst, loop])
    deg = jnp.zeros((n,), x.dtype).at[d].add(1.0)
    dinv = jnp.where(deg > 0, 1.0 / jnp.sqrt(deg), 0.0)
    norm = dinv[s] * dinv[d]
    xw = x @ W
    msg = xw[s] * norm[:, None]
    out = jnp.zeros((n, W.shape[1]), x.dtype).at[d].add(msg)
    return out + b


def _bn(h, w, bvec, eps=1e-5):
    # BatchNorm1d in training mode: biased batch statistics over nodes
    m = jnp.mean(h, axis=0)
    v = jnp.var(h, axis=0)
    return (h - m) / jnp.sqrt(v + eps) * w + bvec


def reference(x, edge_index, batch_index, W1, b1, bn_w, bn_b, W2, b2, Wp, bp):
    src, dst = edge_index[0], edge_index[1]
    h = _gcn(x, src, dst, W1, b1, N)
    h = _bn(h, bn_w, bn_b)
    h = jax.nn.selu(h)
    # dropout p=0 -> identity
    h = _gcn(h, src, dst, W2, b2, N)
    s = jax.ops.segment_sum(h, batch_index, num_segments=G)
    cnt = jax.ops.segment_sum(jnp.ones((N, 1), h.dtype), batch_index, num_segments=G)
    mean = s / jnp.maximum(cnt, 1.0)
    mx = jax.ops.segment_max(h, batch_index, num_segments=G)
    mx = jnp.where(cnt > 0, mx, 0.0)
    pooled = jnp.concatenate([s, mean, mx], axis=-1)
    return pooled @ Wp + bp

if __name__ == "__main__":
    import jax
    _d = setup_inputs()
    print(jax.jit(kernel)(*tuple(_d.values())))

</pallas_src>

<mosaic_0001>
#map = affine_map<(d0, d1) -> (0, 0, 0, 0)>
#map1 = affine_map<(d0, d1) -> (0, 0, 0)>
module attributes {stable_mosaic.version = 14 : i64} {
  func.func @_deg_kernel(%arg0: i32, %arg1: i32, %arg2: memref<2x16x125x80xi32, #tpu.memory_space<hbm>>, %arg3: memref<2x10000x16xf32, #tpu.memory_space<hbm>>, %arg4: memref<125x80xi32, #tpu.memory_space<vmem>>, %arg5: memref<80x16xf32, #tpu.memory_space<vmem>>, %arg6: memref<624x16xf32, #tpu.memory_space<vmem>>, %arg7: memref<10000x16xf32, #tpu.memory_space<vmem_shared>>) attributes {dimension_semantics = [#tpu.dimension_semantics<core_parallel>, #tpu.dimension_semantics<subcore_parallel>], iteration_bounds = array<i64: 2, 16>, scalar_prefetch = 0 : i64, scratch_operands = 4 : i64, tpu.core_type = #tpu.core_type<sc_vector_subcore>, window_params = [{transform_indices = #map}, {transform_indices = #map1}]} {
    %scan3A = arith.constant 0 : i32
    %scan3A_0 = arith.constant 0 : i32
    %scan3A_1 = arith.constant 80 : i32
    %scan3A_2 = arith.addi %scan3A_0, %scan3A_1 : i32
    %scan3A_3 = arith.constant 1 : i32
    scf.for %scan3A_30 = %scan3A_0 to %scan3A_2 step %scan3A_3  : i32 {
      %broadcast_in_dim3A = arith.constant 1.000000e+00 : f32
      %broadcast_in_dim3A_31 = vector.broadcast %broadcast_in_dim3A : f32 to vector<16xf32>
      %swap3A = arith.index_cast %scan3A_30 : i32 to index
      %swap3A_32 = arith.constant 0 : index
      %swap3A_33 = tpu.vector_load %arg5[%swap3A, %swap3A_32] {strides = array<i32>} : memref<80x16xf32, #tpu.memory_space<vmem>>, vector<1x16xf32>,
      %swap3A_34 = vector.shape_cast %swap3A_33 : vector<1x16xf32> to vector<16xf32>
      %swap3A_35 = vector.shape_cast %broadcast_in_dim3A_31 : vector<16xf32> to vector<1x16xf32>
      tpu.vector_store %arg5[%swap3A, %swap3A_32], %swap3A_35 {strides = array<i32>} : memref<80x16xf32, #tpu.memory_space<vmem>>, vector<1x16xf32>,
    }
    %scan3A_4 = arith.constant 80 : i32
    %scan3A_5 = arith.constant 0 : i32
    %scan3A_6 = arith.constant 0 : i32
    %scan3A_7 = arith.constant 624 : i32
    %scan3A_8 = arith.addi %scan3A_6, %scan3A_7 : i32
    %scan3A_9 = arith.constant 1 : i32
    scf.for %scan3A_30 = %scan3A_6 to %scan3A_8 step %scan3A_9  : i32 {
      %broadcast_in_dim3A = arith.constant 0.000000e+00 : f32
      %broadcast_in_dim3A_31 = vector.broadcast %broadcast_in_dim3A : f32 to vector<16xf32>
      %swap3A = arith.index_cast %scan3A_30 : i32 to index
      %swap3A_32 = arith.constant 0 : index
      %swap3A_33 = tpu.vector_load %arg6[%swap3A, %swap3A_32] {strides = array<i32>} : memref<624x16xf32, #tpu.memory_space<vmem>>, vector<1x16xf32>,
      %swap3A_34 = vector.shape_cast %swap3A_33 : vector<1x16xf32> to vector<16xf32>
      %swap3A_35 = vector.shape_cast %broadcast_in_dim3A_31 : vector<16xf32> to vector<1x16xf32>
      tpu.vector_store %arg6[%swap3A, %swap3A_32], %swap3A_35 {strides = array<i32>} : memref<624x16xf32, #tpu.memory_space<vmem>>, vector<1x16xf32>,
    }
    %scan3A_10 = arith.constant 624 : i32
    %mul3A = arith.constant 624 : i32
    %mul3A_11 = arith.muli %arg1, %mul3A : i32
    "tpu.region"() ({
      %run_scoped3A = tpu.sem_alloc : memref<!tpu.dma_semaphore, #tpu.memory_space<semaphore_mem>>
      %dma_start3A = arith.constant 0 : i32
      %dma_start3A_30 = tpu.memref_slice %arg7[%mul3A_11, %dma_start3A] : memref<10000x16xf32, #tpu.memory_space<vmem_shared>> -> memref<624x16xf32, #tpu.memory_space<vmem_shared>>
      %dma_start3A_31 = arith.constant 0 : i32
      %dma_start3A_32 = tpu.memref_slice %arg7[%mul3A_11, %dma_start3A_31] : memref<10000x16xf32, #tpu.memory_space<vmem_shared>> -> memref<624x16xf32, #tpu.memory_space<vmem_shared>>
      tpu.enqueue_dma source(%arg6 : memref<624x16xf32, #tpu.memory_space<vmem>>) target(%dma_start3A_32 : memref<624x16xf32, #tpu.memory_space<vmem_shared>>) target_semaphore(%run_scoped3A : memref<!tpu.dma_semaphore, #tpu.memory_space<semaphore_mem>>)
      %dma_wait3A = arith.constant 0 : i32
      %dma_wait3A_33 = tpu.memref_slice %arg7[%mul3A_11, %dma_wait3A] : memref<10000x16xf32, #tpu.memory_space<vmem_shared>> -> memref<624x16xf32, #tpu.memory_space<vmem_shared>>
      %dma_wait3A_34 = arith.constant 0 : i32
      %dma_wait3A_35 = tpu.memref_slice %arg7[%mul3A_11, %dma_wait3A_34] : memref<10000x16xf32, #tpu.memory_space<vmem_shared>> -> memref<624x16xf32, #tpu.memory_space<vmem_shared>>
      tpu.wait_dma2 semaphore(%run_scoped3A : memref<!tpu.dma_semaphore, #tpu.memory_space<semaphore_mem>>) src(%arg6 : memref<624x16xf32, #tpu.memory_space<vmem>>) dst(%dma_wait3A_35 : memref<624x16xf32, #tpu.memory_space<vmem_shared>>)
      tpu.yield
    }) : () -> ()
    %eq3A = arith.constant 15 : i32
    %eq3A_12 = arith.cmpi eq, %arg1, %eq3A : i32
    %convert_element_type3A = arith.extui %eq3A_12 : i1 to i32
    %cond3A = arith.constant 0 : i32
    %cond3A_13 = arith.cmpi ne, %convert_element_type3A, %cond3A : i32
    scf.if %cond3A_13 {
      "tpu.region"() ({
        %run_scoped3A = tpu.sem_alloc : memref<!tpu.dma_semaphore, #tpu.memory_space<semaphore_mem>>
        %dma_start3A = arith.constant 0 : i32
        %dma_start3A_30 = arith.constant 0 : i32
        %dma_start3A_31 = tpu.memref_slice %arg6[%dma_start3A, %dma_start3A_30] : memref<624x16xf32, #tpu.memory_space<vmem>> -> memref<16x16xf32, #tpu.memory_space<vmem>>
        %dma_start3A_32 = arith.constant 9984 : i32
        %dma_start3A_33 = arith.constant 0 : i32
        %dma_start3A_34 = tpu.memref_slice %arg7[%dma_start3A_32, %dma_start3A_33] : memref<10000x16xf32, #tpu.memory_space<vmem_shared>> -> memref<16x16xf32, #tpu.memory_space<vmem_shared>>
        %dma_start3A_35 = arith.constant 9984 : i32
        %dma_start3A_36 = arith.constant 0 : i32
        %dma_start3A_37 = tpu.memref_slice %arg7[%dma_start3A_35, %dma_start3A_36] : memref<10000x16xf32, #tpu.memory_space<vmem_shared>> -> memref<16x16xf32, #tpu.memory_space<vmem_shared>>
        %dma_start3A_38 = arith.constant 0 : i32
        %dma_start3A_39 = arith.constant 0 : i32
        %dma_start3A_40 = tpu.memref_slice %arg6[%dma_start3A_38, %dma_start3A_39] : memref<624x16xf32, #tpu.memory_space<vmem>> -> memref<16x16xf32, #tpu.memory_space<vmem>>
        tpu.enqueue_dma source(%dma_start3A_40 : memref<16x16xf32, #tpu.memory_space<vmem>>) target(%dma_start3A_37 : memref<16x16xf32, #tpu.memory_space<vmem_shared>>) target_semaphore(%run_scoped3A : memref<!tpu.dma_semaphore, #tpu.memory_space<semaphore_mem>>)
        %dma_wait3A = arith.constant 0 : i32
        %dma_wait3A_41 = arith.constant 0 : i32
        %dma_wait3A_42 = tpu.memref_slice %arg6[%dma_wait3A, %dma_wait3A_41] : memref<624x16xf32, #tpu.memory_space<vmem>> -> memref<16x16xf32, #tpu.memory_space<vmem>>
        %dma_wait3A_43 = arith.constant 9984 : i32
        %dma_wait3A_44 = arith.constant 0 : i32
        %dma_wait3A_45 = tpu.memref_slice %arg7[%dma_wait3A_43, %dma_wait3A_44] : memref<10000x16xf32, #tpu.memory_space<vmem_shared>> -> memref<16x16xf32, #tpu.memory_space<vmem_shared>>
        %dma_wait3A_46 = arith.constant 9984 : i32
        %dma_wait3A_47 = arith.constant 0 : i32
        %dma_wait3A_48 = tpu.memref_slice %arg7[%dma_wait3A_46, %dma_wait3A_47] : memref<10000x16xf32, #tpu.memory_space<vmem_shared>> -> memref<16x16xf32, #tpu.memory_space<vmem_shared>>
        %dma_wait3A_49 = arith.constant 0 : i32
        %dma_wait3A_50 = arith.constant 0 : i32
        %dma_wait3A_51 = tpu.memref_slice %arg6[%dma_wait3A_49, %dma_wait3A_50] : memref<624x16xf32, #tpu.memory_space<vmem>> -> memref<16x16xf32, #tpu.memory_space<vmem>>
        tpu.wait_dma2 semaphore(%run_scoped3A : memref<!tpu.dma_semaphore, #tpu.memory_space<semaphore_mem>>) src(%dma_wait3A_51 : memref<16x16xf32, #tpu.memory_space<vmem>>) dst(%dma_wait3A_48 : memref<16x16xf32, #tpu.memory_space<vmem_shared>>)
        tpu.yield
      }) : () -> ()
    } else {
    }
    %barrier3A = arith.constant 0 : index
    tpu.barrier barrier_id(%barrier3A)
    "tpu.region"() ({
      %run_scoped3A = tpu.sem_alloc : memref<!tpu.dma_semaphore, #tpu.memory_space<semaphore_mem>>
      %dma_start3A = arith.constant 0 : i32
      %dma_start3A_30 = arith.constant 0 : i32
      %dma_start3A_31 = tpu.memref_slice %arg2[%arg0, %arg1, %dma_start3A, %dma_start3A_30] : memref<2x16x125x80xi32, #tpu.memory_space<hbm>> -> memref<1x1x125x80xi32, #tpu.memory_space<hbm>>
      %dma_start3A_32 = tpu.memref_squeeze %dma_start3A_31 : memref<1x1x125x80xi32, #tpu.memory_space<hbm>> -> memref<125x80xi32, #tpu.memory_space<hbm>>
      %dma_start3A_33 = arith.constant 0 : i32
      %dma_start3A_34 = arith.constant 0 : i32
      %dma_start3A_35 = tpu.memref_slice %arg2[%arg0, %arg1, %dma_start3A_33, %dma_start3A_34] : memref<2x16x125x80xi32, #tpu.memory_space<hbm>> -> memref<1x1x125x80xi32, #tpu.memory_space<hbm>>
      %dma_start3A_36 = tpu.memref_squeeze %dma_start3A_35 : memref<1x1x125x80xi32, #tpu.memory_space<hbm>> -> memref<125x80xi32, #tpu.memory_space<hbm>>
      tpu.enqueue_dma source(%dma_start3A_36 : memref<125x80xi32, #tpu.memory_space<hbm>>) target(%arg4 : memref<125x80xi32, #tpu.memory_space<vmem>>) target_semaphore(%run_scoped3A : memref<!tpu.dma_semaphore, #tpu.memory_space<semaphore_mem>>)
      %dma_wait3A = arith.constant 0 : i32
      %dma_wait3A_37 = arith.constant 0 : i32
      %dma_wait3A_38 = tpu.memref_slice %arg2[%arg0, %arg1, %dma_wait3A, %dma_wait3A_37] : memref<2x16x125x80xi32, #tpu.memory_space<hbm>> -> memref<1x1x125x80xi32, #tpu.memory_space<hbm>>
      %dma_wait3A_39 = tpu.memref_squeeze %dma_wait3A_38 : memref<1x1x125x80xi32, #tpu.memory_space<hbm>> -> memref<125x80xi32, #tpu.memory_space<hbm>>
      %dma_wait3A_40 = arith.constant 0 : i32
      %dma_wait3A_41 = arith.constant 0 : i32
      %dma_wait3A_42 = tpu.memref_slice %arg2[%arg0, %arg1, %dma_wait3A_40, %dma_wait3A_41] : memref<2x16x125x80xi32, #tpu.memory_space<hbm>> -> memref<1x1x125x80xi32, #tpu.memory_space<hbm>>
      %dma_wait3A_43 = tpu.memref_squeeze %dma_wait3A_42 : memref<1x1x125x80xi32, #tpu.memory_space<hbm>> -> memref<125x80xi32, #tpu.memory_space<hbm>>
      tpu.wait_dma2 semaphore(%run_scoped3A : memref<!tpu.dma_semaphore, #tpu.memory_space<semaphore_mem>>) src(%dma_wait3A_43 : memref<125x80xi32, #tpu.memory_space<hbm>>) dst(%arg4 : memref<125x80xi32, #tpu.memory_space<vmem>>)
      tpu.yield
    }) : () -> ()
    %scan3A_14 = arith.constant 0 : i32
    %scan3A_15 = arith.constant 0 : i32
    %scan3A_16 = arith.constant 125 : i32
    %scan3A_17 = arith.addi %scan3A_15, %scan3A_16 : i32
    %scan3A_18 = arith.constant 1 : i32
    scf.for %scan3A_30 = %scan3A_15 to %scan3A_17 step %scan3A_18  : i32 {
      "tpu.region"() ({
        %run_scoped3A = tpu.sem_alloc : memref<!tpu.dma_semaphore, #tpu.memory_space<semaphore_mem>>
        %dma_start3A = arith.constant 0 : i32
        %dma_start3A_31 = tpu.memref_slice %arg4[%scan3A_30, %dma_start3A] : memref<125x80xi32, #tpu.memory_space<vmem>> -> memref<1x80xi32, #tpu.memory_space<vmem>>
        %dma_start3A_32 = tpu.memref_squeeze %dma_start3A_31 : memref<1x80xi32, #tpu.memory_space<vmem>> -> memref<80xi32, #tpu.memory_space<vmem>>
        %dma_start3A_33 = arith.constant 0 : i32
        %dma_start3A_34 = arith.constant 0 : i32
        %dma_start3A_35 = tpu.memref_slice %arg7[%dma_start3A_33, %dma_start3A_34] : memref<10000x16xf32, #tpu.memory_space<vmem_shared>> -> memref<10000x16xf32, #tpu.memory_space<vmem_shared>>
        tpu.enqueue_indirect_dma source(%arg5 : memref<80x16xf32, #tpu.memory_space<vmem>>) target(%dma_start3A_35 : memref<10000x16xf32, #tpu.memory_space<vmem_shared>>) offsets(%dma_start3A_32 : memref<80xi32, #tpu.memory_space<vmem>>) semaphore(%run_scoped3A : memref<!tpu.dma_semaphore, #tpu.memory_space<semaphore_mem>>) {add = true}
        %dma_wait3A = arith.constant 0 : i32
        %dma_wait3A_36 = tpu.memref_slice %arg4[%scan3A_30, %dma_wait3A] : memref<125x80xi32, #tpu.memory_space<vmem>> -> memref<1x80xi32, #tpu.memory_space<vmem>>
        %dma_wait3A_37 = tpu.memref_squeeze %dma_wait3A_36 : memref<1x80xi32, #tpu.memory_space<vmem>> -> memref<80xi32, #tpu.memory_space<vmem>>
        %dma_wait3A_38 = arith.constant 0 : i32
        %dma_wait3A_39 = arith.constant 0 : i32
        %dma_wait3A_40 = tpu.memref_slice %arg7[%dma_wait3A_38, %dma_wait3A_39] : memref<10000x16xf32, #tpu.memory_space<vmem_shared>> -> memref<10000x16xf32, #tpu.memory_space<vmem_shared>>
        tpu.wait_indirect_dma semaphore(%run_scoped3A : memref<!tpu.dma_semaphore, #tpu.memory_space<semaphore_mem>>) src(%arg5 : memref<80x16xf32, #tpu.memory_space<vmem>>) dst(%dma_wait3A_40 : memref<10000x16xf32, #tpu.memory_space<vmem_shared>>)
        tpu.yield
      }) : () -> ()
    }
    %scan3A_19 = arith.constant 125 : i32
    %barrier3A_20 = arith.constant 0 : index
    tpu.barrier barrier_id(%barrier3A_20)
    %mul3A_21 = arith.constant 624 : i32
    %mul3A_22 = arith.muli %arg1, %mul3A_21 : i32
    %mul3A_23 = arith.constant 624 : i32
    %mul3A_24 = arith.muli %arg1, %mul3A_23 : i32
    "tpu.region"() ({
      %run_scoped3A = tpu.sem_alloc : memref<!tpu.dma_semaphore, #tpu.memory_space<semaphore_mem>>
      %dma_start3A = arith.constant 0 : i32
      %dma_start3A_30 = tpu.memref_slice %arg3[%arg0, %mul3A_24, %dma_start3A] : memref<2x10000x16xf32, #tpu.memory_space<hbm>> -> memref<1x624x16xf32, #tpu.memory_space<hbm>>
      %dma_start3A_31 = tpu.memref_squeeze %dma_start3A_30 : memref<1x624x16xf32, #tpu.memory_space<hbm>> -> memref<624x16xf32, #tpu.memory_space<hbm>>
      %dma_start3A_32 = arith.constant 0 : i32
      %dma_start3A_33 = tpu.memref_slice %arg7[%mul3A_22, %dma_start3A_32] : memref<10000x16xf32, #tpu.memory_space<vmem_shared>> -> memref<624x16xf32, #tpu.memory_space<vmem_shared>>
      tpu.enqueue_dma source(%dma_start3A_33 : memref<624x16xf32, #tpu.memory_space<vmem_shared>>) target(%dma_start3A_31 : memref<624x16xf32, #tpu.memory_space<hbm>>) target_semaphore(%run_scoped3A : memref<!tpu.dma_semaphore, #tpu.memory_space<semaphore_mem>>)
      %dma_wait3A = arith.constant 0 : i32
      %dma_wait3A_34 = tpu.memref_slice %arg3[%arg0, %mul3A_24, %dma_wait3A] : memref<2x10000x16xf32, #tpu.memory_space<hbm>> -> memref<1x624x16xf32, #tpu.memory_space<hbm>>
      %dma_wait3A_35 = tpu.memref_squeeze %dma_wait3A_34 : memref<1x624x16xf32, #tpu.memory_space<hbm>> -> memref<624x16xf32, #tpu.memory_space<hbm>>
      %dma_wait3A_36 = arith.constant 0 : i32
      %dma_wait3A_37 = tpu.memref_slice %arg7[%mul3A_22, %dma_wait3A_36] : memref<10000x16xf32, #tpu.memory_space<vmem_shared>> -> memref<624x16xf32, #tpu.memory_space<vmem_shared>>
      tpu.wait_dma2 semaphore(%run_scoped3A : memref<!tpu.dma_semaphore, #tpu.memory_space<semaphore_mem>>) src(%dma_wait3A_37 : memref<624x16xf32, #tpu.memory_space<vmem_shared>>) dst(%dma_wait3A_35 : memref<624x16xf32, #tpu.memory_space<hbm>>)
      tpu.yield
    }) : () -> ()
    %eq3A_25 = arith.constant 15 : i32
    %eq3A_26 = arith.cmpi eq, %arg1, %eq3A_25 : i32
    %convert_element_type3A_27 = arith.extui %eq3A_26 : i1 to i32
    %cond3A_28 = arith.constant 0 : i32
    %cond3A_29 = arith.cmpi ne, %convert_element_type3A_27, %cond3A_28 : i32
    scf.if %cond3A_29 {
      "tpu.region"() ({
        %run_scoped3A = tpu.sem_alloc : memref<!tpu.dma_semaphore, #tpu.memory_space<semaphore_mem>>
        %dma_start3A = arith.constant 9984 : i32
        %dma_start3A_30 = arith.constant 0 : i32
        %dma_start3A_31 = tpu.memref_slice %arg3[%arg0, %dma_start3A, %dma_start3A_30] : memref<2x10000x16xf32, #tpu.memory_space<hbm>> -> memref<1x16x16xf32, #tpu.memory_space<hbm>>
        %dma_start3A_32 = tpu.memref_squeeze %dma_start3A_31 : memref<1x16x16xf32, #tpu.memory_space<hbm>> -> memref<16x16xf32, #tpu.memory_space<hbm>>
        %dma_start3A_33 = arith.constant 9984 : i32
        %dma_start3A_34 = arith.constant 0 : i32
        %dma_start3A_35 = tpu.memref_slice %arg7[%dma_start3A_33, %dma_start3A_34] : memref<10000x16xf32, #tpu.memory_space<vmem_shared>> -> memref<16x16xf32, #tpu.memory_space<vmem_shared>>
        tpu.enqueue_dma source(%dma_start3A_35 : memref<16x16xf32, #tpu.memory_space<vmem_shared>>) target(%dma_start3A_32 : memref<16x16xf32, #tpu.memory_space<hbm>>) target_semaphore(%run_scoped3A : memref<!tpu.dma_semaphore, #tpu.memory_space<semaphore_mem>>)
        %dma_wait3A = arith.constant 9984 : i32
        %dma_wait3A_36 = arith.constant 0 : i32
        %dma_wait3A_37 = tpu.memref_slice %arg3[%arg0, %dma_wait3A, %dma_wait3A_36] : memref<2x10000x16xf32, #tpu.memory_space<hbm>> -> memref<1x16x16xf32, #tpu.memory_space<hbm>>
        %dma_wait3A_38 = tpu.memref_squeeze %dma_wait3A_37 : memref<1x16x16xf32, #tpu.memory_space<hbm>> -> memref<16x16xf32, #tpu.memory_space<hbm>>
        %dma_wait3A_39 = arith.constant 9984 : i32
        %dma_wait3A_40 = arith.constant 0 : i32
        %dma_wait3A_41 = tpu.memref_slice %arg7[%dma_wait3A_39, %dma_wait3A_40] : memref<10000x16xf32, #tpu.memory_space<vmem_shared>> -> memref<16x16xf32, #tpu.memory_space<vmem_shared>>
        tpu.wait_dma2 semaphore(%run_scoped3A : memref<!tpu.dma_semaphore, #tpu.memory_space<semaphore_mem>>) src(%dma_wait3A_41 : memref<16x16xf32, #tpu.memory_space<vmem_shared>>) dst(%dma_wait3A_38 : memref<16x16xf32, #tpu.memory_space<hbm>>)
        tpu.yield
      }) : () -> ()
    } else {
    }
    return
  }
}

#map = affine_map<(d0, d1) -> (0, 0)>
#map1 = affine_map<(d0, d1) -> (0, 0, 0)>
module attributes {stable_mosaic.version = 14 : i64} {
  func.func @_agg_kernel(%arg0: i32, %arg1: i32, %arg2: memref<10000x64xf32, #tpu.memory_space<hbm>>, %arg3: memref<10000x64xf32, #tpu.memory_space<hbm>>, %arg4: memref<16x250x80xi32, #tpu.memory_space<hbm>>, %arg5: memref<16x250x80xi32, #tpu.memory_space<hbm>>, %arg6: memref<2x10000x64xf32, #tpu.memory_space<hbm>>, %arg7: memref<250x80xi32, #tpu.memory_space<vmem>>, %arg8: memref<250x80xi32, #tpu.memory_space<vmem>>, %arg9: memref<80x64xf32, #tpu.memory_space<vmem>>, %arg10: memref<208x64xf32, #tpu.memory_space<vmem>>, %arg11: memref<10000x64xf32, #tpu.memory_space<vmem_shared>>, %arg12: memref<!tpu.dma_semaphore, #tpu.memory_space<semaphore_mem>>) attributes {dimension_semantics = [#tpu.dimension_semantics<core_parallel>, #tpu.dimension_semantics<subcore_parallel>], iteration_bounds = array<i64: 2, 16>, scalar_prefetch = 0 : i64, scratch_operands = 6 : i64, tpu.core_type = #tpu.core_type<sc_vector_subcore>, window_params = [{transform_indices = #map}, {transform_indices = #map}, {transform_indices = #map1}, {transform_indices = #map1}, {transform_indices = #map1}]} {
    %scan3A = arith.constant 0 : i32
    %scan3A_0 = arith.constant 0 : i32
    %scan3A_1 = arith.constant 208 : i32
    %scan3A_2 = arith.addi %scan3A_0, %scan3A_1 : i32
    %scan3A_3 = arith.constant 1 : i32
    scf.for %scan3A_37 = %scan3A_0 to %scan3A_2 step %scan3A_3  : i32 {
      %broadcast_in_dim3A = arith.constant 0.000000e+00 : f32
      %broadcast_in_dim3A_38 = vector.broadcast %broadcast_in_dim3A : f32 to vector<16xf32>
      %swap3A = arith.index_cast %scan3A_37 : i32 to index
      %swap3A_39 = arith.constant 0 : index
      %swap3A_40 = tpu.vector_load %arg10[%swap3A, %swap3A_39] {strides = array<i32>} : memref<208x64xf32, #tpu.memory_space<vmem>>, vector<1x16xf32>,
      %swap3A_41 = vector.shape_cast %swap3A_40 : vector<1x16xf32> to vector<16xf32>
      %swap3A_42 = vector.shape_cast %broadcast_in_dim3A_38 : vector<16xf32> to vector<1x16xf32>
      tpu.vector_store %arg10[%swap3A, %swap3A_39], %swap3A_42 {strides = array<i32>} : memref<208x64xf32, #tpu.memory_space<vmem>>, vector<1x16xf32>,
      %broadcast_in_dim3A_43 = arith.constant 0.000000e+00 : f32
      %broadcast_in_dim3A_44 = vector.broadcast %broadcast_in_dim3A_43 : f32 to vector<16xf32>
      %swap3A_45 = arith.index_cast %scan3A_37 : i32 to index
      %swap3A_46 = arith.constant 16 : index
      %swap3A_47 = tpu.vector_load %arg10[%swap3A_45, %swap3A_46] {strides = array<i32>} : memref<208x64xf32, #tpu.memory_space<vmem>>, vector<1x16xf32>,
      %swap3A_48 = vector.shape_cast %swap3A_47 : vector<1x16xf32> to vector<16xf32>
      %swap3A_49 = vector.shape_cast %broadcast_in_dim3A_44 : vector<16xf32> to vector<1x16xf32>
      tpu.vector_store %arg10[%swap3A_45, %swap3A_46], %swap3A_49 {strides = array<i32>} : memref<208x64xf32, #tpu.memory_space<vmem>>, vector<1x16xf32>,
      %broadcast_in_dim3A_50 = arith.constant 0.000000e+00 : f32
      %broadcast_in_dim3A_51 = vector.broadcast %broadcast_in_dim3A_50 : f32 to vector<16xf32>
      %swap3A_52 = arith.index_cast %scan3A_37 : i32 to index
      %swap3A_53 = arith.constant 32 : index
      %swap3A_54 = tpu.vector_load %arg10[%swap3A_52, %swap3A_53] {strides = array<i32>} : memref<208x64xf32, #tpu.memory_space<vmem>>, vector<1x16xf32>,
      %swap3A_55 = vector.shape_cast %swap3A_54 : vector<1x16xf32> to vector<16xf32>
      %swap3A_56 = vector.shape_cast %broadcast_in_dim3A_51 : vector<16xf32> to vector<1x16xf32>
      tpu.vector_store %arg10[%swap3A_52, %swap3A_53], %swap3A_56 {strides = array<i32>} : memref<208x64xf32, #tpu.memory_space<vmem>>, vector<1x16xf32>,
      %broadcast_in_dim3A_57 = arith.constant 0.000000e+00 : f32
      %broadcast_in_dim3A_58 = vector.broadcast %broadcast_in_dim3A_57 : f32 to vector<16xf32>
      %swap3A_59 = arith.index_cast %scan3A_37 : i32 to index
      %swap3A_60 = arith.constant 48 : index
      %swap3A_61 = tpu.vector_load %arg10[%swap3A_59, %swap3A_60] {strides = array<i32>} : memref<208x64xf32, #tpu.memory_space<vmem>>, vector<1x16xf32>,
      %swap3A_62 = vector.shape_cast %swap3A_61 : vector<1x16xf32> to vector<16xf32>
      %swap3A_63 = vector.shape_cast %broadcast_in_dim3A_58 : vector<16xf32> to vector<1x16xf32>
      tpu.vector_store %arg10[%swap3A_59, %swap3A_60], %swap3A_63 {strides = array<i32>} : memref<208x64xf32, #tpu.memory_space<vmem>>, vector<1x16xf32>,
    }
    %scan3A_4 = arith.constant 208 : i32
    %mul3A = arith.constant 624 : i32
    %mul3A_5 = arith.muli %arg1, %mul3A : i32
    %add3A = arith.constant 0 : i32
    %add3A_6 = arith.addi %mul3A_5, %add3A : i32
    "tpu.region"() ({
      %run_scoped3A = tpu.sem_alloc : memref<!tpu.dma_semaphore, #tpu.memory_space<semaphore_mem>>
      %dma_start3A = arith.constant 0 : i32
      %dma_start3A_37 = tpu.memref_slice %arg11[%add3A_6, %dma_start3A] : memref<10000x64xf32, #tpu.memory_space<vmem_shared>> -> memref<208x64xf32, #tpu.memory_space<vmem_shared>>
      %dma_start3A_38 = arith.constant 0 : i32
      %dma_start3A_39 = tpu.memref_slice %arg11[%add3A_6, %dma_start3A_38] : memref<10000x64xf32, #tpu.memory_space<vmem_shared>> -> memref<208x64xf32, #tpu.memory_space<vmem_shared>>
      tpu.enqueue_dma source(%arg10 : memref<208x64xf32, #tpu.memory_space<vmem>>) target(%dma_start3A_39 : memref<208x64xf32, #tpu.memory_space<vmem_shared>>) target_semaphore(%run_scoped3A : memref<!tpu.dma_semaphore, #tpu.memory_space<semaphore_mem>>)
      %dma_wait3A = arith.constant 0 : i32
      %dma_wait3A_40 = tpu.memref_slice %arg11[%add3A_6, %dma_wait3A] : memref<10000x64xf32, #tpu.memory_space<vmem_shared>> -> memref<208x64xf32, #tpu.memory_space<vmem_shared>>
      %dma_wait3A_41 = arith.constant 0 : i32
      %dma_wait3A_42 = tpu.memref_slice %arg11[%add3A_6, %dma_wait3A_41] : memref<10000x64xf32, #tpu.memory_space<vmem_shared>> -> memref<208x64xf32, #tpu.memory_space<vmem_shared>>
      tpu.wait_dma2 semaphore(%run_scoped3A : memref<!tpu.dma_semaphore, #tpu.memory_space<semaphore_mem>>) src(%arg10 : memref<208x64xf32, #tpu.memory_space<vmem>>) dst(%dma_wait3A_42 : memref<208x64xf32, #tpu.memory_space<vmem_shared>>)
      tpu.yield
    }) : () -> ()
    %mul3A_7 = arith.constant 624 : i32
    %mul3A_8 = arith.muli %arg1, %mul3A_7 : i32
    %add3A_9 = arith.constant 208 : i32
    %add3A_10 = arith.addi %mul3A_8, %add3A_9 : i32
    "tpu.region"() ({
      %run_scoped3A = tpu.sem_alloc : memref<!tpu.dma_semaphore, #tpu.memory_space<semaphore_mem>>
      %dma_start3A = arith.constant 0 : i32
      %dma_start3A_37 = tpu.memref_slice %arg11[%add3A_10, %dma_start3A] : memref<10000x64xf32, #tpu.memory_space<vmem_shared>> -> memref<208x64xf32, #tpu.memory_space<vmem_shared>>
      %dma_start3A_38 = arith.constant 0 : i32
      %dma_start3A_39 = tpu.memref_slice %arg11[%add3A_10, %dma_start3A_38] : memref<10000x64xf32, #tpu.memory_space<vmem_shared>> -> memref<208x64xf32, #tpu.memory_space<vmem_shared>>
      tpu.enqueue_dma source(%arg10 : memref<208x64xf32, #tpu.memory_space<vmem>>) target(%dma_start3A_39 : memref<208x64xf32, #tpu.memory_space<vmem_shared>>) target_semaphore(%run_scoped3A : memref<!tpu.dma_semaphore, #tpu.memory_space<semaphore_mem>>)
      %dma_wait3A = arith.constant 0 : i32
      %dma_wait3A_40 = tpu.memref_slice %arg11[%add3A_10, %dma_wait3A] : memref<10000x64xf32, #tpu.memory_space<vmem_shared>> -> memref<208x64xf32, #tpu.memory_space<vmem_shared>>
      %dma_wait3A_41 = arith.constant 0 : i32
      %dma_wait3A_42 = tpu.memref_slice %arg11[%add3A_10, %dma_wait3A_41] : memref<10000x64xf32, #tpu.memory_space<vmem_shared>> -> memref<208x64xf32, #tpu.memory_space<vmem_shared>>
      tpu.wait_dma2 semaphore(%run_scoped3A : memref<!tpu.dma_semaphore, #tpu.memory_space<semaphore_mem>>) src(%arg10 : memref<208x64xf32, #tpu.memory_space<vmem>>) dst(%dma_wait3A_42 : memref<208x64xf32, #tpu.memory_space<vmem_shared>>)
      tpu.yield
    }) : () -> ()
    %mul3A_11 = arith.constant 624 : i32
    %mul3A_12 = arith.muli %arg1, %mul3A_11 : i32
    %add3A_13 = arith.constant 416 : i32
    %add3A_14 = arith.addi %mul3A_12, %add3A_13 : i32
    "tpu.region"() ({
      %run_scoped3A = tpu.sem_alloc : memref<!tpu.dma_semaphore, #tpu.memory_space<semaphore_mem>>
      %dma_start3A = arith.constant 0 : i32
      %dma_start3A_37 = tpu.memref_slice %arg11[%add3A_14, %dma_start3A] : memref<10000x64xf32, #tpu.memory_space<vmem_shared>> -> memref<208x64xf32, #tpu.memory_space<vmem_shared>>
      %dma_start3A_38 = arith.constant 0 : i32
      %dma_start3A_39 = tpu.memref_slice %arg11[%add3A_14, %dma_start3A_38] : memref<10000x64xf32, #tpu.memory_space<vmem_shared>> -> memref<208x64xf32, #tpu.memory_space<vmem_shared>>
      tpu.enqueue_dma source(%arg10 : memref<208x64xf32, #tpu.memory_space<vmem>>) target(%dma_start3A_39 : memref<208x64xf32, #tpu.memory_space<vmem_shared>>) target_semaphore(%run_scoped3A : memref<!tpu.dma_semaphore, #tpu.memory_space<semaphore_mem>>)
      %dma_wait3A = arith.constant 0 : i32
      %dma_wait3A_40 = tpu.memref_slice %arg11[%add3A_14, %dma_wait3A] : memref<10000x64xf32, #tpu.memory_space<vmem_shared>> -> memref<208x64xf32, #tpu.memory_space<vmem_shared>>
      %dma_wait3A_41 = arith.constant 0 : i32
      %dma_wait3A_42 = tpu.memref_slice %arg11[%add3A_14, %dma_wait3A_41] : memref<10000x64xf32, #tpu.memory_space<vmem_shared>> -> memref<208x64xf32, #tpu.memory_space<vmem_shared>>
      tpu.wait_dma2 semaphore(%run_scoped3A : memref<!tpu.dma_semaphore, #tpu.memory_space<semaphore_mem>>) src(%arg10 : memref<208x64xf32, #tpu.memory_space<vmem>>) dst(%dma_wait3A_42 : memref<208x64xf32, #tpu.memory_space<vmem_shared>>)
      tpu.yield
    }) : () -> ()
    %eq3A = arith.constant 15 : i32
    %eq3A_15 = arith.cmpi eq, %arg1, %eq3A : i32
    %convert_element_type3A = arith.extui %eq3A_15 : i1 to i32
    %cond3A = arith.constant 0 : i32
    %cond3A_16 = arith.cmpi ne, %convert_element_type3A, %cond3A : i32
    scf.if %cond3A_16 {
      "tpu.region"() ({
        %run_scoped3A = tpu.sem_alloc : memref<!tpu.dma_semaphore, #tpu.memory_space<semaphore_mem>>
        %dma_start3A = arith.constant 0 : i32
        %dma_start3A_37 = arith.constant 0 : i32
        %dma_start3A_38 = tpu.memref_slice %arg10[%dma_start3A, %dma_start3A_37] : memref<208x64xf32, #tpu.memory_space<vmem>> -> memref<16x64xf32, #tpu.memory_space<vmem>>
        %dma_start3A_39 = arith.constant 9984 : i32
        %dma_start3A_40 = arith.constant 0 : i32
        %dma_start3A_41 = tpu.memref_slice %arg11[%dma_start3A_39, %dma_start3A_40] : memref<10000x64xf32, #tpu.memory_space<vmem_shared>> -> memref<16x64xf32, #tpu.memory_space<vmem_shared>>
        %dma_start3A_42 = arith.constant 9984 : i32
        %dma_start3A_43 = arith.constant 0 : i32
        %dma_start3A_44 = tpu.memref_slice %arg11[%dma_start3A_42, %dma_start3A_43] : memref<10000x64xf32, #tpu.memory_space<vmem_shared>> -> memref<16x64xf32, #tpu.memory_space<vmem_shared>>
        %dma_start3A_45 = arith.constant 0 : i32
        %dma_start3A_46 = arith.constant 0 : i32
        %dma_start3A_47 = tpu.memref_slice %arg10[%dma_start3A_45, %dma_start3A_46] : memref<208x64xf32, #tpu.memory_space<vmem>> -> memref<16x64xf32, #tpu.memory_space<vmem>>
        tpu.enqueue_dma source(%dma_start3A_47 : memref<16x64xf32, #tpu.memory_space<vmem>>) target(%dma_start3A_44 : memref<16x64xf32, #tpu.memory_space<vmem_shared>>) target_semaphore(%run_scoped3A : memref<!tpu.dma_semaphore, #tpu.memory_space<semaphore_mem>>)
        %dma_wait3A = arith.constant 0 : i32
        %dma_wait3A_48 = arith.constant 0 : i32
        %dma_wait3A_49 = tpu.memref_slice %arg10[%dma_wait3A, %dma_wait3A_48] : memref<208x64xf32, #tpu.memory_space<vmem>> -> memref<16x64xf32, #tpu.memory_space<vmem>>
        %dma_wait3A_50 = arith.constant 9984 : i32
        %dma_wait3A_51 = arith.constant 0 : i32
        %dma_wait3A_52 = tpu.memref_slice %arg11[%dma_wait3A_50, %dma_wait3A_51] : memref<10000x64xf32, #tpu.memory_space<vmem_shared>> -> memref<16x64xf32, #tpu.memory_space<vmem_shared>>
        %dma_wait3A_53 = arith.constant 9984 : i32
        %dma_wait3A_54 = arith.constant 0 : i32
        %dma_wait3A_55 = tpu.memref_slice %arg11[%dma_wait3A_53, %dma_wait3A_54] : memref<10000x64xf32, #tpu.memory_space<vmem_shared>> -> memref<16x64xf32, #tpu.memory_space<vmem_shared>>
        %dma_wait3A_56 = arith.constant 0 : i32
        %dma_wait3A_57 = arith.constant 0 : i32
        %dma_wait3A_58 = tpu.memref_slice %arg10[%dma_wait3A_56, %dma_wait3A_57] : memref<208x64xf32, #tpu.memory_space<vmem>> -> memref<16x64xf32, #tpu.memory_space<vmem>>
        tpu.wait_dma2 semaphore(%run_scoped3A : memref<!tpu.dma_semaphore, #tpu.memory_space<semaphore_mem>>) src(%dma_wait3A_58 : memref<16x64xf32, #tpu.memory_space<vmem>>) dst(%dma_wait3A_55 : memref<16x64xf32, #tpu.memory_space<vmem_shared>>)
        tpu.yield
      }) : () -> ()
    } else {
    }
    %barrier3A = arith.constant 0 : index
    tpu.barrier barrier_id(%barrier3A)
    "tpu.region"() ({
      %run_scoped3A = tpu.sem_alloc : memref<!tpu.dma_semaphore, #tpu.memory_space<semaphore_mem>>
      %dma_start3A = arith.constant 0 : i32
      %dma_start3A_37 = arith.constant 0 : i32
      %dma_start3A_38 = tpu.memref_slice %arg4[%arg1, %dma_start3A, %dma_start3A_37] : memref<16x250x80xi32, #tpu.memory_space<hbm>> -> memref<1x250x80xi32, #tpu.memory_space<hbm>>
      %dma_start3A_39 = tpu.memref_squeeze %dma_start3A_38 : memref<1x250x80xi32, #tpu.memory_space<hbm>> -> memref<250x80xi32, #tpu.memory_space<hbm>>
      %dma_start3A_40 = arith.constant 0 : i32
      %dma_start3A_41 = arith.constant 0 : i32
      %dma_start3A_42 = tpu.memref_slice %arg4[%arg1, %dma_start3A_40, %dma_start3A_41] : memref<16x250x80xi32, #tpu.memory_space<hbm>> -> memref<1x250x80xi32, #tpu.memory_space<hbm>>
      %dma_start3A_43 = tpu.memref_squeeze %dma_start3A_42 : memref<1x250x80xi32, #tpu.memory_space<hbm>> -> memref<250x80xi32, #tpu.memory_space<hbm>>
      tpu.enqueue_dma source(%dma_start3A_43 : memref<250x80xi32, #tpu.memory_space<hbm>>) target(%arg7 : memref<250x80xi32, #tpu.memory_space<vmem>>) target_semaphore(%run_scoped3A : memref<!tpu.dma_semaphore, #tpu.memory_space<semaphore_mem>>)
      %dma_wait3A = arith.constant 0 : i32
      %dma_wait3A_44 = arith.constant 0 : i32
      %dma_wait3A_45 = tpu.memref_slice %arg4[%arg1, %dma_wait3A, %dma_wait3A_44] : memref<16x250x80xi32, #tpu.memory_space<hbm>> -> memref<1x250x80xi32, #tpu.memory_space<hbm>>
      %dma_wait3A_46 = tpu.memref_squeeze %dma_wait3A_45 : memref<1x250x80xi32, #tpu.memory_space<hbm>> -> memref<250x80xi32, #tpu.memory_space<hbm>>
      %dma_wait3A_47 = arith.constant 0 : i32
      %dma_wait3A_48 = arith.constant 0 : i32
      %dma_wait3A_49 = tpu.memref_slice %arg4[%arg1, %dma_wait3A_47, %dma_wait3A_48] : memref<16x250x80xi32, #tpu.memory_space<hbm>> -> memref<1x250x80xi32, #tpu.memory_space<hbm>>
      %dma_wait3A_50 = tpu.memref_squeeze %dma_wait3A_49 : memref<1x250x80xi32, #tpu.memory_space<hbm>> -> memref<250x80xi32, #tpu.memory_space<hbm>>
      tpu.wait_dma2 semaphore(%run_scoped3A : memref<!tpu.dma_semaphore, #tpu.memory_space<semaphore_mem>>) src(%dma_wait3A_50 : memref<250x80xi32, #tpu.memory_space<hbm>>) dst(%arg7 : memref<250x80xi32, #tpu.memory_space<vmem>>)
      tpu.yield
    }) : () -> ()
    "tpu.region"() ({
      %run_scoped3A = tpu.sem_alloc : memref<!tpu.dma_semaphore, #tpu.memory_space<semaphore_mem>>
      %dma_start3A = arith.constant 0 : i32
      %dma_start3A_37 = arith.constant 0 : i32
      %dma_start3A_38 = tpu.memref_slice %arg5[%arg1, %dma_start3A, %dma_start3A_37] : memref<16x250x80xi32, #tpu.memory_space<hbm>> -> memref<1x250x80xi32, #tpu.memory_space<hbm>>
      %dma_start3A_39 = tpu.memref_squeeze %dma_start3A_38 : memref<1x250x80xi32, #tpu.memory_space<hbm>> -> memref<250x80xi32, #tpu.memory_space<hbm>>
      %dma_start3A_40 = arith.constant 0 : i32
      %dma_start3A_41 = arith.constant 0 : i32
      %dma_start3A_42 = tpu.memref_slice %arg5[%arg1, %dma_start3A_40, %dma_start3A_41] : memref<16x250x80xi32, #tpu.memory_space<hbm>> -> memref<1x250x80xi32, #tpu.memory_space<hbm>>
      %dma_start3A_43 = tpu.memref_squeeze %dma_start3A_42 : memref<1x250x80xi32, #tpu.memory_space<hbm>> -> memref<250x80xi32, #tpu.memory_space<hbm>>
      tpu.enqueue_dma source(%dma_start3A_43 : memref<250x80xi32, #tpu.memory_space<hbm>>) target(%arg8 : memref<250x80xi32, #tpu.memory_space<vmem>>) target_semaphore(%run_scoped3A : memref<!tpu.dma_semaphore, #tpu.memory_space<semaphore_mem>>)
      %dma_wait3A = arith.constant 0 : i32
      %dma_wait3A_44 = arith.constant 0 : i32
      %dma_wait3A_45 = tpu.memref_slice %arg5[%arg1, %dma_wait3A, %dma_wait3A_44] : memref<16x250x80xi32, #tpu.memory_space<hbm>> -> memref<1x250x80xi32, #tpu.memory_space<hbm>>
      %dma_wait3A_46 = tpu.memref_squeeze %dma_wait3A_45 : memref<1x250x80xi32, #tpu.memory_space<hbm>> -> memref<250x80xi32, #tpu.memory_space<hbm>>
      %dma_wait3A_47 = arith.constant 0 : i32
      %dma_wait3A_48 = arith.constant 0 : i32
      %dma_wait3A_49 = tpu.memref_slice %arg5[%arg1, %dma_wait3A_47, %dma_wait3A_48] : memref<16x250x80xi32, #tpu.memory_space<hbm>> -> memref<1x250x80xi32, #tpu.memory_space<hbm>>
      %dma_wait3A_50 = tpu.memref_squeeze %dma_wait3A_49 : memref<1x250x80xi32, #tpu.memory_space<hbm>> -> memref<250x80xi32, #tpu.memory_space<hbm>>
      tpu.wait_dma2 semaphore(%run_scoped3A : memref<!tpu.dma_semaphore, #tpu.memory_space<semaphore_mem>>) src(%dma_wait3A_50 : memref<250x80xi32, #tpu.memory_space<hbm>>) dst(%arg8 : memref<250x80xi32, #tpu.memory_space<vmem>>)
      tpu.yield
    }) : () -> ()
    %eq3A_17 = arith.constant 0 : i32
    %eq3A_18 = arith.cmpi eq, %arg0, %eq3A_17 : i32
    %convert_element_type3A_19 = arith.extui %eq3A_18 : i1 to i32
    %cond3A_20 = arith.constant 0 : i32
    %cond3A_21 = arith.cmpi ne, %convert_element_type3A_19, %cond3A_20 : i32
    scf.if %cond3A_21 {
      %scan3A_37 = arith.constant 0 : i32
      %scan3A_38 = arith.constant 0 : i32
      %scan3A_39 = arith.constant 250 : i32
      %scan3A_40 = arith.addi %scan3A_38, %scan3A_39 : i32
      %scan3A_41 = arith.constant 1 : i32
      scf.for %scan3A_43 = %scan3A_38 to %scan3A_40 step %scan3A_41  : i32 {
        %dma_start3A = arith.constant 0 : i32
        %dma_start3A_44 = tpu.memref_slice %arg7[%scan3A_43, %dma_start3A] : memref<250x80xi32, #tpu.memory_space<vmem>> -> memref<1x80xi32, #tpu.memory_space<vmem>>
        %dma_start3A_45 = tpu.memref_squeeze %dma_start3A_44 : memref<1x80xi32, #tpu.memory_space<vmem>> -> memref<80xi32, #tpu.memory_space<vmem>>
        %dma_start3A_46 = arith.constant 0 : i32
        %dma_start3A_47 = arith.constant 0 : i32
        %dma_start3A_48 = tpu.memref_slice %arg2[%dma_start3A_46, %dma_start3A_47] : memref<10000x64xf32, #tpu.memory_space<hbm>> -> memref<10000x64xf32, #tpu.memory_space<hbm>>
        tpu.enqueue_indirect_dma source(%dma_start3A_48 : memref<10000x64xf32, #tpu.memory_space<hbm>>) target(%arg9 : memref<80x64xf32, #tpu.memory_space<vmem>>) offsets(%dma_start3A_45 : memref<80xi32, #tpu.memory_space<vmem>>) semaphore(%arg12 : memref<!tpu.dma_semaphore, #tpu.memory_space<semaphore_mem>>)
        %dma_wait3A = arith.constant 0 : i32
        %dma_wait3A_49 = tpu.memref_slice %arg7[%scan3A_43, %dma_wait3A] : memref<250x80xi32, #tpu.memory_space<vmem>> -> memref<1x80xi32, #tpu.memory_space<vmem>>
        %dma_wait3A_50 = tpu.memref_squeeze %dma_wait3A_49 : memref<1x80xi32, #tpu.memory_space<vmem>> -> memref<80xi32, #tpu.memory_space<vmem>>
        %dma_wait3A_51 = arith.constant 0 : i32
        %dma_wait3A_52 = arith.constant 0 : i32
        %dma_wait3A_53 = tpu.memref_slice %arg2[%dma_wait3A_51, %dma_wait3A_52] : memref<10000x64xf32, #tpu.memory_space<hbm>> -> memref<10000x64xf32, #tpu.memory_space<hbm>>
        tpu.wait_indirect_dma semaphore(%arg12 : memref<!tpu.dma_semaphore, #tpu.memory_space<semaphore_mem>>) src(%dma_wait3A_53 : memref<10000x64xf32, #tpu.memory_space<hbm>>) dst(%arg9 : memref<80x64xf32, #tpu.memory_space<vmem>>)
        "tpu.region"() ({
          %run_scoped3A = tpu.sem_alloc : memref<!tpu.dma_semaphore, #tpu.memory_space<semaphore_mem>>
          %dma_start3A_54 = arith.constant 0 : i32
          %dma_start3A_55 = tpu.memref_slice %arg8[%scan3A_43, %dma_start3A_54] : memref<250x80xi32, #tpu.memory_space<vmem>> -> memref<1x80xi32, #tpu.memory_space<vmem>>
          %dma_start3A_56 = tpu.memref_squeeze %dma_start3A_55 : memref<1x80xi32, #tpu.memory_space<vmem>> -> memref<80xi32, #tpu.memory_space<vmem>>
          %dma_start3A_57 = arith.constant 0 : i32
          %dma_start3A_58 = arith.constant 0 : i32
          %dma_start3A_59 = tpu.memref_slice %arg11[%dma_start3A_57, %dma_start3A_58] : memref<10000x64xf32, #tpu.memory_space<vmem_shared>> -> memref<10000x64xf32, #tpu.memory_space<vmem_shared>>
          tpu.enqueue_indirect_dma source(%arg9 : memref<80x64xf32, #tpu.memory_space<vmem>>) target(%dma_start3A_59 : memref<10000x64xf32, #tpu.memory_space<vmem_shared>>) offsets(%dma_start3A_56 : memref<80xi32, #tpu.memory_space<vmem>>) semaphore(%run_scoped3A : memref<!tpu.dma_semaphore, #tpu.memory_space<semaphore_mem>>) {add = true}
          %dma_wait3A_60 = arith.constant 0 : i32
          %dma_wait3A_61 = tpu.memref_slice %arg8[%scan3A_43, %dma_wait3A_60] : memref<250x80xi32, #tpu.memory_space<vmem>> -> memref<1x80xi32, #tpu.memory_space<vmem>>
          %dma_wait3A_62 = tpu.memref_squeeze %dma_wait3A_61 : memref<1x80xi32, #tpu.memory_space<vmem>> -> memref<80xi32, #tpu.memory_space<vmem>>
          %dma_wait3A_63 = arith.constant 0 : i32
          %dma_wait3A_64 = arith.constant 0 : i32
          %dma_wait3A_65 = tpu.memref_slice %arg11[%dma_wait3A_63, %dma_wait3A_64] : memref<10000x64xf32, #tpu.memory_space<vmem_shared>> -> memref<10000x64xf32, #tpu.memory_space<vmem_shared>>
          tpu.wait_indirect_dma semaphore(%run_scoped3A : memref<!tpu.dma_semaphore, #tpu.memory_space<semaphore_mem>>) src(%arg9 : memref<80x64xf32, #tpu.memory_space<vmem>>) dst(%dma_wait3A_65 : memref<10000x64xf32, #tpu.memory_space<vmem_shared>>)
          tpu.yield
        }) : () -> ()
      }
      %scan3A_42 = arith.constant 250 : i32
    } else {
    }
    %eq3A_22 = arith.constant 1 : i32
    %eq3A_23 = arith.cmpi eq, %arg0, %eq3A_22 : i32
    %convert_element_type3A_24 = arith.extui %eq3A_23 : i1 to i32
    %cond3A_25 = arith.constant 0 : i32
    %cond3A_26 = arith.cmpi ne, %convert_element_type3A_24, %cond3A_25 : i32
    scf.if %cond3A_26 {
      %scan3A_37 = arith.constant 0 : i32
      %scan3A_38 = arith.constant 0 : i32
      %scan3A_39 = arith.constant 250 : i32
      %scan3A_40 = arith.addi %scan3A_38, %scan3A_39 : i32
      %scan3A_41 = arith.constant 1 : i32
      scf.for %scan3A_43 = %scan3A_38 to %scan3A_40 step %scan3A_41  : i32 {
        %dma_start3A = arith.constant 0 : i32
        %dma_start3A_44 = tpu.memref_slice %arg7[%scan3A_43, %dma_start3A] : memref<250x80xi32, #tpu.memory_space<vmem>> -> memref<1x80xi32, #tpu.memory_space<vmem>>
        %dma_start3A_45 = tpu.memref_squeeze %dma_start3A_44 : memref<1x80xi32, #tpu.memory_space<vmem>> -> memref<80xi32, #tpu.memory_space<vmem>>
        %dma_start3A_46 = arith.constant 0 : i32
        %dma_start3A_47 = arith.constant 0 : i32
        %dma_start3A_48 = tpu.memref_slice %arg3[%dma_start3A_46, %dma_start3A_47] : memref<10000x64xf32, #tpu.memory_space<hbm>> -> memref<10000x64xf32, #tpu.memory_space<hbm>>
        tpu.enqueue_indirect_dma source(%dma_start3A_48 : memref<10000x64xf32, #tpu.memory_space<hbm>>) target(%arg9 : memref<80x64xf32, #tpu.memory_space<vmem>>) offsets(%dma_start3A_45 : memref<80xi32, #tpu.memory_space<vmem>>) semaphore(%arg12 : memref<!tpu.dma_semaphore, #tpu.memory_space<semaphore_mem>>)
        %dma_wait3A = arith.constant 0 : i32
        %dma_wait3A_49 = tpu.memref_slice %arg7[%scan3A_43, %dma_wait3A] : memref<250x80xi32, #tpu.memory_space<vmem>> -> memref<1x80xi32, #tpu.memory_space<vmem>>
        %dma_wait3A_50 = tpu.memref_squeeze %dma_wait3A_49 : memref<1x80xi32, #tpu.memory_space<vmem>> -> memref<80xi32, #tpu.memory_space<vmem>>
        %dma_wait3A_51 = arith.constant 0 : i32
        %dma_wait3A_52 = arith.constant 0 : i32
        %dma_wait3A_53 = tpu.memref_slice %arg3[%dma_wait3A_51, %dma_wait3A_52] : memref<10000x64xf32, #tpu.memory_space<hbm>> -> memref<10000x64xf32, #tpu.memory_space<hbm>>
        tpu.wait_indirect_dma semaphore(%arg12 : memref<!tpu.dma_semaphore, #tpu.memory_space<semaphore_mem>>) src(%dma_wait3A_53 : memref<10000x64xf32, #tpu.memory_space<hbm>>) dst(%arg9 : memref<80x64xf32, #tpu.memory_space<vmem>>)
        "tpu.region"() ({
          %run_scoped3A = tpu.sem_alloc : memref<!tpu.dma_semaphore, #tpu.memory_space<semaphore_mem>>
          %dma_start3A_54 = arith.constant 0 : i32
          %dma_start3A_55 = tpu.memref_slice %arg8[%scan3A_43, %dma_start3A_54] : memref<250x80xi32, #tpu.memory_space<vmem>> -> memref<1x80xi32, #tpu.memory_space<vmem>>
          %dma_start3A_56 = tpu.memref_squeeze %dma_start3A_55 : memref<1x80xi32, #tpu.memory_space<vmem>> -> memref<80xi32, #tpu.memory_space<vmem>>
          %dma_start3A_57 = arith.constant 0 : i32
          %dma_start3A_58 = arith.constant 0 : i32
          %dma_start3A_59 = tpu.memref_slice %arg11[%dma_start3A_57, %dma_start3A_58] : memref<10000x64xf32, #tpu.memory_space<vmem_shared>> -> memref<10000x64xf32, #tpu.memory_space<vmem_shared>>
          tpu.enqueue_indirect_dma source(%arg9 : memref<80x64xf32, #tpu.memory_space<vmem>>) target(%dma_start3A_59 : memref<10000x64xf32, #tpu.memory_space<vmem_shared>>) offsets(%dma_start3A_56 : memref<80xi32, #tpu.memory_space<vmem>>) semaphore(%run_scoped3A : memref<!tpu.dma_semaphore, #tpu.memory_space<semaphore_mem>>) {add = true}
          %dma_wait3A_60 = arith.constant 0 : i32
          %dma_wait3A_61 = tpu.memref_slice %arg8[%scan3A_43, %dma_wait3A_60] : memref<250x80xi32, #tpu.memory_space<vmem>> -> memref<1x80xi32, #tpu.memory_space<vmem>>
          %dma_wait3A_62 = tpu.memref_squeeze %dma_wait3A_61 : memref<1x80xi32, #tpu.memory_space<vmem>> -> memref<80xi32, #tpu.memory_space<vmem>>
          %dma_wait3A_63 = arith.constant 0 : i32
          %dma_wait3A_64 = arith.constant 0 : i32
          %dma_wait3A_65 = tpu.memref_slice %arg11[%dma_wait3A_63, %dma_wait3A_64] : memref<10000x64xf32, #tpu.memory_space<vmem_shared>> -> memref<10000x64xf32, #tpu.memory_space<vmem_shared>>
          tpu.wait_indirect_dma semaphore(%run_scoped3A : memref<!tpu.dma_semaphore, #tpu.memory_space<semaphore_mem>>) src(%arg9 : memref<80x64xf32, #tpu.memory_space<vmem>>) dst(%dma_wait3A_65 : memref<10000x64xf32, #tpu.memory_space<vmem_shared>>)
          tpu.yield
        }) : () -> ()
      }
      %scan3A_42 = arith.constant 250 : i32
    } else {
    }
    %barrier3A_27 = arith.constant 0 : index
    tpu.barrier barrier_id(%barrier3A_27)
    %mul3A_28 = arith.constant 624 : i32
    %mul3A_29 = arith.muli %arg1, %mul3A_28 : i32
    %mul3A_30 = arith.constant 624 : i32
    %mul3A_31 = arith.muli %arg1, %mul3A_30 : i32
    "tpu.region"() ({
      %run_scoped3A = tpu.sem_alloc : memref<!tpu.dma_semaphore, #tpu.memory_space<semaphore_mem>>
      %dma_start3A = arith.constant 0 : i32
      %dma_start3A_37 = tpu.memref_slice %arg6[%arg0, %mul3A_31, %dma_start3A] : memref<2x10000x64xf32, #tpu.memory_space<hbm>> -> memref<1x624x64xf32, #tpu.memory_space<hbm>>
      %dma_start3A_38 = tpu.memref_squeeze %dma_start3A_37 : memref<1x624x64xf32, #tpu.memory_space<hbm>> -> memref<624x64xf32, #tpu.memory_space<hbm>>
      %dma_start3A_39 = arith.constant 0 : i32
      %dma_start3A_40 = tpu.memref_slice %arg11[%mul3A_29, %dma_start3A_39] : memref<10000x64xf32, #tpu.memory_space<vmem_shared>> -> memref<624x64xf32, #tpu.memory_space<vmem_shared>>
      tpu.enqueue_dma source(%dma_start3A_40 : memref<624x64xf32, #tpu.memory_space<vmem_shared>>) target(%dma_start3A_38 : memref<624x64xf32, #tpu.memory_space<hbm>>) target_semaphore(%run_scoped3A : memref<!tpu.dma_semaphore, #tpu.memory_space<semaphore_mem>>)
      %dma_wait3A = arith.constant 0 : i32
      %dma_wait3A_41 = tpu.memref_slice %arg6[%arg0, %mul3A_31, %dma_wait3A] : memref<2x10000x64xf32, #tpu.memory_space<hbm>> -> memref<1x624x64xf32, #tpu.memory_space<hbm>>
      %dma_wait3A_42 = tpu.memref_squeeze %dma_wait3A_41 : memref<1x624x64xf32, #tpu.memory_space<hbm>> -> memref<624x64xf32, #tpu.memory_space<hbm>>
      %dma_wait3A_43 = arith.constant 0 : i32
      %dma_wait3A_44 = tpu.memref_slice %arg11[%mul3A_29, %dma_wait3A_43] : memref<10000x64xf32, #tpu.memory_space<vmem_shared>> -> memref<624x64xf32, #tpu.memory_space<vmem_shared>>
      tpu.wait_dma2 semaphore(%run_scoped3A : memref<!tpu.dma_semaphore, #tpu.memory_space<semaphore_mem>>) src(%dma_wait3A_44 : memref<624x64xf32, #tpu.memory_space<vmem_shared>>) dst(%dma_wait3A_42 : memref<624x64xf32, #tpu.memory_space<hbm>>)
      tpu.yield
    }) : () -> ()
    %eq3A_32 = arith.constant 15 : i32
    %eq3A_33 = arith.cmpi eq, %arg1, %eq3A_32 : i32
    %convert_element_type3A_34 = arith.extui %eq3A_33 : i1 to i32
    %cond3A_35 = arith.constant 0 : i32
    %cond3A_36 = arith.cmpi ne, %convert_element_type3A_34, %cond3A_35 : i32
    scf.if %cond3A_36 {
      "tpu.region"() ({
        %run_scoped3A = tpu.sem_alloc : memref<!tpu.dma_semaphore, #tpu.memory_space<semaphore_mem>>
        %dma_start3A = arith.constant 9984 : i32
        %dma_start3A_37 = arith.constant 0 : i32
        %dma_start3A_38 = tpu.memref_slice %arg6[%arg0, %dma_start3A, %dma_start3A_37] : memref<2x10000x64xf32, #tpu.memory_space<hbm>> -> memref<1x16x64xf32, #tpu.memory_space<hbm>>
        %dma_start3A_39 = tpu.memref_squeeze %dma_start3A_38 : memref<1x16x64xf32, #tpu.memory_space<hbm>> -> memref<16x64xf32, #tpu.memory_space<hbm>>
        %dma_start3A_40 = arith.constant 9984 : i32
        %dma_start3A_41 = arith.constant 0 : i32
        %dma_start3A_42 = tpu.memref_slice %arg11[%dma_start3A_40, %dma_start3A_41] : memref<10000x64xf32, #tpu.memory_space<vmem_shared>> -> memref<16x64xf32, #tpu.memory_space<vmem_shared>>
        tpu.enqueue_dma source(%dma_start3A_42 : memref<16x64xf32, #tpu.memory_space<vmem_shared>>) target(%dma_start3A_39 : memref<16x64xf32, #tpu.memory_space<hbm>>) target_semaphore(%run_scoped3A : memref<!tpu.dma_semaphore, #tpu.memory_space<semaphore_mem>>)
        %dma_wait3A = arith.constant 9984 : i32
        %dma_wait3A_43 = arith.constant 0 : i32
        %dma_wait3A_44 = tpu.memref_slice %arg6[%arg0, %dma_wait3A, %dma_wait3A_43] : memref<2x10000x64xf32, #tpu.memory_space<hbm>> -> memref<1x16x64xf32, #tpu.memory_space<hbm>>
        %dma_wait3A_45 = tpu.memref_squeeze %dma_wait3A_44 : memref<1x16x64xf32, #tpu.memory_space<hbm>> -> memref<16x64xf32, #tpu.memory_space<hbm>>
        %dma_wait3A_46 = arith.constant 9984 : i32
        %dma_wait3A_47 = arith.constant 0 : i32
        %dma_wait3A_48 = tpu.memref_slice %arg11[%dma_wait3A_46, %dma_wait3A_47] : memref<10000x64xf32, #tpu.memory_space<vmem_shared>> -> memref<16x64xf32, #tpu.memory_space<vmem_shared>>
        tpu.wait_dma2 semaphore(%run_scoped3A : memref<!tpu.dma_semaphore, #tpu.memory_space<semaphore_mem>>) src(%dma_wait3A_48 : memref<16x64xf32, #tpu.memory_space<vmem_shared>>) dst(%dma_wait3A_45 : memref<16x64xf32, #tpu.memory_space<hbm>>)
        tpu.yield
      }) : () -> ()
    } else {
    }
    return
  }
}

#map = affine_map<(d0, d1) -> (0, 0)>
#map1 = affine_map<(d0, d1) -> (0, 0, 0)>
module attributes {stable_mosaic.version = 14 : i64} {
  func.func @_agg_kernel(%arg0: i32, %arg1: i32, %arg2: memref<10000x64xf32, #tpu.memory_space<hbm>>, %arg3: memref<10000x64xf32, #tpu.memory_space<hbm>>, %arg4: memref<16x250x80xi32, #tpu.memory_space<hbm>>, %arg5: memref<16x250x80xi32, #tpu.memory_space<hbm>>, %arg6: memref<2x10000x64xf32, #tpu.memory_space<hbm>>, %arg7: memref<250x80xi32, #tpu.memory_space<vmem>>, %arg8: memref<250x80xi32, #tpu.memory_space<vmem>>, %arg9: memref<80x64xf32, #tpu.memory_space<vmem>>, %arg10: memref<208x64xf32, #tpu.memory_space<vmem>>, %arg11: memref<10000x64xf32, #tpu.memory_space<vmem_shared>>, %arg12: memref<!tpu.dma_semaphore, #tpu.memory_space<semaphore_mem>>) attributes {dimension_semantics = [#tpu.dimension_semantics<core_parallel>, #tpu.dimension_semantics<subcore_parallel>], iteration_bounds = array<i64: 2, 16>, scalar_prefetch = 0 : i64, scratch_operands = 6 : i64, tpu.core_type = #tpu.core_type<sc_vector_subcore>, window_params = [{transform_indices = #map}, {transform_indices = #map}, {transform_indices = #map1}, {transform_indices = #map1}, {transform_indices = #map1}]} {
    %scan3A = arith.constant 0 : i32
    %scan3A_0 = arith.constant 0 : i32
    %scan3A_1 = arith.constant 208 : i32
    %scan3A_2 = arith.addi %scan3A_0, %scan3A_1 : i32
    %scan3A_3 = arith.constant 1 : i32
    scf.for %scan3A_37 = %scan3A_0 to %scan3A_2 step %scan3A_3  : i32 {
      %broadcast_in_dim3A = arith.constant 0.000000e+00 : f32
      %broadcast_in_dim3A_38 = vector.broadcast %broadcast_in_dim3A : f32 to vector<16xf32>
      %swap3A = arith.index_cast %scan3A_37 : i32 to index
      %swap3A_39 = arith.constant 0 : index
      %swap3A_40 = tpu.vector_load %arg10[%swap3A, %swap3A_39] {strides = array<i32>} : memref<208x64xf32, #tpu.memory_space<vmem>>, vector<1x16xf32>,
      %swap3A_41 = vector.shape_cast %swap3A_40 : vector<1x16xf32> to vector<16xf32>
      %swap3A_42 = vector.shape_cast %broadcast_in_dim3A_38 : vector<16xf32> to vector<1x16xf32>
      tpu.vector_store %arg10[%swap3A, %swap3A_39], %swap3A_42 {strides = array<i32>} : memref<208x64xf32, #tpu.memory_space<vmem>>, vector<1x16xf32>,
      %broadcast_in_dim3A_43 = arith.constant 0.000000e+00 : f32
      %broadcast_in_dim3A_44 = vector.broadcast %broadcast_in_dim3A_43 : f32 to vector<16xf32>
      %swap3A_45 = arith.index_cast %scan3A_37 : i32 to index
      %swap3A_46 = arith.constant 16 : index
      %swap3A_47 = tpu.vector_load %arg10[%swap3A_45, %swap3A_46] {strides = array<i32>} : memref<208x64xf32, #tpu.memory_space<vmem>>, vector<1x16xf32>,
      %swap3A_48 = vector.shape_cast %swap3A_47 : vector<1x16xf32> to vector<16xf32>
      %swap3A_49 = vector.shape_cast %broadcast_in_dim3A_44 : vector<16xf32> to vector<1x16xf32>
      tpu.vector_store %arg10[%swap3A_45, %swap3A_46], %swap3A_49 {strides = array<i32>} : memref<208x64xf32, #tpu.memory_space<vmem>>, vector<1x16xf32>,
      %broadcast_in_dim3A_50 = arith.constant 0.000000e+00 : f32
      %broadcast_in_dim3A_51 = vector.broadcast %broadcast_in_dim3A_50 : f32 to vector<16xf32>
      %swap3A_52 = arith.index_cast %scan3A_37 : i32 to index
      %swap3A_53 = arith.constant 32 : index
      %swap3A_54 = tpu.vector_load %arg10[%swap3A_52, %swap3A_53] {strides = array<i32>} : memref<208x64xf32, #tpu.memory_space<vmem>>, vector<1x16xf32>,
      %swap3A_55 = vector.shape_cast %swap3A_54 : vector<1x16xf32> to vector<16xf32>
      %swap3A_56 = vector.shape_cast %broadcast_in_dim3A_51 : vector<16xf32> to vector<1x16xf32>
      tpu.vector_store %arg10[%swap3A_52, %swap3A_53], %swap3A_56 {strides = array<i32>} : memref<208x64xf32, #tpu.memory_space<vmem>>, vector<1x16xf32>,
      %broadcast_in_dim3A_57 = arith.constant 0.000000e+00 : f32
      %broadcast_in_dim3A_58 = vector.broadcast %broadcast_in_dim3A_57 : f32 to vector<16xf32>
      %swap3A_59 = arith.index_cast %scan3A_37 : i32 to index
      %swap3A_60 = arith.constant 48 : index
      %swap3A_61 = tpu.vector_load %arg10[%swap3A_59, %swap3A_60] {strides = array<i32>} : memref<208x64xf32, #tpu.memory_space<vmem>>, vector<1x16xf32>,
      %swap3A_62 = vector.shape_cast %swap3A_61 : vector<1x16xf32> to vector<16xf32>
      %swap3A_63 = vector.shape_cast %broadcast_in_dim3A_58 : vector<16xf32> to vector<1x16xf32>
      tpu.vector_store %arg10[%swap3A_59, %swap3A_60], %swap3A_63 {strides = array<i32>} : memref<208x64xf32, #tpu.memory_space<vmem>>, vector<1x16xf32>,
    }
    %scan3A_4 = arith.constant 208 : i32
    %mul3A = arith.constant 624 : i32
    %mul3A_5 = arith.muli %arg1, %mul3A : i32
    %add3A = arith.constant 0 : i32
    %add3A_6 = arith.addi %mul3A_5, %add3A : i32
    "tpu.region"() ({
      %run_scoped3A = tpu.sem_alloc : memref<!tpu.dma_semaphore, #tpu.memory_space<semaphore_mem>>
      %dma_start3A = arith.constant 0 : i32
      %dma_start3A_37 = tpu.memref_slice %arg11[%add3A_6, %dma_start3A] : memref<10000x64xf32, #tpu.memory_space<vmem_shared>> -> memref<208x64xf32, #tpu.memory_space<vmem_shared>>
      %dma_start3A_38 = arith.constant 0 : i32
      %dma_start3A_39 = tpu.memref_slice %arg11[%add3A_6, %dma_start3A_38] : memref<10000x64xf32, #tpu.memory_space<vmem_shared>> -> memref<208x64xf32, #tpu.memory_space<vmem_shared>>
      tpu.enqueue_dma source(%arg10 : memref<208x64xf32, #tpu.memory_space<vmem>>) target(%dma_start3A_39 : memref<208x64xf32, #tpu.memory_space<vmem_shared>>) target_semaphore(%run_scoped3A : memref<!tpu.dma_semaphore, #tpu.memory_space<semaphore_mem>>)
      %dma_wait3A = arith.constant 0 : i32
      %dma_wait3A_40 = tpu.memref_slice %arg11[%add3A_6, %dma_wait3A] : memref<10000x64xf32, #tpu.memory_space<vmem_shared>> -> memref<208x64xf32, #tpu.memory_space<vmem_shared>>
      %dma_wait3A_41 = arith.constant 0 : i32
      %dma_wait3A_42 = tpu.memref_slice %arg11[%add3A_6, %dma_wait3A_41] : memref<10000x64xf32, #tpu.memory_space<vmem_shared>> -> memref<208x64xf32, #tpu.memory_space<vmem_shared>>
      tpu.wait_dma2 semaphore(%run_scoped3A : memref<!tpu.dma_semaphore, #tpu.memory_space<semaphore_mem>>) src(%arg10 : memref<208x64xf32, #tpu.memory_space<vmem>>) dst(%dma_wait3A_42 : memref<208x64xf32, #tpu.memory_space<vmem_shared>>)
      tpu.yield
    }) : () -> ()
    %mul3A_7 = arith.constant 624 : i32
    %mul3A_8 = arith.muli %arg1, %mul3A_7 : i32
    %add3A_9 = arith.constant 208 : i32
    %add3A_10 = arith.addi %mul3A_8, %add3A_9 : i32
    "tpu.region"() ({
      %run_scoped3A = tpu.sem_alloc : memref<!tpu.dma_semaphore, #tpu.memory_space<semaphore_mem>>
      %dma_start3A = arith.constant 0 : i32
      %dma_start3A_37 = tpu.memref_slice %arg11[%add3A_10, %dma_start3A] : memref<10000x64xf32, #tpu.memory_space<vmem_shared>> -> memref<208x64xf32, #tpu.memory_space<vmem_shared>>
      %dma_start3A_38 = arith.constant 0 : i32
      %dma_start3A_39 = tpu.memref_slice %arg11[%add3A_10, %dma_start3A_38] : memref<10000x64xf32, #tpu.memory_space<vmem_shared>> -> memref<208x64xf32, #tpu.memory_space<vmem_shared>>
      tpu.enqueue_dma source(%arg10 : memref<208x64xf32, #tpu.memory_space<vmem>>) target(%dma_start3A_39 : memref<208x64xf32, #tpu.memory_space<vmem_shared>>) target_semaphore(%run_scoped3A : memref<!tpu.dma_semaphore, #tpu.memory_space<semaphore_mem>>)
      %dma_wait3A = arith.constant 0 : i32
      %dma_wait3A_40 = tpu.memref_slice %arg11[%add3A_10, %dma_wait3A] : memref<10000x64xf32, #tpu.memory_space<vmem_shared>> -> memref<208x64xf32, #tpu.memory_space<vmem_shared>>
      %dma_wait3A_41 = arith.constant 0 : i32
      %dma_wait3A_42 = tpu.memref_slice %arg11[%add3A_10, %dma_wait3A_41] : memref<10000x64xf32, #tpu.memory_space<vmem_shared>> -> memref<208x64xf32, #tpu.memory_space<vmem_shared>>
      tpu.wait_dma2 semaphore(%run_scoped3A : memref<!tpu.dma_semaphore, #tpu.memory_space<semaphore_mem>>) src(%arg10 : memref<208x64xf32, #tpu.memory_space<vmem>>) dst(%dma_wait3A_42 : memref<208x64xf32, #tpu.memory_space<vmem_shared>>)
      tpu.yield
    }) : () -> ()
    %mul3A_11 = arith.constant 624 : i32
    %mul3A_12 = arith.muli %arg1, %mul3A_11 : i32
    %add3A_13 = arith.constant 416 : i32
    %add3A_14 = arith.addi %mul3A_12, %add3A_13 : i32
    "tpu.region"() ({
      %run_scoped3A = tpu.sem_alloc : memref<!tpu.dma_semaphore, #tpu.memory_space<semaphore_mem>>
      %dma_start3A = arith.constant 0 : i32
      %dma_start3A_37 = tpu.memref_slice %arg11[%add3A_14, %dma_start3A] : memref<10000x64xf32, #tpu.memory_space<vmem_shared>> -> memref<208x64xf32, #tpu.memory_space<vmem_shared>>
      %dma_start3A_38 = arith.constant 0 : i32
      %dma_start3A_39 = tpu.memref_slice %arg11[%add3A_14, %dma_start3A_38] : memref<10000x64xf32, #tpu.memory_space<vmem_shared>> -> memref<208x64xf32, #tpu.memory_space<vmem_shared>>
      tpu.enqueue_dma source(%arg10 : memref<208x64xf32, #tpu.memory_space<vmem>>) target(%dma_start3A_39 : memref<208x64xf32, #tpu.memory_space<vmem_shared>>) target_semaphore(%run_scoped3A : memref<!tpu.dma_semaphore, #tpu.memory_space<semaphore_mem>>)
      %dma_wait3A = arith.constant 0 : i32
      %dma_wait3A_40 = tpu.memref_slice %arg11[%add3A_14, %dma_wait3A] : memref<10000x64xf32, #tpu.memory_space<vmem_shared>> -> memref<208x64xf32, #tpu.memory_space<vmem_shared>>
      %dma_wait3A_41 = arith.constant 0 : i32
      %dma_wait3A_42 = tpu.memref_slice %arg11[%add3A_14, %dma_wait3A_41] : memref<10000x64xf32, #tpu.memory_space<vmem_shared>> -> memref<208x64xf32, #tpu.memory_space<vmem_shared>>
      tpu.wait_dma2 semaphore(%run_scoped3A : memref<!tpu.dma_semaphore, #tpu.memory_space<semaphore_mem>>) src(%arg10 : memref<208x64xf32, #tpu.memory_space<vmem>>) dst(%dma_wait3A_42 : memref<208x64xf32, #tpu.memory_space<vmem_shared>>)
      tpu.yield
    }) : () -> ()
    %eq3A = arith.constant 15 : i32
    %eq3A_15 = arith.cmpi eq, %arg1, %eq3A : i32
    %convert_element_type3A = arith.extui %eq3A_15 : i1 to i32
    %cond3A = arith.constant 0 : i32
    %cond3A_16 = arith.cmpi ne, %convert_element_type3A, %cond3A : i32
    scf.if %cond3A_16 {
      "tpu.region"() ({
        %run_scoped3A = tpu.sem_alloc : memref<!tpu.dma_semaphore, #tpu.memory_space<semaphore_mem>>
        %dma_start3A = arith.constant 0 : i32
        %dma_start3A_37 = arith.constant 0 : i32
        %dma_start3A_38 = tpu.memref_slice %arg10[%dma_start3A, %dma_start3A_37] : memref<208x64xf32, #tpu.memory_space<vmem>> -> memref<16x64xf32, #tpu.memory_space<vmem>>
        %dma_start3A_39 = arith.constant 9984 : i32
        %dma_start3A_40 = arith.constant 0 : i32
        %dma_start3A_41 = tpu.memref_slice %arg11[%dma_start3A_39, %dma_start3A_40] : memref<10000x64xf32, #tpu.memory_space<vmem_shared>> -> memref<16x64xf32, #tpu.memory_space<vmem_shared>>
        %dma_start3A_42 = arith.constant 9984 : i32
        %dma_start3A_43 = arith.constant 0 : i32
        %dma_start3A_44 = tpu.memref_slice %arg11[%dma_start3A_42, %dma_start3A_43] : memref<10000x64xf32, #tpu.memory_space<vmem_shared>> -> memref<16x64xf32, #tpu.memory_space<vmem_shared>>
        %dma_start3A_45 = arith.constant 0 : i32
        %dma_start3A_46 = arith.constant 0 : i32
        %dma_start3A_47 = tpu.memref_slice %arg10[%dma_start3A_45, %dma_start3A_46] : memref<208x64xf32, #tpu.memory_space<vmem>> -> memref<16x64xf32, #tpu.memory_space<vmem>>
        tpu.enqueue_dma source(%dma_start3A_47 : memref<16x64xf32, #tpu.memory_space<vmem>>) target(%dma_start3A_44 : memref<16x64xf32, #tpu.memory_space<vmem_shared>>) target_semaphore(%run_scoped3A : memref<!tpu.dma_semaphore, #tpu.memory_space<semaphore_mem>>)
        %dma_wait3A = arith.constant 0 : i32
        %dma_wait3A_48 = arith.constant 0 : i32
        %dma_wait3A_49 = tpu.memref_slice %arg10[%dma_wait3A, %dma_wait3A_48] : memref<208x64xf32, #tpu.memory_space<vmem>> -> memref<16x64xf32, #tpu.memory_space<vmem>>
        %dma_wait3A_50 = arith.constant 9984 : i32
        %dma_wait3A_51 = arith.constant 0 : i32
        %dma_wait3A_52 = tpu.memref_slice %arg11[%dma_wait3A_50, %dma_wait3A_51] : memref<10000x64xf32, #tpu.memory_space<vmem_shared>> -> memref<16x64xf32, #tpu.memory_space<vmem_shared>>
        %dma_wait3A_53 = arith.constant 9984 : i32
        %dma_wait3A_54 = arith.constant 0 : i32
        %dma_wait3A_55 = tpu.memref_slice %arg11[%dma_wait3A_53, %dma_wait3A_54] : memref<10000x64xf32, #tpu.memory_space<vmem_shared>> -> memref<16x64xf32, #tpu.memory_space<vmem_shared>>
        %dma_wait3A_56 = arith.constant 0 : i32
        %dma_wait3A_57 = arith.constant 0 : i32
        %dma_wait3A_58 = tpu.memref_slice %arg10[%dma_wait3A_56, %dma_wait3A_57] : memref<208x64xf32, #tpu.memory_space<vmem>> -> memref<16x64xf32, #tpu.memory_space<vmem>>
        tpu.wait_dma2 semaphore(%run_scoped3A : memref<!tpu.dma_semaphore, #tpu.memory_space<semaphore_mem>>) src(%dma_wait3A_58 : memref<16x64xf32, #tpu.memory_space<vmem>>) dst(%dma_wait3A_55 : memref<16x64xf32, #tpu.memory_space<vmem_shared>>)
        tpu.yield
      }) : () -> ()
    } else {
    }
    %barrier3A = arith.constant 0 : index
    tpu.barrier barrier_id(%barrier3A)
    "tpu.region"() ({
      %run_scoped3A = tpu.sem_alloc : memref<!tpu.dma_semaphore, #tpu.memory_space<semaphore_mem>>
      %dma_start3A = arith.constant 0 : i32
      %dma_start3A_37 = arith.constant 0 : i32
      %dma_start3A_38 = tpu.memref_slice %arg4[%arg1, %dma_start3A, %dma_start3A_37] : memref<16x250x80xi32, #tpu.memory_space<hbm>> -> memref<1x250x80xi32, #tpu.memory_space<hbm>>
      %dma_start3A_39 = tpu.memref_squeeze %dma_start3A_38 : memref<1x250x80xi32, #tpu.memory_space<hbm>> -> memref<250x80xi32, #tpu.memory_space<hbm>>
      %dma_start3A_40 = arith.constant 0 : i32
      %dma_start3A_41 = arith.constant 0 : i32
      %dma_start3A_42 = tpu.memref_slice %arg4[%arg1, %dma_start3A_40, %dma_start3A_41] : memref<16x250x80xi32, #tpu.memory_space<hbm>> -> memref<1x250x80xi32, #tpu.memory_space<hbm>>
      %dma_start3A_43 = tpu.memref_squeeze %dma_start3A_42 : memref<1x250x80xi32, #tpu.memory_space<hbm>> -> memref<250x80xi32, #tpu.memory_space<hbm>>
      tpu.enqueue_dma source(%dma_start3A_43 : memref<250x80xi32, #tpu.memory_space<hbm>>) target(%arg7 : memref<250x80xi32, #tpu.memory_space<vmem>>) target_semaphore(%run_scoped3A : memref<!tpu.dma_semaphore, #tpu.memory_space<semaphore_mem>>)
      %dma_wait3A = arith.constant 0 : i32
      %dma_wait3A_44 = arith.constant 0 : i32
      %dma_wait3A_45 = tpu.memref_slice %arg4[%arg1, %dma_wait3A, %dma_wait3A_44] : memref<16x250x80xi32, #tpu.memory_space<hbm>> -> memref<1x250x80xi32, #tpu.memory_space<hbm>>
      %dma_wait3A_46 = tpu.memref_squeeze %dma_wait3A_45 : memref<1x250x80xi32, #tpu.memory_space<hbm>> -> memref<250x80xi32, #tpu.memory_space<hbm>>
      %dma_wait3A_47 = arith.constant 0 : i32
      %dma_wait3A_48 = arith.constant 0 : i32
      %dma_wait3A_49 = tpu.memref_slice %arg4[%arg1, %dma_wait3A_47, %dma_wait3A_48] : memref<16x250x80xi32, #tpu.memory_space<hbm>> -> memref<1x250x80xi32, #tpu.memory_space<hbm>>
      %dma_wait3A_50 = tpu.memref_squeeze %dma_wait3A_49 : memref<1x250x80xi32, #tpu.memory_space<hbm>> -> memref<250x80xi32, #tpu.memory_space<hbm>>
      tpu.wait_dma2 semaphore(%run_scoped3A : memref<!tpu.dma_semaphore, #tpu.memory_space<semaphore_mem>>) src(%dma_wait3A_50 : memref<250x80xi32, #tpu.memory_space<hbm>>) dst(%arg7 : memref<250x80xi32, #tpu.memory_space<vmem>>)
      tpu.yield
    }) : () -> ()
    "tpu.region"() ({
      %run_scoped3A = tpu.sem_alloc : memref<!tpu.dma_semaphore, #tpu.memory_space<semaphore_mem>>
      %dma_start3A = arith.constant 0 : i32
      %dma_start3A_37 = arith.constant 0 : i32
      %dma_start3A_38 = tpu.memref_slice %arg5[%arg1, %dma_start3A, %dma_start3A_37] : memref<16x250x80xi32, #tpu.memory_space<hbm>> -> memref<1x250x80xi32, #tpu.memory_space<hbm>>
      %dma_start3A_39 = tpu.memref_squeeze %dma_start3A_38 : memref<1x250x80xi32, #tpu.memory_space<hbm>> -> memref<250x80xi32, #tpu.memory_space<hbm>>
      %dma_start3A_40 = arith.constant 0 : i32
      %dma_start3A_41 = arith.constant 0 : i32
      %dma_start3A_42 = tpu.memref_slice %arg5[%arg1, %dma_start3A_40, %dma_start3A_41] : memref<16x250x80xi32, #tpu.memory_space<hbm>> -> memref<1x250x80xi32, #tpu.memory_space<hbm>>
      %dma_start3A_43 = tpu.memref_squeeze %dma_start3A_42 : memref<1x250x80xi32, #tpu.memory_space<hbm>> -> memref<250x80xi32, #tpu.memory_space<hbm>>
      tpu.enqueue_dma source(%dma_start3A_43 : memref<250x80xi32, #tpu.memory_space<hbm>>) target(%arg8 : memref<250x80xi32, #tpu.memory_space<vmem>>) target_semaphore(%run_scoped3A : memref<!tpu.dma_semaphore, #tpu.memory_space<semaphore_mem>>)
      %dma_wait3A = arith.constant 0 : i32
      %dma_wait3A_44 = arith.constant 0 : i32
      %dma_wait3A_45 = tpu.memref_slice %arg5[%arg1, %dma_wait3A, %dma_wait3A_44] : memref<16x250x80xi32, #tpu.memory_space<hbm>> -> memref<1x250x80xi32, #tpu.memory_space<hbm>>
      %dma_wait3A_46 = tpu.memref_squeeze %dma_wait3A_45 : memref<1x250x80xi32, #tpu.memory_space<hbm>> -> memref<250x80xi32, #tpu.memory_space<hbm>>
      %dma_wait3A_47 = arith.constant 0 : i32
      %dma_wait3A_48 = arith.constant 0 : i32
      %dma_wait3A_49 = tpu.memref_slice %arg5[%arg1, %dma_wait3A_47, %dma_wait3A_48] : memref<16x250x80xi32, #tpu.memory_space<hbm>> -> memref<1x250x80xi32, #tpu.memory_space<hbm>>
      %dma_wait3A_50 = tpu.memref_squeeze %dma_wait3A_49 : memref<1x250x80xi32, #tpu.memory_space<hbm>> -> memref<250x80xi32, #tpu.memory_space<hbm>>
      tpu.wait_dma2 semaphore(%run_scoped3A : memref<!tpu.dma_semaphore, #tpu.memory_space<semaphore_mem>>) src(%dma_wait3A_50 : memref<250x80xi32, #tpu.memory_space<hbm>>) dst(%arg8 : memref<250x80xi32, #tpu.memory_space<vmem>>)
      tpu.yield
    }) : () -> ()
    %eq3A_17 = arith.constant 0 : i32
    %eq3A_18 = arith.cmpi eq, %arg0, %eq3A_17 : i32
    %convert_element_type3A_19 = arith.extui %eq3A_18 : i1 to i32
    %cond3A_20 = arith.constant 0 : i32
    %cond3A_21 = arith.cmpi ne, %convert_element_type3A_19, %cond3A_20 : i32
    scf.if %cond3A_21 {
      %scan3A_37 = arith.constant 0 : i32
      %scan3A_38 = arith.constant 0 : i32
      %scan3A_39 = arith.constant 250 : i32
      %scan3A_40 = arith.addi %scan3A_38, %scan3A_39 : i32
      %scan3A_41 = arith.constant 1 : i32
      scf.for %scan3A_43 = %scan3A_38 to %scan3A_40 step %scan3A_41  : i32 {
        %dma_start3A = arith.constant 0 : i32
        %dma_start3A_44 = tpu.memref_slice %arg7[%scan3A_43, %dma_start3A] : memref<250x80xi32, #tpu.memory_space<vmem>> -> memref<1x80xi32, #tpu.memory_space<vmem>>
        %dma_start3A_45 = tpu.memref_squeeze %dma_start3A_44 : memref<1x80xi32, #tpu.memory_space<vmem>> -> memref<80xi32, #tpu.memory_space<vmem>>
        %dma_start3A_46 = arith.constant 0 : i32
        %dma_start3A_47 = arith.constant 0 : i32
        %dma_start3A_48 = tpu.memref_slice %arg2[%dma_start3A_46, %dma_start3A_47] : memref<10000x64xf32, #tpu.memory_space<hbm>> -> memref<10000x64xf32, #tpu.memory_space<hbm>>
        tpu.enqueue_indirect_dma source(%dma_start3A_48 : memref<10000x64xf32, #tpu.memory_space<hbm>>) target(%arg9 : memref<80x64xf32, #tpu.memory_space<vmem>>) offsets(%dma_start3A_45 : memref<80xi32, #tpu.memory_space<vmem>>) semaphore(%arg12 : memref<!tpu.dma_semaphore, #tpu.memory_space<semaphore_mem>>)
        %dma_wait3A = arith.constant 0 : i32
        %dma_wait3A_49 = tpu.memref_slice %arg7[%scan3A_43, %dma_wait3A] : memref<250x80xi32, #tpu.memory_space<vmem>> -> memref<1x80xi32, #tpu.memory_space<vmem>>
        %dma_wait3A_50 = tpu.memref_squeeze %dma_wait3A_49 : memref<1x80xi32, #tpu.memory_space<vmem>> -> memref<80xi32, #tpu.memory_space<vmem>>
        %dma_wait3A_51 = arith.constant 0 : i32
        %dma_wait3A_52 = arith.constant 0 : i32
        %dma_wait3A_53 = tpu.memref_slice %arg2[%dma_wait3A_51, %dma_wait3A_52] : memref<10000x64xf32, #tpu.memory_space<hbm>> -> memref<10000x64xf32, #tpu.memory_space<hbm>>
        tpu.wait_indirect_dma semaphore(%arg12 : memref<!tpu.dma_semaphore, #tpu.memory_space<semaphore_mem>>) src(%dma_wait3A_53 : memref<10000x64xf32, #tpu.memory_space<hbm>>) dst(%arg9 : memref<80x64xf32, #tpu.memory_space<vmem>>)
        "tpu.region"() ({
          %run_scoped3A = tpu.sem_alloc : memref<!tpu.dma_semaphore, #tpu.memory_space<semaphore_mem>>
          %dma_start3A_54 = arith.constant 0 : i32
          %dma_start3A_55 = tpu.memref_slice %arg8[%scan3A_43, %dma_start3A_54] : memref<250x80xi32, #tpu.memory_space<vmem>> -> memref<1x80xi32, #tpu.memory_space<vmem>>
          %dma_start3A_56 = tpu.memref_squeeze %dma_start3A_55 : memref<1x80xi32, #tpu.memory_space<vmem>> -> memref<80xi32, #tpu.memory_space<vmem>>
          %dma_start3A_57 = arith.constant 0 : i32
          %dma_start3A_58 = arith.constant 0 : i32
          %dma_start3A_59 = tpu.memref_slice %arg11[%dma_start3A_57, %dma_start3A_58] : memref<10000x64xf32, #tpu.memory_space<vmem_shared>> -> memref<10000x64xf32, #tpu.memory_space<vmem_shared>>
          tpu.enqueue_indirect_dma source(%arg9 : memref<80x64xf32, #tpu.memory_space<vmem>>) target(%dma_start3A_59 : memref<10000x64xf32, #tpu.memory_space<vmem_shared>>) offsets(%dma_start3A_56 : memref<80xi32, #tpu.memory_space<vmem>>) semaphore(%run_scoped3A : memref<!tpu.dma_semaphore, #tpu.memory_space<semaphore_mem>>) {add = true}
          %dma_wait3A_60 = arith.constant 0 : i32
          %dma_wait3A_61 = tpu.memref_slice %arg8[%scan3A_43, %dma_wait3A_60] : memref<250x80xi32, #tpu.memory_space<vmem>> -> memref<1x80xi32, #tpu.memory_space<vmem>>
          %dma_wait3A_62 = tpu.memref_squeeze %dma_wait3A_61 : memref<1x80xi32, #tpu.memory_space<vmem>> -> memref<80xi32, #tpu.memory_space<vmem>>
          %dma_wait3A_63 = arith.constant 0 : i32
          %dma_wait3A_64 = arith.constant 0 : i32
          %dma_wait3A_65 = tpu.memref_slice %arg11[%dma_wait3A_63, %dma_wait3A_64] : memref<10000x64xf32, #tpu.memory_space<vmem_shared>> -> memref<10000x64xf32, #tpu.memory_space<vmem_shared>>
          tpu.wait_indirect_dma semaphore(%run_scoped3A : memref<!tpu.dma_semaphore, #tpu.memory_space<semaphore_mem>>) src(%arg9 : memref<80x64xf32, #tpu.memory_space<vmem>>) dst(%dma_wait3A_65 : memref<10000x64xf32, #tpu.memory_space<vmem_shared>>)
          tpu.yield
        }) : () -> ()
      }
      %scan3A_42 = arith.constant 250 : i32
    } else {
    }
    %eq3A_22 = arith.constant 1 : i32
    %eq3A_23 = arith.cmpi eq, %arg0, %eq3A_22 : i32
    %convert_element_type3A_24 = arith.extui %eq3A_23 : i1 to i32
    %cond3A_25 = arith.constant 0 : i32
    %cond3A_26 = arith.cmpi ne, %convert_element_type3A_24, %cond3A_25 : i32
    scf.if %cond3A_26 {
      %scan3A_37 = arith.constant 0 : i32
      %scan3A_38 = arith.constant 0 : i32
      %scan3A_39 = arith.constant 250 : i32
      %scan3A_40 = arith.addi %scan3A_38, %scan3A_39 : i32
      %scan3A_41 = arith.constant 1 : i32
      scf.for %scan3A_43 = %scan3A_38 to %scan3A_40 step %scan3A_41  : i32 {
        %dma_start3A = arith.constant 0 : i32
        %dma_start3A_44 = tpu.memref_slice %arg7[%scan3A_43, %dma_start3A] : memref<250x80xi32, #tpu.memory_space<vmem>> -> memref<1x80xi32, #tpu.memory_space<vmem>>
        %dma_start3A_45 = tpu.memref_squeeze %dma_start3A_44 : memref<1x80xi32, #tpu.memory_space<vmem>> -> memref<80xi32, #tpu.memory_space<vmem>>
        %dma_start3A_46 = arith.constant 0 : i32
        %dma_start3A_47 = arith.constant 0 : i32
        %dma_start3A_48 = tpu.memref_slice %arg3[%dma_start3A_46, %dma_start3A_47] : memref<10000x64xf32, #tpu.memory_space<hbm>> -> memref<10000x64xf32, #tpu.memory_space<hbm>>
        tpu.enqueue_indirect_dma source(%dma_start3A_48 : memref<10000x64xf32, #tpu.memory_space<hbm>>) target(%arg9 : memref<80x64xf32, #tpu.memory_space<vmem>>) offsets(%dma_start3A_45 : memref<80xi32, #tpu.memory_space<vmem>>) semaphore(%arg12 : memref<!tpu.dma_semaphore, #tpu.memory_space<semaphore_mem>>)
        %dma_wait3A = arith.constant 0 : i32
        %dma_wait3A_49 = tpu.memref_slice %arg7[%scan3A_43, %dma_wait3A] : memref<250x80xi32, #tpu.memory_space<vmem>> -> memref<1x80xi32, #tpu.memory_space<vmem>>
        %dma_wait3A_50 = tpu.memref_squeeze %dma_wait3A_49 : memref<1x80xi32, #tpu.memory_space<vmem>> -> memref<80xi32, #tpu.memory_space<vmem>>
        %dma_wait3A_51 = arith.constant 0 : i32
        %dma_wait3A_52 = arith.constant 0 : i32
        %dma_wait3A_53 = tpu.memref_slice %arg3[%dma_wait3A_51, %dma_wait3A_52] : memref<10000x64xf32, #tpu.memory_space<hbm>> -> memref<10000x64xf32, #tpu.memory_space<hbm>>
        tpu.wait_indirect_dma semaphore(%arg12 : memref<!tpu.dma_semaphore, #tpu.memory_space<semaphore_mem>>) src(%dma_wait3A_53 : memref<10000x64xf32, #tpu.memory_space<hbm>>) dst(%arg9 : memref<80x64xf32, #tpu.memory_space<vmem>>)
        "tpu.region"() ({
          %run_scoped3A = tpu.sem_alloc : memref<!tpu.dma_semaphore, #tpu.memory_space<semaphore_mem>>
          %dma_start3A_54 = arith.constant 0 : i32
          %dma_start3A_55 = tpu.memref_slice %arg8[%scan3A_43, %dma_start3A_54] : memref<250x80xi32, #tpu.memory_space<vmem>> -> memref<1x80xi32, #tpu.memory_space<vmem>>
          %dma_start3A_56 = tpu.memref_squeeze %dma_start3A_55 : memref<1x80xi32, #tpu.memory_space<vmem>> -> memref<80xi32, #tpu.memory_space<vmem>>
          %dma_start3A_57 = arith.constant 0 : i32
          %dma_start3A_58 = arith.constant 0 : i32
          %dma_start3A_59 = tpu.memref_slice %arg11[%dma_start3A_57, %dma_start3A_58] : memref<10000x64xf32, #tpu.memory_space<vmem_shared>> -> memref<10000x64xf32, #tpu.memory_space<vmem_shared>>
          tpu.enqueue_indirect_dma source(%arg9 : memref<80x64xf32, #tpu.memory_space<vmem>>) target(%dma_start3A_59 : memref<10000x64xf32, #tpu.memory_space<vmem_shared>>) offsets(%dma_start3A_56 : memref<80xi32, #tpu.memory_space<vmem>>) semaphore(%run_scoped3A : memref<!tpu.dma_semaphore, #tpu.memory_space<semaphore_mem>>) {add = true}
          %dma_wait3A_60 = arith.constant 0 : i32
          %dma_wait3A_61 = tpu.memref_slice %arg8[%scan3A_43, %dma_wait3A_60] : memref<250x80xi32, #tpu.memory_space<vmem>> -> memref<1x80xi32, #tpu.memory_space<vmem>>
          %dma_wait3A_62 = tpu.memref_squeeze %dma_wait3A_61 : memref<1x80xi32, #tpu.memory_space<vmem>> -> memref<80xi32, #tpu.memory_space<vmem>>
          %dma_wait3A_63 = arith.constant 0 : i32
          %dma_wait3A_64 = arith.constant 0 : i32
          %dma_wait3A_65 = tpu.memref_slice %arg11[%dma_wait3A_63, %dma_wait3A_64] : memref<10000x64xf32, #tpu.memory_space<vmem_shared>> -> memref<10000x64xf32, #tpu.memory_space<vmem_shared>>
          tpu.wait_indirect_dma semaphore(%run_scoped3A : memref<!tpu.dma_semaphore, #tpu.memory_space<semaphore_mem>>) src(%arg9 : memref<80x64xf32, #tpu.memory_space<vmem>>) dst(%dma_wait3A_65 : memref<10000x64xf32, #tpu.memory_space<vmem_shared>>)
          tpu.yield
        }) : () -> ()
      }
      %scan3A_42 = arith.constant 250 : i32
    } else {
    }
    %barrier3A_27 = arith.constant 0 : index
    tpu.barrier barrier_id(%barrier3A_27)
    %mul3A_28 = arith.constant 624 : i32
    %mul3A_29 = arith.muli %arg1, %mul3A_28 : i32
    %mul3A_30 = arith.constant 624 : i32
    %mul3A_31 = arith.muli %arg1, %mul3A_30 : i32
    "tpu.region"() ({
      %run_scoped3A = tpu.sem_alloc : memref<!tpu.dma_semaphore, #tpu.memory_space<semaphore_mem>>
      %dma_start3A = arith.constant 0 : i32
      %dma_start3A_37 = tpu.memref_slice %arg6[%arg0, %mul3A_31, %dma_start3A] : memref<2x10000x64xf32, #tpu.memory_space<hbm>> -> memref<1x624x64xf32, #tpu.memory_space<hbm>>
      %dma_start3A_38 = tpu.memref_squeeze %dma_start3A_37 : memref<1x624x64xf32, #tpu.memory_space<hbm>> -> memref<624x64xf32, #tpu.memory_space<hbm>>
      %dma_start3A_39 = arith.constant 0 : i32
      %dma_start3A_40 = tpu.memref_slice %arg11[%mul3A_29, %dma_start3A_39] : memref<10000x64xf32, #tpu.memory_space<vmem_shared>> -> memref<624x64xf32, #tpu.memory_space<vmem_shared>>
      tpu.enqueue_dma source(%dma_start3A_40 : memref<624x64xf32, #tpu.memory_space<vmem_shared>>) target(%dma_start3A_38 : memref<624x64xf32, #tpu.memory_space<hbm>>) target_semaphore(%run_scoped3A : memref<!tpu.dma_semaphore, #tpu.memory_space<semaphore_mem>>)
      %dma_wait3A = arith.constant 0 : i32
      %dma_wait3A_41 = tpu.memref_slice %arg6[%arg0, %mul3A_31, %dma_wait3A] : memref<2x10000x64xf32, #tpu.memory_space<hbm>> -> memref<1x624x64xf32, #tpu.memory_space<hbm>>
      %dma_wait3A_42 = tpu.memref_squeeze %dma_wait3A_41 : memref<1x624x64xf32, #tpu.memory_space<hbm>> -> memref<624x64xf32, #tpu.memory_space<hbm>>
      %dma_wait3A_43 = arith.constant 0 : i32
      %dma_wait3A_44 = tpu.memref_slice %arg11[%mul3A_29, %dma_wait3A_43] : memref<10000x64xf32, #tpu.memory_space<vmem_shared>> -> memref<624x64xf32, #tpu.memory_space<vmem_shared>>
      tpu.wait_dma2 semaphore(%run_scoped3A : memref<!tpu.dma_semaphore, #tpu.memory_space<semaphore_mem>>) src(%dma_wait3A_44 : memref<624x64xf32, #tpu.memory_space<vmem_shared>>) dst(%dma_wait3A_42 : memref<624x64xf32, #tpu.memory_space<hbm>>)
      tpu.yield
    }) : () -> ()
    %eq3A_32 = arith.constant 15 : i32
    %eq3A_33 = arith.cmpi eq, %arg1, %eq3A_32 : i32
    %convert_element_type3A_34 = arith.extui %eq3A_33 : i1 to i32
    %cond3A_35 = arith.constant 0 : i32
    %cond3A_36 = arith.cmpi ne, %convert_element_type3A_34, %cond3A_35 : i32
    scf.if %cond3A_36 {
      "tpu.region"() ({
        %run_scoped3A = tpu.sem_alloc : memref<!tpu.dma_semaphore, #tpu.memory_space<semaphore_mem>>
        %dma_start3A = arith.constant 9984 : i32
        %dma_start3A_37 = arith.constant 0 : i32
        %dma_start3A_38 = tpu.memref_slice %arg6[%arg0, %dma_start3A, %dma_start3A_37] : memref<2x10000x64xf32, #tpu.memory_space<hbm>> -> memref<1x16x64xf32, #tpu.memory_space<hbm>>
        %dma_start3A_39 = tpu.memref_squeeze %dma_start3A_38 : memref<1x16x64xf32, #tpu.memory_space<hbm>> -> memref<16x64xf32, #tpu.memory_space<hbm>>
        %dma_start3A_40 = arith.constant 9984 : i32
        %dma_start3A_41 = arith.constant 0 : i32
        %dma_start3A_42 = tpu.memref_slice %arg11[%dma_start3A_40, %dma_start3A_41] : memref<10000x64xf32, #tpu.memory_space<vmem_shared>> -> memref<16x64xf32, #tpu.memory_space<vmem_shared>>
        tpu.enqueue_dma source(%dma_start3A_42 : memref<16x64xf32, #tpu.memory_space<vmem_shared>>) target(%dma_start3A_39 : memref<16x64xf32, #tpu.memory_space<hbm>>) target_semaphore(%run_scoped3A : memref<!tpu.dma_semaphore, #tpu.memory_space<semaphore_mem>>)
        %dma_wait3A = arith.constant 9984 : i32
        %dma_wait3A_43 = arith.constant 0 : i32
        %dma_wait3A_44 = tpu.memref_slice %arg6[%arg0, %dma_wait3A, %dma_wait3A_43] : memref<2x10000x64xf32, #tpu.memory_space<hbm>> -> memref<1x16x64xf32, #tpu.memory_space<hbm>>
        %dma_wait3A_45 = tpu.memref_squeeze %dma_wait3A_44 : memref<1x16x64xf32, #tpu.memory_space<hbm>> -> memref<16x64xf32, #tpu.memory_space<hbm>>
        %dma_wait3A_46 = arith.constant 9984 : i32
        %dma_wait3A_47 = arith.constant 0 : i32
        %dma_wait3A_48 = tpu.memref_slice %arg11[%dma_wait3A_46, %dma_wait3A_47] : memref<10000x64xf32, #tpu.memory_space<vmem_shared>> -> memref<16x64xf32, #tpu.memory_space<vmem_shared>>
        tpu.wait_dma2 semaphore(%run_scoped3A : memref<!tpu.dma_semaphore, #tpu.memory_space<semaphore_mem>>) src(%dma_wait3A_48 : memref<16x64xf32, #tpu.memory_space<vmem_shared>>) dst(%dma_wait3A_45 : memref<16x64xf32, #tpu.memory_space<hbm>>)
        tpu.yield
      }) : () -> ()
    } else {
    }
    return
  }
}

module attributes {stable_mosaic.version = 14 : i64} {
  func.func @_k1_body(%arg0: i32, %arg1: memref<2x1000x16xf32, #tpu.memory_space<vmem>>, %arg2: memref<1000x128xf32, #tpu.memory_space<vmem>>, %arg3: memref<128x128xf32, #tpu.memory_space<vmem>>, %arg4: memref<1000x64xf32, #tpu.memory_space<vmem>>, %arg5: memref<1000x64xf32, #tpu.memory_space<vmem>>) attributes {dimension_semantics = [#tpu.dimension_semantics<arbitrary>], iteration_bounds = array<i64: 10>, scalar_prefetch = 0 : i64, scratch_operands = 0 : i64, tpu.core_type = #tpu.core_type<tc>, window_params = [{transform_indices = @transform_0, window_bounds = array<i64: 2, 1000, 16>}, {transform_indices = @transform_1, window_bounds = array<i64: 1000, 128>}, {pipeline_mode = #tpu.pipeline_mode<synchronous>, transform_indices = @transform_2, window_bounds = array<i64: 128, 128>}, {transform_indices = @transform_3, window_bounds = array<i64: 1000, 64>}, {transform_indices = @transform_4, window_bounds = array<i64: 1000, 64>}]} {
    %get3A = arith.constant 0 : index
    %get3A_0 = arith.constant 0 : index
    %get3A_1 = arith.constant 0 : index
    %get3A_2 = vector.load %arg1[%get3A, %get3A_0, %get3A_1] : memref<2x1000x16xf32, #tpu.memory_space<vmem>>, vector<1x1000x1xf32>
    %get3A_3 = vector.shape_cast %get3A_2 : vector<1x1000x1xf32> to vector<1000x1xf32>
    %get3A_4 = arith.constant 1 : index
    %get3A_5 = arith.constant 0 : index
    %get3A_6 = arith.constant 0 : index
    %get3A_7 = vector.load %arg1[%get3A_4, %get3A_5, %get3A_6] : memref<2x1000x16xf32, #tpu.memory_space<vmem>>, vector<1x1000x1xf32>
    %get3A_8 = vector.shape_cast %get3A_7 : vector<1x1000x1xf32> to vector<1000x1xf32>
    %add3A = arith.addf %get3A_3, %get3A_8 : vector<1000x1xf32>
    %add3A_9 = arith.constant 1.000000e+00 : f32
    %add3A_10 = vector.broadcast %add3A_9 : f32 to vector<1000x1xf32>
    %add3A_11 = arith.addf %add3A, %add3A_10 : vector<1000x1xf32>
    %rsqrt3A = math.rsqrt %add3A_11 : vector<1000x1xf32>
    %get3A_12 = arith.constant 0 : index
    %get3A_13 = arith.constant 0 : index
    %get3A_14 = vector.load %arg2[%get3A_12, %get3A_13] : memref<1000x128xf32, #tpu.memory_space<vmem>>, vector<1000x128xf32>
    %get3A_15 = arith.constant 0 : index
    %get3A_16 = arith.constant 0 : index
    %get3A_17 = vector.load %arg3[%get3A_15, %get3A_16] : memref<128x128xf32, #tpu.memory_space<vmem>>, vector<128x128xf32>
    %dot_general3A = arith.constant dense<0.000000e+00> : vector<1000x128xf32>
    %dot_general3A_18 = tpu.matmul %get3A_14, %get3A_17, %dot_general3A {dimension_numbers = #tpu.dot_dimension_numbers<[1], [0], [0], [1], [0, 0, 1, 1], [], []>, transpose_lhs_hint = false} : vector<1000x128xf32>, vector<128x128xf32>, vector<1000x128xf32> -> vector<1000x128xf32>
    %mul3A = vector.broadcast %rsqrt3A : vector<1000x1xf32> to vector<1000x128xf32>
    %mul3A_19 = arith.mulf %dot_general3A_18, %mul3A : vector<1000x128xf32>
    %slice3A = vector.extract_strided_slice %mul3A_19 {offsets = [0, 0], sizes = [1000, 64], strides = [1, 1]} : vector<1000x128xf32> to vector<1000x64xf32>
    %swap3A = arith.constant 0 : index
    %swap3A_20 = arith.constant 0 : index
    %swap3A_21 = vector.load %arg4[%swap3A, %swap3A_20] : memref<1000x64xf32, #tpu.memory_space<vmem>>, vector<1000x64xf32>
    tpu.vector_store %arg4[%swap3A, %swap3A_20], %slice3A {strides = array<i32>} : memref<1000x64xf32, #tpu.memory_space<vmem>>, vector<1000x64xf32>,
    %slice3A_22 = vector.extract_strided_slice %mul3A_19 {offsets = [0, 64], sizes = [1000, 64], strides = [1, 1]} : vector<1000x128xf32> to vector<1000x64xf32>
    %swap3A_23 = arith.constant 0 : index
    %swap3A_24 = arith.constant 0 : index
    %swap3A_25 = vector.load %arg5[%swap3A_23, %swap3A_24] : memref<1000x64xf32, #tpu.memory_space<vmem>>, vector<1000x64xf32>
    tpu.vector_store %arg5[%swap3A_23, %swap3A_24], %slice3A_22 {strides = array<i32>} : memref<1000x64xf32, #tpu.memory_space<vmem>>, vector<1000x64xf32>,
    return
  }
  func.func @transform_0(%arg0: i32) -> (i32, i32, i32) {
    %c0_i32 = arith.constant 0 : i32
    %c0_i32_0 = arith.constant 0 : i32
    %c0_i32_1 = arith.constant 0 : i32
    return %c0_i32, %arg0, %c0_i32_0 : i32, i32, i32
  }
  func.func @transform_1(%arg0: i32) -> (i32, i32) {
    %c0_i32 = arith.constant 0 : i32
    %c0_i32_0 = arith.constant 0 : i32
    return %arg0, %c0_i32 : i32, i32
  }
  func.func @transform_2(%arg0: i32) -> (i32, i32) {
    %c0_i32 = arith.constant 0 : i32
    %c0_i32_0 = arith.constant 0 : i32
    %c0_i32_1 = arith.constant 0 : i32
    return %c0_i32, %c0_i32_0 : i32, i32
  }
  func.func @transform_3(%arg0: i32) -> (i32, i32) {
    %c0_i32 = arith.constant 0 : i32
    %c0_i32_0 = arith.constant 0 : i32
    return %arg0, %c0_i32 : i32, i32
  }
  func.func @transform_4(%arg0: i32) -> (i32, i32) {
    %c0_i32 = arith.constant 0 : i32
    %c0_i32_0 = arith.constant 0 : i32
    return %arg0, %c0_i32 : i32, i32
  }
}

module attributes {stable_mosaic.version = 14 : i64} {
  func.func @_k3_body(%arg0: i32, %arg1: memref<2x1000x64xf32, #tpu.memory_space<vmem>>, %arg2: memref<1000x64xf32, #tpu.memory_space<vmem>>, %arg3: memref<1000x64xf32, #tpu.memory_space<vmem>>, %arg4: memref<2x1000x16xf32, #tpu.memory_space<vmem>>, %arg5: memref<1x128xf32, #tpu.memory_space<vmem>>, %arg6: memref<1000x128xf32, #tpu.memory_space<vmem>>, %arg7: memref<1x128xf32, #tpu.memory_space<vmem>>, %arg8: memref<1x128xf32, #tpu.memory_space<vmem>>) attributes {dimension_semantics = [#tpu.dimension_semantics<arbitrary>], iteration_bounds = array<i64: 10>, scalar_prefetch = 0 : i64, scratch_operands = 0 : i64, tpu.core_type = #tpu.core_type<tc>, window_params = [{transform_indices = @transform_0, window_bounds = array<i64: 2, 1000, 64>}, {transform_indices = @transform_1, window_bounds = array<i64: 1000, 64>}, {transform_indices = @transform_2, window_bounds = array<i64: 1000, 64>}, {transform_indices = @transform_3, window_bounds = array<i64: 2, 1000, 16>}, {pipeline_mode = #tpu.pipeline_mode<synchronous>, transform_indices = @transform_4, window_bounds = array<i64: 1, 128>}, {transform_indices = @transform_5, window_bounds = array<i64: 1000, 128>}, {pipeline_mode = #tpu.pipeline_mode<synchronous>, transform_indices = @transform_6, window_bounds = array<i64: 1, 128>}, {pipeline_mode = #tpu.pipeline_mode<synchronous>, transform_indices = @transform_7, window_bounds = array<i64: 1, 128>}]} {
    %get3A = arith.constant 0 : index
    %get3A_0 = arith.constant 0 : index
    %get3A_1 = arith.constant 0 : index
    %get3A_2 = vector.load %arg4[%get3A, %get3A_0, %get3A_1] : memref<2x1000x16xf32, #tpu.memory_space<vmem>>, vector<1x1000x1xf32>
    %get3A_3 = vector.shape_cast %get3A_2 : vector<1x1000x1xf32> to vector<1000x1xf32>
    %get3A_4 = arith.constant 1 : index
    %get3A_5 = arith.constant 0 : index
    %get3A_6 = arith.constant 0 : index
    %get3A_7 = vector.load %arg4[%get3A_4, %get3A_5, %get3A_6] : memref<2x1000x16xf32, #tpu.memory_space<vmem>>, vector<1x1000x1xf32>
    %get3A_8 = vector.shape_cast %get3A_7 : vector<1x1000x1xf32> to vector<1000x1xf32>
    %add3A = arith.addf %get3A_3, %get3A_8 : vector<1000x1xf32>
    %add3A_9 = arith.constant 1.000000e+00 : f32
    %add3A_10 = vector.broadcast %add3A_9 : f32 to vector<1000x1xf32>
    %add3A_11 = arith.addf %add3A, %add3A_10 : vector<1000x1xf32>
    %rsqrt3A = math.rsqrt %add3A_11 : vector<1000x1xf32>
    %get3A_12 = arith.constant 0 : index
    %get3A_13 = arith.constant 0 : index
    %get3A_14 = vector.load %arg2[%get3A_12, %get3A_13] : memref<1000x64xf32, #tpu.memory_space<vmem>>, vector<1000x64xf32>
    %get3A_15 = arith.constant 0 : index
    %get3A_16 = arith.constant 0 : index
    %get3A_17 = vector.load %arg3[%get3A_15, %get3A_16] : memref<1000x64xf32, #tpu.memory_space<vmem>>, vector<1000x64xf32>
    %concatenate3A = tpu.concatenate %get3A_14, %get3A_17 in 1 : vector<1000x64xf32>, vector<1000x64xf32> -> vector<1000x128xf32>
    %get3A_18 = arith.constant 0 : index
    %get3A_19 = arith.constant 0 : index
    %get3A_20 = arith.constant 0 : index
    %get3A_21 = vector.load %arg1[%get3A_18, %get3A_19, %get3A_20] : memref<2x1000x64xf32, #tpu.memory_space<vmem>>, vector<1x1000x64xf32>
    %get3A_22 = vector.shape_cast %get3A_21 : vector<1x1000x64xf32> to vector<1000x64xf32>
    %get3A_23 = arith.constant 1 : index
    %get3A_24 = arith.constant 0 : index
    %get3A_25 = arith.constant 0 : index
    %get3A_26 = vector.load %arg1[%get3A_23, %get3A_24, %get3A_25] : memref<2x1000x64xf32, #tpu.memory_space<vmem>>, vector<1x1000x64xf32>
    %get3A_27 = vector.shape_cast %get3A_26 : vector<1x1000x64xf32> to vector<1000x64xf32>
    %concatenate3A_28 = tpu.concatenate %get3A_22, %get3A_27 in 1 : vector<1000x64xf32>, vector<1000x64xf32> -> vector<1000x128xf32>
    %add3A_29 = arith.addf %concatenate3A_28, %concatenate3A : vector<1000x128xf32>
    %mul3A = vector.broadcast %rsqrt3A : vector<1000x1xf32> to vector<1000x128xf32>
    %mul3A_30 = arith.mulf %mul3A, %add3A_29 : vector<1000x128xf32>
    %get3A_31 = arith.constant 0 : index
    %get3A_32 = arith.constant 0 : index
    %get3A_33 = vector.load %arg5[%get3A_31, %get3A_32] : memref<1x128xf32, #tpu.memory_space<vmem>>, vector<1x128xf32>
    %add3A_34 = vector.broadcast %get3A_33 : vector<1x128xf32> to vector<1000x128xf32>
    %add3A_35 = arith.addf %mul3A_30, %add3A_34 : vector<1000x128xf32>
    %swap3A = arith.constant 0 : index
    %swap3A_36 = arith.constant 0 : index
    %swap3A_37 = vector.load %arg6[%swap3A, %swap3A_36] : memref<1000x128xf32, #tpu.memory_space<vmem>>, vector<1000x128xf32>
    tpu.vector_store %arg6[%swap3A, %swap3A_36], %add3A_35 {strides = array<i32>} : memref<1000x128xf32, #tpu.memory_space<vmem>>, vector<1000x128xf32>,
    %reduce_sum3A = arith.constant dense<0.000000e+00> : vector<128xf32>
    %reduce_sum3A_38 = vector.multi_reduction <add>, %add3A_35, %reduce_sum3A [0] : vector<1000x128xf32> to vector<128xf32>
    %broadcast_in_dim3A = vector.shape_cast %reduce_sum3A_38 : vector<128xf32> to vector<1x128xf32>
    %mul3A_39 = arith.mulf %add3A_35, %add3A_35 : vector<1000x128xf32>
    %reduce_sum3A_40 = arith.constant dense<0.000000e+00> : vector<128xf32>
    %reduce_sum3A_41 = vector.multi_reduction <add>, %mul3A_39, %reduce_sum3A_40 [0] : vector<1000x128xf32> to vector<128xf32>
    %broadcast_in_dim3A_42 = vector.shape_cast %reduce_sum3A_41 : vector<128xf32> to vector<1x128xf32>
    %eq3A = arith.constant 0 : i32
    %eq3A_43 = arith.cmpi eq, %arg0, %eq3A : i32
    %convert_element_type3A = arith.extui %eq3A_43 : i1 to i32
    %cond3A = arith.constant 0 : i32
    %cond3A_44 = arith.cmpi ne, %convert_element_type3A, %cond3A : i32
    scf.if %cond3A_44 {
      %swap3A_49 = arith.constant 0 : index
      %swap3A_50 = arith.constant 0 : index
      %swap3A_51 = vector.load %arg7[%swap3A_49, %swap3A_50] : memref<1x128xf32, #tpu.memory_space<vmem>>, vector<1x128xf32>
      tpu.vector_store %arg7[%swap3A_49, %swap3A_50], %broadcast_in_dim3A {strides = array<i32>} : memref<1x128xf32, #tpu.memory_space<vmem>>, vector<1x128xf32>,
      %swap3A_52 = arith.constant 0 : index
      %swap3A_53 = arith.constant 0 : index
      %swap3A_54 = vector.load %arg8[%swap3A_52, %swap3A_53] : memref<1x128xf32, #tpu.memory_space<vmem>>, vector<1x128xf32>
      tpu.vector_store %arg8[%swap3A_52, %swap3A_53], %broadcast_in_dim3A_42 {strides = array<i32>} : memref<1x128xf32, #tpu.memory_space<vmem>>, vector<1x128xf32>,
    } else {
    }
    %gt3A = arith.constant 0 : i32
    %gt3A_45 = arith.cmpi sgt, %arg0, %gt3A : i32
    %convert_element_type3A_46 = arith.extui %gt3A_45 : i1 to i32
    %cond3A_47 = arith.constant 0 : i32
    %cond3A_48 = arith.cmpi ne, %convert_element_type3A_46, %cond3A_47 : i32
    scf.if %cond3A_48 {
      %get3A_49 = arith.constant 0 : index
      %get3A_50 = arith.constant 0 : index
      %get3A_51 = vector.load %arg7[%get3A_49, %get3A_50] : memref<1x128xf32, #tpu.memory_space<vmem>>, vector<1x128xf32>
      %add3A_52 = arith.addf %get3A_51, %broadcast_in_dim3A : vector<1x128xf32>
      %swap3A_53 = arith.constant 0 : index
      %swap3A_54 = arith.constant 0 : index
      %swap3A_55 = vector.load %arg7[%swap3A_53, %swap3A_54] : memref<1x128xf32, #tpu.memory_space<vmem>>, vector<1x128xf32>
      tpu.vector_store %arg7[%swap3A_53, %swap3A_54], %add3A_52 {strides = array<i32>} : memref<1x128xf32, #tpu.memory_space<vmem>>, vector<1x128xf32>,
      %get3A_56 = arith.constant 0 : index
      %get3A_57 = arith.constant 0 : index
      %get3A_58 = vector.load %arg8[%get3A_56, %get3A_57] : memref<1x128xf32, #tpu.memory_space<vmem>>, vector<1x128xf32>
      %add3A_59 = arith.addf %get3A_58, %broadcast_in_dim3A_42 : vector<1x128xf32>
      %swap3A_60 = arith.constant 0 : index
      %swap3A_61 = arith.constant 0 : index
      %swap3A_62 = vector.load %arg8[%swap3A_60, %swap3A_61] : memref<1x128xf32, #tpu.memory_space<vmem>>, vector<1x128xf32>
      tpu.vector_store %arg8[%swap3A_60, %swap3A_61], %add3A_59 {strides = array<i32>} : memref<1x128xf32, #tpu.memory_space<vmem>>, vector<1x128xf32>,
    } else {
    }
    return
  }
  func.func @transform_0(%arg0: i32) -> (i32, i32, i32) {
    %c0_i32 = arith.constant 0 : i32
    %c0_i32_0 = arith.constant 0 : i32
    %c0_i32_1 = arith.constant 0 : i32
    return %c0_i32, %arg0, %c0_i32_0 : i32, i32, i32
  }
  func.func @transform_1(%arg0: i32) -> (i32, i32) {
    %c0_i32 = arith.constant 0 : i32
    %c0_i32_0 = arith.constant 0 : i32
    return %arg0, %c0_i32 : i32, i32
  }
  func.func @transform_2(%arg0: i32) -> (i32, i32) {
    %c0_i32 = arith.constant 0 : i32
    %c0_i32_0 = arith.constant 0 : i32
    return %arg0, %c0_i32 : i32, i32
  }
  func.func @transform_3(%arg0: i32) -> (i32, i32, i32) {
    %c0_i32 = arith.constant 0 : i32
    %c0_i32_0 = arith.constant 0 : i32
    %c0_i32_1 = arith.constant 0 : i32
    return %c0_i32, %arg0, %c0_i32_0 : i32, i32, i32
  }
  func.func @transform_4(%arg0: i32) -> (i32, i32) {
    %c0_i32 = arith.constant 0 : i32
    %c0_i32_0 = arith.constant 0 : i32
    %c0_i32_1 = arith.constant 0 : i32
    return %c0_i32, %c0_i32_0 : i32, i32
  }
  func.func @transform_5(%arg0: i32) -> (i32, i32) {
    %c0_i32 = arith.constant 0 : i32
    %c0_i32_0 = arith.constant 0 : i32
    return %arg0, %c0_i32 : i32, i32
  }
  func.func @transform_6(%arg0: i32) -> (i32, i32) {
    %c0_i32 = arith.constant 0 : i32
    %c0_i32_0 = arith.constant 0 : i32
    %c0_i32_1 = arith.constant 0 : i32
    return %c0_i32, %c0_i32_0 : i32, i32
  }
  func.func @transform_7(%arg0: i32) -> (i32, i32) {
    %c0_i32 = arith.constant 0 : i32
    %c0_i32_0 = arith.constant 0 : i32
    %c0_i32_1 = arith.constant 0 : i32
    return %c0_i32, %c0_i32_0 : i32, i32
  }
}

module attributes {stable_mosaic.version = 14 : i64} {
  func.func @_k4_body(%arg0: i32, %arg1: memref<1000x128xf32, #tpu.memory_space<vmem>>, %arg2: memref<1x128xf32, #tpu.memory_space<vmem>>, %arg3: memref<1x128xf32, #tpu.memory_space<vmem>>, %arg4: memref<1x128xf32, #tpu.memory_space<vmem>>, %arg5: memref<1x128xf32, #tpu.memory_space<vmem>>, %arg6: memref<128x128xf32, #tpu.memory_space<vmem>>, %arg7: memref<2x1000x16xf32, #tpu.memory_space<vmem>>, %arg8: memref<1000x64xf32, #tpu.memory_space<vmem>>, %arg9: memref<1000x64xf32, #tpu.memory_space<vmem>>) attributes {dimension_semantics = [#tpu.dimension_semantics<arbitrary>], iteration_bounds = array<i64: 10>, scalar_prefetch = 0 : i64, scratch_operands = 0 : i64, tpu.core_type = #tpu.core_type<tc>, window_params = [{transform_indices = @transform_0, window_bounds = array<i64: 1000, 128>}, {pipeline_mode = #tpu.pipeline_mode<synchronous>, transform_indices = @transform_1, window_bounds = array<i64: 1, 128>}, {pipeline_mode = #tpu.pipeline_mode<synchronous>, transform_indices = @transform_2, window_bounds = array<i64: 1, 128>}, {pipeline_mode = #tpu.pipeline_mode<synchronous>, transform_indices = @transform_3, window_bounds = array<i64: 1, 128>}, {pipeline_mode = #tpu.pipeline_mode<synchronous>, transform_indices = @transform_4, window_bounds = array<i64: 1, 128>}, {pipeline_mode = #tpu.pipeline_mode<synchronous>, transform_indices = @transform_5, window_bounds = array<i64: 128, 128>}, {transform_indices = @transform_6, window_bounds = array<i64: 2, 1000, 16>}, {transform_indices = @transform_7, window_bounds = array<i64: 1000, 64>}, {transform_indices = @transform_8, window_bounds = array<i64: 1000, 64>}]} {
    %get3A = arith.constant 0 : index
    %get3A_0 = arith.constant 0 : index
    %get3A_1 = vector.load %arg2[%get3A, %get3A_0] : memref<1x128xf32, #tpu.memory_space<vmem>>, vector<1x128xf32>
    %mul3A = arith.constant 9.99999974E-5 : f32
    %mul3A_2 = vector.broadcast %mul3A : f32 to vector<1x128xf32>
    %mul3A_3 = arith.mulf %get3A_1, %mul3A_2 : vector<1x128xf32>
    %get3A_4 = arith.constant 0 : index
    %get3A_5 = arith.constant 0 : index
    %get3A_6 = vector.load %arg3[%get3A_4, %get3A_5] : memref<1x128xf32, #tpu.memory_space<vmem>>, vector<1x128xf32>
    %mul3A_7 = arith.constant 9.99999974E-5 : f32
    %mul3A_8 = vector.broadcast %mul3A_7 : f32 to vector<1x128xf32>
    %mul3A_9 = arith.mulf %get3A_6, %mul3A_8 : vector<1x128xf32>
    %mul3A_10 = arith.mulf %mul3A_3, %mul3A_3 : vector<1x128xf32>
    %sub3A = arith.subf %mul3A_9, %mul3A_10 : vector<1x128xf32>
    %add3A = arith.constant 9.99999974E-6 : f32
    %add3A_11 = vector.broadcast %add3A : f32 to vector<1x128xf32>
    %add3A_12 = arith.addf %sub3A, %add3A_11 : vector<1x128xf32>
    %rsqrt3A = math.rsqrt %add3A_12 : vector<1x128xf32>
    %get3A_13 = arith.constant 0 : index
    %get3A_14 = arith.constant 0 : index
    %get3A_15 = vector.load %arg4[%get3A_13, %get3A_14] : memref<1x128xf32, #tpu.memory_space<vmem>>, vector<1x128xf32>
    %mul3A_16 = arith.mulf %rsqrt3A, %get3A_15 : vector<1x128xf32>
    %get3A_17 = arith.constant 0 : index
    %get3A_18 = arith.constant 0 : index
    %get3A_19 = vector.load %arg1[%get3A_17, %get3A_18] : memref<1000x128xf32, #tpu.memory_space<vmem>>, vector<1000x128xf32>
    %sub3A_20 = vector.broadcast %mul3A_3 : vector<1x128xf32> to vector<1000x128xf32>
    %sub3A_21 = arith.subf %get3A_19, %sub3A_20 : vector<1000x128xf32>
    %mul3A_22 = vector.broadcast %mul3A_16 : vector<1x128xf32> to vector<1000x128xf32>
    %mul3A_23 = arith.mulf %sub3A_21, %mul3A_22 : vector<1000x128xf32>
    %get3A_24 = arith.constant 0 : index
    %get3A_25 = arith.constant 0 : index
    %get3A_26 = vector.load %arg5[%get3A_24, %get3A_25] : memref<1x128xf32, #tpu.memory_space<vmem>>, vector<1x128xf32>
    %add3A_27 = vector.broadcast %get3A_26 : vector<1x128xf32> to vector<1000x128xf32>
    %add3A_28 = arith.addf %mul3A_23, %add3A_27 : vector<1000x128xf32>
    %min3A = arith.constant 0.000000e+00 : f32
    %min3A_29 = vector.broadcast %min3A : f32 to vector<1000x128xf32>
    %min3A_30 = arith.minimumf %add3A_28, %min3A_29 : vector<1000x128xf32>
    %exp3A = math.exp %min3A_30 : vector<1000x128xf32>
    %sub3A_31 = arith.constant 1.000000e+00 : f32
    %sub3A_32 = vector.broadcast %sub3A_31 : f32 to vector<1000x128xf32>
    %sub3A_33 = arith.subf %exp3A, %sub3A_32 : vector<1000x128xf32>
    %mul3A_34 = arith.constant 1.67326319 : f32
    %mul3A_35 = vector.broadcast %mul3A_34 : f32 to vector<1000x128xf32>
    %mul3A_36 = arith.mulf %mul3A_35, %sub3A_33 : vector<1000x128xf32>
    %gt3A = arith.constant 0.000000e+00 : f32
    %gt3A_37 = vector.broadcast %gt3A : f32 to vector<1000x128xf32>
    %gt3A_38 = arith.cmpf ogt, %add3A_28, %gt3A_37 : vector<1000x128xf32>
    %select_n3A = arith.select %gt3A_38, %add3A_28, %mul3A_36 : vector<1000x128xi1>, vector<1000x128xf32>
    %mul3A_39 = arith.constant 1.05070102 : f32
    %mul3A_40 = vector.broadcast %mul3A_39 : f32 to vector<1000x128xf32>
    %mul3A_41 = arith.mulf %mul3A_40, %select_n3A : vector<1000x128xf32>
    %get3A_42 = arith.constant 0 : index
    %get3A_43 = arith.constant 0 : index
    %get3A_44 = arith.constant 0 : index
    %get3A_45 = vector.load %arg7[%get3A_42, %get3A_43, %get3A_44] : memref<2x1000x16xf32, #tpu.memory_space<vmem>>, vector<1x1000x1xf32>
    %get3A_46 = vector.shape_cast %get3A_45 : vector<1x1000x1xf32> to vector<1000x1xf32>
    %get3A_47 = arith.constant 1 : index
    %get3A_48 = arith.constant 0 : index
    %get3A_49 = arith.constant 0 : index
    %get3A_50 = vector.load %arg7[%get3A_47, %get3A_48, %get3A_49] : memref<2x1000x16xf32, #tpu.memory_space<vmem>>, vector<1x1000x1xf32>
    %get3A_51 = vector.shape_cast %get3A_50 : vector<1x1000x1xf32> to vector<1000x1xf32>
    %add3A_52 = arith.addf %get3A_46, %get3A_51 : vector<1000x1xf32>
    %add3A_53 = arith.constant 1.000000e+00 : f32
    %add3A_54 = vector.broadcast %add3A_53 : f32 to vector<1000x1xf32>
    %add3A_55 = arith.addf %add3A_52, %add3A_54 : vector<1000x1xf32>
    %rsqrt3A_56 = math.rsqrt %add3A_55 : vector<1000x1xf32>
    %get3A_57 = arith.constant 0 : index
    %get3A_58 = arith.constant 0 : index
    %get3A_59 = vector.load %arg6[%get3A_57, %get3A_58] : memref<128x128xf32, #tpu.memory_space<vmem>>, vector<128x128xf32>
    %dot_general3A = arith.constant dense<0.000000e+00> : vector<1000x128xf32>
    %dot_general3A_60 = tpu.matmul %mul3A_41, %get3A_59, %dot_general3A {dimension_numbers = #tpu.dot_dimension_numbers<[1], [0], [0], [1], [0, 0, 1, 1], [], []>, transpose_lhs_hint = false} : vector<1000x128xf32>, vector<128x128xf32>, vector<1000x128xf32> -> vector<1000x128xf32>
    %mul3A_61 = vector.broadcast %rsqrt3A_56 : vector<1000x1xf32> to vector<1000x128xf32>
    %mul3A_62 = arith.mulf %dot_general3A_60, %mul3A_61 : vector<1000x128xf32>
    %slice3A = vector.extract_strided_slice %mul3A_62 {offsets = [0, 0], sizes = [1000, 64], strides = [1, 1]} : vector<1000x128xf32> to vector<1000x64xf32>
    %swap3A = arith.constant 0 : index
    %swap3A_63 = arith.constant 0 : index
    %swap3A_64 = vector.load %arg8[%swap3A, %swap3A_63] : memref<1000x64xf32, #tpu.memory_space<vmem>>, vector<1000x64xf32>
    tpu.vector_store %arg8[%swap3A, %swap3A_63], %slice3A {strides = array<i32>} : memref<1000x64xf32, #tpu.memory_space<vmem>>, vector<1000x64xf32>,
    %slice3A_65 = vector.extract_strided_slice %mul3A_62 {offsets = [0, 64], sizes = [1000, 64], strides = [1, 1]} : vector<1000x128xf32> to vector<1000x64xf32>
    %swap3A_66 = arith.constant 0 : index
    %swap3A_67 = arith.constant 0 : index
    %swap3A_68 = vector.load %arg9[%swap3A_66, %swap3A_67] : memref<1000x64xf32, #tpu.memory_space<vmem>>, vector<1000x64xf32>
    tpu.vector_store %arg9[%swap3A_66, %swap3A_67], %slice3A_65 {strides = array<i32>} : memref<1000x64xf32, #tpu.memory_space<vmem>>, vector<1000x64xf32>,
    return
  }
  func.func @transform_0(%arg0: i32) -> (i32, i32) {
    %c0_i32 = arith.constant 0 : i32
    %c0_i32_0 = arith.constant 0 : i32
    return %arg0, %c0_i32 : i32, i32
  }
  func.func @transform_1(%arg0: i32) -> (i32, i32) {
    %c0_i32 = arith.constant 0 : i32
    %c0_i32_0 = arith.constant 0 : i32
    %c0_i32_1 = arith.constant 0 : i32
    return %c0_i32, %c0_i32_0 : i32, i32
  }
  func.func @transform_2(%arg0: i32) -> (i32, i32) {
    %c0_i32 = arith.constant 0 : i32
    %c0_i32_0 = arith.constant 0 : i32
    %c0_i32_1 = arith.constant 0 : i32
    return %c0_i32, %c0_i32_0 : i32, i32
  }
  func.func @transform_3(%arg0: i32) -> (i32, i32) {
    %c0_i32 = arith.constant 0 : i32
    %c0_i32_0 = arith.constant 0 : i32
    %c0_i32_1 = arith.constant 0 : i32
    return %c0_i32, %c0_i32_0 : i32, i32
  }
  func.func @transform_4(%arg0: i32) -> (i32, i32) {
    %c0_i32 = arith.constant 0 : i32
    %c0_i32_0 = arith.constant 0 : i32
    %c0_i32_1 = arith.constant 0 : i32
    return %c0_i32, %c0_i32_0 : i32, i32
  }
  func.func @transform_5(%arg0: i32) -> (i32, i32) {
    %c0_i32 = arith.constant 0 : i32
    %c0_i32_0 = arith.constant 0 : i32
    %c0_i32_1 = arith.constant 0 : i32
    return %c0_i32, %c0_i32_0 : i32, i32
  }
  func.func @transform_6(%arg0: i32) -> (i32, i32, i32) {
    %c0_i32 = arith.constant 0 : i32
    %c0_i32_0 = arith.constant 0 : i32
    %c0_i32_1 = arith.constant 0 : i32
    return %c0_i32, %arg0, %c0_i32_0 : i32, i32, i32
  }
  func.func @transform_7(%arg0: i32) -> (i32, i32) {
    %c0_i32 = arith.constant 0 : i32
    %c0_i32_0 = arith.constant 0 : i32
    return %arg0, %c0_i32 : i32, i32
  }
  func.func @transform_8(%arg0: i32) -> (i32, i32) {
    %c0_i32 = arith.constant 0 : i32
    %c0_i32_0 = arith.constant 0 : i32
    return %arg0, %c0_i32 : i32, i32
  }
}

module attributes {stable_mosaic.version = 14 : i64} {
  func.func @_k6_body(%arg0: i32, %arg1: memref<2x1000x64xf32, #tpu.memory_space<vmem>>, %arg2: memref<1000x64xf32, #tpu.memory_space<vmem>>, %arg3: memref<1000x64xf32, #tpu.memory_space<vmem>>, %arg4: memref<2x1000x16xf32, #tpu.memory_space<vmem>>, %arg5: memref<1x128xf32, #tpu.memory_space<vmem>>, %arg6: memref<1x1x1000xi32, #tpu.memory_space<vmem>>, %arg7: memref<3x128x128xf32, #tpu.memory_space<vmem>>, %arg8: memref<1x128xf32, #tpu.memory_space<vmem>>, %arg9: memref<64x128xf32, #tpu.memory_space<vmem>>, %arg10: memref<64x128xf32, #tpu.memory_space<vmem>>, %arg11: memref<64x128xf32, #tpu.memory_space<vmem>>, %arg12: memref<64x128xf32, #tpu.memory_space<vmem>>) attributes {dimension_semantics = [#tpu.dimension_semantics<arbitrary>], iteration_bounds = array<i64: 10>, scalar_prefetch = 0 : i64, scratch_operands = 3 : i64, tpu.core_type = #tpu.core_type<tc>, window_params = [{transform_indices = @transform_0, window_bounds = array<i64: 2, 1000, 64>}, {transform_indices = @transform_1, window_bounds = array<i64: 1000, 64>}, {transform_indices = @transform_2, window_bounds = array<i64: 1000, 64>}, {transform_indices = @transform_3, window_bounds = array<i64: 2, 1000, 16>}, {pipeline_mode = #tpu.pipeline_mode<synchronous>, transform_indices = @transform_4, window_bounds = array<i64: 1, 128>}, {transform_indices = @transform_5, window_bounds = array<i64: 1, 1, 1000>}, {pipeline_mode = #tpu.pipeline_mode<synchronous>, transform_indices = @transform_6, window_bounds = array<i64: 3, 128, 128>}, {pipeline_mode = #tpu.pipeline_mode<synchronous>, transform_indices = @transform_7, window_bounds = array<i64: 1, 128>}, {pipeline_mode = #tpu.pipeline_mode<synchronous>, transform_indices = @transform_8, window_bounds = array<i64: 64, 128>}]} {
    %get3A = arith.constant 0 : index
    %get3A_0 = arith.constant 0 : index
    %get3A_1 = arith.constant 0 : index
    %get3A_2 = vector.load %arg4[%get3A, %get3A_0, %get3A_1] : memref<2x1000x16xf32, #tpu.memory_space<vmem>>, vector<1x1000x1xf32>
    %get3A_3 = vector.shape_cast %get3A_2 : vector<1x1000x1xf32> to vector<1000x1xf32>
    %get3A_4 = arith.constant 1 : index
    %get3A_5 = arith.constant 0 : index
    %get3A_6 = arith.constant 0 : index
    %get3A_7 = vector.load %arg4[%get3A_4, %get3A_5, %get3A_6] : memref<2x1000x16xf32, #tpu.memory_space<vmem>>, vector<1x1000x1xf32>
    %get3A_8 = vector.shape_cast %get3A_7 : vector<1x1000x1xf32> to vector<1000x1xf32>
    %add3A = arith.addf %get3A_3, %get3A_8 : vector<1000x1xf32>
    %add3A_9 = arith.constant 1.000000e+00 : f32
    %add3A_10 = vector.broadcast %add3A_9 : f32 to vector<1000x1xf32>
    %add3A_11 = arith.addf %add3A, %add3A_10 : vector<1000x1xf32>
    %rsqrt3A = math.rsqrt %add3A_11 : vector<1000x1xf32>
    %get3A_12 = arith.constant 0 : index
    %get3A_13 = arith.constant 0 : index
    %get3A_14 = vector.load %arg2[%get3A_12, %get3A_13] : memref<1000x64xf32, #tpu.memory_space<vmem>>, vector<1000x64xf32>
    %get3A_15 = arith.constant 0 : index
    %get3A_16 = arith.constant 0 : index
    %get3A_17 = vector.load %arg3[%get3A_15, %get3A_16] : memref<1000x64xf32, #tpu.memory_space<vmem>>, vector<1000x64xf32>
    %concatenate3A = tpu.concatenate %get3A_14, %get3A_17 in 1 : vector<1000x64xf32>, vector<1000x64xf32> -> vector<1000x128xf32>
    %get3A_18 = arith.constant 0 : index
    %get3A_19 = arith.constant 0 : index
    %get3A_20 = arith.constant 0 : index
    %get3A_21 = vector.load %arg1[%get3A_18, %get3A_19, %get3A_20] : memref<2x1000x64xf32, #tpu.memory_space<vmem>>, vector<1x1000x64xf32>
    %get3A_22 = vector.shape_cast %get3A_21 : vector<1x1000x64xf32> to vector<1000x64xf32>
    %get3A_23 = arith.constant 1 : index
    %get3A_24 = arith.constant 0 : index
    %get3A_25 = arith.constant 0 : index
    %get3A_26 = vector.load %arg1[%get3A_23, %get3A_24, %get3A_25] : memref<2x1000x64xf32, #tpu.memory_space<vmem>>, vector<1x1000x64xf32>
    %get3A_27 = vector.shape_cast %get3A_26 : vector<1x1000x64xf32> to vector<1000x64xf32>
    %concatenate3A_28 = tpu.concatenate %get3A_22, %get3A_27 in 1 : vector<1000x64xf32>, vector<1000x64xf32> -> vector<1000x128xf32>
    %add3A_29 = arith.addf %concatenate3A_28, %concatenate3A : vector<1000x128xf32>
    %mul3A = vector.broadcast %rsqrt3A : vector<1000x1xf32> to vector<1000x128xf32>
    %mul3A_30 = arith.mulf %mul3A, %add3A_29 : vector<1000x128xf32>
    %get3A_31 = arith.constant 0 : index
    %get3A_32 = arith.constant 0 : index
    %get3A_33 = vector.load %arg5[%get3A_31, %get3A_32] : memref<1x128xf32, #tpu.memory_space<vmem>>, vector<1x128xf32>
    %add3A_34 = vector.broadcast %get3A_33 : vector<1x128xf32> to vector<1000x128xf32>
    %add3A_35 = arith.addf %mul3A_30, %add3A_34 : vector<1000x128xf32>
    %get3A_36 = arith.constant 0 : index
    %get3A_37 = arith.constant 0 : index
    %get3A_38 = arith.constant 0 : index
    %get3A_39 = vector.load %arg6[%get3A_36, %get3A_37, %get3A_38] : memref<1x1x1000xi32, #tpu.memory_space<vmem>>, vector<1x1x1000xi32>
    %get3A_40 = vector.shape_cast %get3A_39 : vector<1x1x1000xi32> to vector<1000xi32>
    %iota3A = tpu.iota {dimensions = array<i32: 0>} : vector<64x1000xi32>
    %broadcast_in_dim3A = vector.shape_cast %get3A_40 : vector<1000xi32> to vector<1x1000xi32>
    %eq3A = vector.broadcast %broadcast_in_dim3A : vector<1x1000xi32> to vector<64x1000xi32>
    %eq3A_41 = arith.cmpi eq, %iota3A, %eq3A : vector<64x1000xi32>
    %convert_element_type3A = arith.extui %eq3A_41 : vector<64x1000xi1> to vector<64x1000xi32>
    %convert_element_type3A_42 = arith.sitofp %convert_element_type3A : vector<64x1000xi32> to vector<64x1000xf32>
    %dot_general3A = arith.constant dense<0.000000e+00> : vector<64x128xf32>
    %dot_general3A_43 = tpu.matmul %convert_element_type3A_42, %add3A_35, %dot_general3A {dimension_numbers = #tpu.dot_dimension_numbers<[1], [0], [0], [1], [0, 0, 1, 1], [], []>, transpose_lhs_hint = false} : vector<64x1000xf32>, vector<1000x128xf32>, vector<64x128xf32> -> vector<64x128xf32>
    %reduce_sum3A = arith.constant dense<0.000000e+00> : vector<64xf32>
    %reduce_sum3A_44 = vector.multi_reduction <add>, %convert_element_type3A_42, %reduce_sum3A [1] : vector<64x1000xf32> to vector<64xf32>
    %broadcast_in_dim3A_45 = vector.shape_cast %reduce_sum3A_44 : vector<64xf32> to vector<64x1xf32>
    %broadcast_in_dim3A_46 = vector.shape_cast %broadcast_in_dim3A_45 : vector<64x1xf32> to vector<64x1xf32>
    %broadcast_in_dim3A_47 = vector.broadcast %broadcast_in_dim3A_46 : vector<64x1xf32> to vector<64x128xf32>
    %broadcast_in_dim3A_48 = vector.shape_cast %get3A_40 : vector<1000xi32> to vector<1000x1xi32>
    %eq3A_49 = arith.constant 0 : i32
    %eq3A_50 = vector.broadcast %eq3A_49 : i32 to vector<1000x1xi32>
    %eq3A_51 = arith.cmpi eq, %broadcast_in_dim3A_48, %eq3A_50 : vector<1000x1xi32>
    %jit3A = arith.constant -3.000000e+38 : f32
    %broadcast_in_dim3A_52 = vector.shape_cast %eq3A_51 : vector<1000x1xi1> to vector<1000x1xi1>
    %broadcast_in_dim3A_53 = vector.broadcast %broadcast_in_dim3A_52 : vector<1000x1xi1> to vector<1000x128xi1>
    %broadcast_in_dim3A_54 = vector.broadcast %jit3A : f32 to vector<1000x128xf32>
    %select_n3A = arith.select %broadcast_in_dim3A_53, %add3A_35, %broadcast_in_dim3A_54 : vector<1000x128xi1>, vector<1000x128xf32>
    %reduce_max3A = arith.constant dense<0xFF800000> : vector<128xf32>
    %reduce_max3A_55 = vector.multi_reduction <maximumf>, %select_n3A, %reduce_max3A [0] : vector<1000x128xf32> to vector<128xf32>
    %broadcast_in_dim3A_56 = vector.shape_cast %reduce_max3A_55 : vector<128xf32> to vector<1x128xf32>
    %broadcast_in_dim3A_57 = vector.shape_cast %get3A_40 : vector<1000xi32> to vector<1000x1xi32>
    %eq3A_58 = arith.constant 1 : i32
    %eq3A_59 = vector.broadcast %eq3A_58 : i32 to vector<1000x1xi32>
    %eq3A_60 = arith.cmpi eq, %broadcast_in_dim3A_57, %eq3A_59 : vector<1000x1xi32>
    %jit3A_61 = arith.constant -3.000000e+38 : f32
    %broadcast_in_dim3A_62 = vector.shape_cast %eq3A_60 : vector<1000x1xi1> to vector<1000x1xi1>
    %broadcast_in_dim3A_63 = vector.broadcast %broadcast_in_dim3A_62 : vector<1000x1xi1> to vector<1000x128xi1>
    %broadcast_in_dim3A_64 = vector.broadcast %jit3A_61 : f32 to vector<1000x128xf32>
    %select_n3A_65 = arith.select %broadcast_in_dim3A_63, %add3A_35, %broadcast_in_dim3A_64 : vector<1000x128xi1>, vector<1000x128xf32>
    %reduce_max3A_66 = arith.constant dense<0xFF800000> : vector<128xf32>
    %reduce_max3A_67 = vector.multi_reduction <maximumf>, %select_n3A_65, %reduce_max3A_66 [0] : vector<1000x128xf32> to vector<128xf32>
    %broadcast_in_dim3A_68 = vector.shape_cast %reduce_max3A_67 : vector<128xf32> to vector<1x128xf32>
    %broadcast_in_dim3A_69 = vector.shape_cast %get3A_40 : vector<1000xi32> to vector<1000x1xi32>
    %eq3A_70 = arith.constant 2 : i32
    %eq3A_71 = vector.broadcast %eq3A_70 : i32 to vector<1000x1xi32>
    %eq3A_72 = arith.cmpi eq, %broadcast_in_dim3A_69, %eq3A_71 : vector<1000x1xi32>
    %jit3A_73 = arith.constant -3.000000e+38 : f32
    %broadcast_in_dim3A_74 = vector.shape_cast %eq3A_72 : vector<1000x1xi1> to vector<1000x1xi1>
    %broadcast_in_dim3A_75 = vector.broadcast %broadcast_in_dim3A_74 : vector<1000x1xi1> to vector<1000x128xi1>
    %broadcast_in_dim3A_76 = vector.broadcast %jit3A_73 : f32 to vector<1000x128xf32>
    %select_n3A_77 = arith.select %broadcast_in_dim3A_75, %add3A_35, %broadcast_in_dim3A_76 : vector<1000x128xi1>, vector<1000x128xf32>
    %reduce_max3A_78 = arith.constant dense<0xFF800000> : vector<128xf32>
    %reduce_max3A_79 = vector.multi_reduction <maximumf>, %select_n3A_77, %reduce_max3A_78 [0] : vector<1000x128xf32> to vector<128xf32>
    %broadcast_in_dim3A_80 = vector.shape_cast %reduce_max3A_79 : vector<128xf32> to vector<1x128xf32>
    %broadcast_in_dim3A_81 = vector.shape_cast %get3A_40 : vector<1000xi32> to vector<1000x1xi32>
    %eq3A_82 = arith.constant 3 : i32
    %eq3A_83 = vector.broadcast %eq3A_82 : i32 to vector<1000x1xi32>
    %eq3A_84 = arith.cmpi eq, %broadcast_in_dim3A_81, %eq3A_83 : vector<1000x1xi32>
    %jit3A_85 = arith.constant -3.000000e+38 : f32
    %broadcast_in_dim3A_86 = vector.shape_cast %eq3A_84 : vector<1000x1xi1> to vector<1000x1xi1>
    %broadcast_in_dim3A_87 = vector.broadcast %broadcast_in_dim3A_86 : vector<1000x1xi1> to vector<1000x128xi1>
    %broadcast_in_dim3A_88 = vector.broadcast %jit3A_85 : f32 to vector<1000x128xf32>
    %select_n3A_89 = arith.select %broadcast_in_dim3A_87, %add3A_35, %broadcast_in_dim3A_88 : vector<1000x128xi1>, vector<1000x128xf32>
    %reduce_max3A_90 = arith.constant dense<0xFF800000> : vector<128xf32>
    %reduce_max3A_91 = vector.multi_reduction <maximumf>, %select_n3A_89, %reduce_max3A_90 [0] : vector<1000x128xf32> to vector<128xf32>
    %broadcast_in_dim3A_92 = vector.shape_cast %reduce_max3A_91 : vector<128xf32> to vector<1x128xf32>
    %broadcast_in_dim3A_93 = vector.shape_cast %get3A_40 : vector<1000xi32> to vector<1000x1xi32>
    %eq3A_94 = arith.constant 4 : i32
    %eq3A_95 = vector.broadcast %eq3A_94 : i32 to vector<1000x1xi32>
    %eq3A_96 = arith.cmpi eq, %broadcast_in_dim3A_93, %eq3A_95 : vector<1000x1xi32>
    %jit3A_97 = arith.constant -3.000000e+38 : f32
    %broadcast_in_dim3A_98 = vector.shape_cast %eq3A_96 : vector<1000x1xi1> to vector<1000x1xi1>
    %broadcast_in_dim3A_99 = vector.broadcast %broadcast_in_dim3A_98 : vector<1000x1xi1> to vector<1000x128xi1>
    %broadcast_in_dim3A_100 = vector.broadcast %jit3A_97 : f32 to vector<1000x128xf32>
    %select_n3A_101 = arith.select %broadcast_in_dim3A_99, %add3A_35, %broadcast_in_dim3A_100 : vector<1000x128xi1>, vector<1000x128xf32>
    %reduce_max3A_102 = arith.constant dense<0xFF800000> : vector<128xf32>
    %reduce_max3A_103 = vector.multi_reduction <maximumf>, %select_n3A_101, %reduce_max3A_102 [0] : vector<1000x128xf32> to vector<128xf32>
    %broadcast_in_dim3A_104 = vector.shape_cast %reduce_max3A_103 : vector<128xf32> to vector<1x128xf32>
    %broadcast_in_dim3A_105 = vector.shape_cast %get3A_40 : vector<1000xi32> to vector<1000x1xi32>
    %eq3A_106 = arith.constant 5 : i32
    %eq3A_107 = vector.broadcast %eq3A_106 : i32 to vector<1000x1xi32>
    %eq3A_108 = arith.cmpi eq, %broadcast_in_dim3A_105, %eq3A_107 : vector<1000x1xi32>
    %jit3A_109 = arith.constant -3.000000e+38 : f32
    %broadcast_in_dim3A_110 = vector.shape_cast %eq3A_108 : vector<1000x1xi1> to vector<1000x1xi1>
    %broadcast_in_dim3A_111 = vector.broadcast %broadcast_in_dim3A_110 : vector<1000x1xi1> to vector<1000x128xi1>
    %broadcast_in_dim3A_112 = vector.broadcast %jit3A_109 : f32 to vector<1000x128xf32>
    %select_n3A_113 = arith.select %broadcast_in_dim3A_111, %add3A_35, %broadcast_in_dim3A_112 : vector<1000x128xi1>, vector<1000x128xf32>
    %reduce_max3A_114 = arith.constant dense<0xFF800000> : vector<128xf32>
    %reduce_max3A_115 = vector.multi_reduction <maximumf>, %select_n3A_113, %reduce_max3A_114 [0] : vector<1000x128xf32> to vector<128xf32>
    %broadcast_in_dim3A_116 = vector.shape_cast %reduce_max3A_115 : vector<128xf32> to vector<1x128xf32>
    %broadcast_in_dim3A_117 = vector.shape_cast %get3A_40 : vector<1000xi32> to vector<1000x1xi32>
    %eq3A_118 = arith.constant 6 : i32
    %eq3A_119 = vector.broadcast %eq3A_118 : i32 to vector<1000x1xi32>
    %eq3A_120 = arith.cmpi eq, %broadcast_in_dim3A_117, %eq3A_119 : vector<1000x1xi32>
    %jit3A_121 = arith.constant -3.000000e+38 : f32
    %broadcast_in_dim3A_122 = vector.shape_cast %eq3A_120 : vector<1000x1xi1> to vector<1000x1xi1>
    %broadcast_in_dim3A_123 = vector.broadcast %broadcast_in_dim3A_122 : vector<1000x1xi1> to vector<1000x128xi1>
    %broadcast_in_dim3A_124 = vector.broadcast %jit3A_121 : f32 to vector<1000x128xf32>
    %select_n3A_125 = arith.select %broadcast_in_dim3A_123, %add3A_35, %broadcast_in_dim3A_124 : vector<1000x128xi1>, vector<1000x128xf32>
    %reduce_max3A_126 = arith.constant dense<0xFF800000> : vector<128xf32>
    %reduce_max3A_127 = vector.multi_reduction <maximumf>, %select_n3A_125, %reduce_max3A_126 [0] : vector<1000x128xf32> to vector<128xf32>
    %broadcast_in_dim3A_128 = vector.shape_cast %reduce_max3A_127 : vector<128xf32> to vector<1x128xf32>
    %broadcast_in_dim3A_129 = vector.shape_cast %get3A_40 : vector<1000xi32> to vector<1000x1xi32>
    %eq3A_130 = arith.constant 7 : i32
    %eq3A_131 = vector.broadcast %eq3A_130 : i32 to vector<1000x1xi32>
    %eq3A_132 = arith.cmpi eq, %broadcast_in_dim3A_129, %eq3A_131 : vector<1000x1xi32>
    %jit3A_133 = arith.constant -3.000000e+38 : f32
    %broadcast_in_dim3A_134 = vector.shape_cast %eq3A_132 : vector<1000x1xi1> to vector<1000x1xi1>
    %broadcast_in_dim3A_135 = vector.broadcast %broadcast_in_dim3A_134 : vector<1000x1xi1> to vector<1000x128xi1>
    %broadcast_in_dim3A_136 = vector.broadcast %jit3A_133 : f32 to vector<1000x128xf32>
    %select_n3A_137 = arith.select %broadcast_in_dim3A_135, %add3A_35, %broadcast_in_dim3A_136 : vector<1000x128xi1>, vector<1000x128xf32>
    %reduce_max3A_138 = arith.constant dense<0xFF800000> : vector<128xf32>
    %reduce_max3A_139 = vector.multi_reduction <maximumf>, %select_n3A_137, %reduce_max3A_138 [0] : vector<1000x128xf32> to vector<128xf32>
    %broadcast_in_dim3A_140 = vector.shape_cast %reduce_max3A_139 : vector<128xf32> to vector<1x128xf32>
    %broadcast_in_dim3A_141 = vector.shape_cast %get3A_40 : vector<1000xi32> to vector<1000x1xi32>
    %eq3A_142 = arith.constant 8 : i32
    %eq3A_143 = vector.broadcast %eq3A_142 : i32 to vector<1000x1xi32>
    %eq3A_144 = arith.cmpi eq, %broadcast_in_dim3A_141, %eq3A_143 : vector<1000x1xi32>
    %jit3A_145 = arith.constant -3.000000e+38 : f32
    %broadcast_in_dim3A_146 = vector.shape_cast %eq3A_144 : vector<1000x1xi1> to vector<1000x1xi1>
    %broadcast_in_dim3A_147 = vector.broadcast %broadcast_in_dim3A_146 : vector<1000x1xi1> to vector<1000x128xi1>
    %broadcast_in_dim3A_148 = vector.broadcast %jit3A_145 : f32 to vector<1000x128xf32>
    %select_n3A_149 = arith.select %broadcast_in_dim3A_147, %add3A_35, %broadcast_in_dim3A_148 : vector<1000x128xi1>, vector<1000x128xf32>
    %reduce_max3A_150 = arith.constant dense<0xFF800000> : vector<128xf32>
    %reduce_max3A_151 = vector.multi_reduction <maximumf>, %select_n3A_149, %reduce_max3A_150 [0] : vector<1000x128xf32> to vector<128xf32>
    %broadcast_in_dim3A_152 = vector.shape_cast %reduce_max3A_151 : vector<128xf32> to vector<1x128xf32>
    %broadcast_in_dim3A_153 = vector.shape_cast %get3A_40 : vector<1000xi32> to vector<1000x1xi32>
    %eq3A_154 = arith.constant 9 : i32
    %eq3A_155 = vector.broadcast %eq3A_154 : i32 to vector<1000x1xi32>
    %eq3A_156 = arith.cmpi eq, %broadcast_in_dim3A_153, %eq3A_155 : vector<1000x1xi32>
    %jit3A_157 = arith.constant -3.000000e+38 : f32
    %broadcast_in_dim3A_158 = vector.shape_cast %eq3A_156 : vector<1000x1xi1> to vector<1000x1xi1>
    %broadcast_in_dim3A_159 = vector.broadcast %broadcast_in_dim3A_158 : vector<1000x1xi1> to vector<1000x128xi1>
    %broadcast_in_dim3A_160 = vector.broadcast %jit3A_157 : f32 to vector<1000x128xf32>
    %select_n3A_161 = arith.select %broadcast_in_dim3A_159, %add3A_35, %broadcast_in_dim3A_160 : vector<1000x128xi1>, vector<1000x128xf32>
    %reduce_max3A_162 = arith.constant dense<0xFF800000> : vector<128xf32>
    %reduce_max3A_163 = vector.multi_reduction <maximumf>, %select_n3A_161, %reduce_max3A_162 [0] : vector<1000x128xf32> to vector<128xf32>
    %broadcast_in_dim3A_164 = vector.shape_cast %reduce_max3A_163 : vector<128xf32> to vector<1x128xf32>
    %broadcast_in_dim3A_165 = vector.shape_cast %get3A_40 : vector<1000xi32> to vector<1000x1xi32>
    %eq3A_166 = arith.constant 10 : i32
    %eq3A_167 = vector.broadcast %eq3A_166 : i32 to vector<1000x1xi32>
    %eq3A_168 = arith.cmpi eq, %broadcast_in_dim3A_165, %eq3A_167 : vector<1000x1xi32>
    %jit3A_169 = arith.constant -3.000000e+38 : f32
    %broadcast_in_dim3A_170 = vector.shape_cast %eq3A_168 : vector<1000x1xi1> to vector<1000x1xi1>
    %broadcast_in_dim3A_171 = vector.broadcast %broadcast_in_dim3A_170 : vector<1000x1xi1> to vector<1000x128xi1>
    %broadcast_in_dim3A_172 = vector.broadcast %jit3A_169 : f32 to vector<1000x128xf32>
    %select_n3A_173 = arith.select %broadcast_in_dim3A_171, %add3A_35, %broadcast_in_dim3A_172 : vector<1000x128xi1>, vector<1000x128xf32>
    %reduce_max3A_174 = arith.constant dense<0xFF800000> : vector<128xf32>
    %reduce_max3A_175 = vector.multi_reduction <maximumf>, %select_n3A_173, %reduce_max3A_174 [0] : vector<1000x128xf32> to vector<128xf32>
    %broadcast_in_dim3A_176 = vector.shape_cast %reduce_max3A_175 : vector<128xf32> to vector<1x128xf32>
    %broadcast_in_dim3A_177 = vector.shape_cast %get3A_40 : vector<1000xi32> to vector<1000x1xi32>
    %eq3A_178 = arith.constant 11 : i32
    %eq3A_179 = vector.broadcast %eq3A_178 : i32 to vector<1000x1xi32>
    %eq3A_180 = arith.cmpi eq, %broadcast_in_dim3A_177, %eq3A_179 : vector<1000x1xi32>
    %jit3A_181 = arith.constant -3.000000e+38 : f32
    %broadcast_in_dim3A_182 = vector.shape_cast %eq3A_180 : vector<1000x1xi1> to vector<1000x1xi1>
    %broadcast_in_dim3A_183 = vector.broadcast %broadcast_in_dim3A_182 : vector<1000x1xi1> to vector<1000x128xi1>
    %broadcast_in_dim3A_184 = vector.broadcast %jit3A_181 : f32 to vector<1000x128xf32>
    %select_n3A_185 = arith.select %broadcast_in_dim3A_183, %add3A_35, %broadcast_in_dim3A_184 : vector<1000x128xi1>, vector<1000x128xf32>
    %reduce_max3A_186 = arith.constant dense<0xFF800000> : vector<128xf32>
    %reduce_max3A_187 = vector.multi_reduction <maximumf>, %select_n3A_185, %reduce_max3A_186 [0] : vector<1000x128xf32> to vector<128xf32>
    %broadcast_in_dim3A_188 = vector.shape_cast %reduce_max3A_187 : vector<128xf32> to vector<1x128xf32>
    %broadcast_in_dim3A_189 = vector.shape_cast %get3A_40 : vector<1000xi32> to vector<1000x1xi32>
    %eq3A_190 = arith.constant 12 : i32
    %eq3A_191 = vector.broadcast %eq3A_190 : i32 to vector<1000x1xi32>
    %eq3A_192 = arith.cmpi eq, %broadcast_in_dim3A_189, %eq3A_191 : vector<1000x1xi32>
    %jit3A_193 = arith.constant -3.000000e+38 : f32
    %broadcast_in_dim3A_194 = vector.shape_cast %eq3A_192 : vector<1000x1xi1> to vector<1000x1xi1>
    %broadcast_in_dim3A_195 = vector.broadcast %broadcast_in_dim3A_194 : vector<1000x1xi1> to vector<1000x128xi1>
    %broadcast_in_dim3A_196 = vector.broadcast %jit3A_193 : f32 to vector<1000x128xf32>
    %select_n3A_197 = arith.select %broadcast_in_dim3A_195, %add3A_35, %broadcast_in_dim3A_196 : vector<1000x128xi1>, vector<1000x128xf32>
    %reduce_max3A_198 = arith.constant dense<0xFF800000> : vector<128xf32>
    %reduce_max3A_199 = vector.multi_reduction <maximumf>, %select_n3A_197, %reduce_max3A_198 [0] : vector<1000x128xf32> to vector<128xf32>
    %broadcast_in_dim3A_200 = vector.shape_cast %reduce_max3A_199 : vector<128xf32> to vector<1x128xf32>
    %broadcast_in_dim3A_201 = vector.shape_cast %get3A_40 : vector<1000xi32> to vector<1000x1xi32>
    %eq3A_202 = arith.constant 13 : i32
    %eq3A_203 = vector.broadcast %eq3A_202 : i32 to vector<1000x1xi32>
    %eq3A_204 = arith.cmpi eq, %broadcast_in_dim3A_201, %eq3A_203 : vector<1000x1xi32>
    %jit3A_205 = arith.constant -3.000000e+38 : f32
    %broadcast_in_dim3A_206 = vector.shape_cast %eq3A_204 : vector<1000x1xi1> to vector<1000x1xi1>
    %broadcast_in_dim3A_207 = vector.broadcast %broadcast_in_dim3A_206 : vector<1000x1xi1> to vector<1000x128xi1>
    %broadcast_in_dim3A_208 = vector.broadcast %jit3A_205 : f32 to vector<1000x128xf32>
    %select_n3A_209 = arith.select %broadcast_in_dim3A_207, %add3A_35, %broadcast_in_dim3A_208 : vector<1000x128xi1>, vector<1000x128xf32>
    %reduce_max3A_210 = arith.constant dense<0xFF800000> : vector<128xf32>
    %reduce_max3A_211 = vector.multi_reduction <maximumf>, %select_n3A_209, %reduce_max3A_210 [0] : vector<1000x128xf32> to vector<128xf32>
    %broadcast_in_dim3A_212 = vector.shape_cast %reduce_max3A_211 : vector<128xf32> to vector<1x128xf32>
    %broadcast_in_dim3A_213 = vector.shape_cast %get3A_40 : vector<1000xi32> to vector<1000x1xi32>
    %eq3A_214 = arith.constant 14 : i32
    %eq3A_215 = vector.broadcast %eq3A_214 : i32 to vector<1000x1xi32>
    %eq3A_216 = arith.cmpi eq, %broadcast_in_dim3A_213, %eq3A_215 : vector<1000x1xi32>
    %jit3A_217 = arith.constant -3.000000e+38 : f32
    %broadcast_in_dim3A_218 = vector.shape_cast %eq3A_216 : vector<1000x1xi1> to vector<1000x1xi1>
    %broadcast_in_dim3A_219 = vector.broadcast %broadcast_in_dim3A_218 : vector<1000x1xi1> to vector<1000x128xi1>
    %broadcast_in_dim3A_220 = vector.broadcast %jit3A_217 : f32 to vector<1000x128xf32>
    %select_n3A_221 = arith.select %broadcast_in_dim3A_219, %add3A_35, %broadcast_in_dim3A_220 : vector<1000x128xi1>, vector<1000x128xf32>
    %reduce_max3A_222 = arith.constant dense<0xFF800000> : vector<128xf32>
    %reduce_max3A_223 = vector.multi_reduction <maximumf>, %select_n3A_221, %reduce_max3A_222 [0] : vector<1000x128xf32> to vector<128xf32>
    %broadcast_in_dim3A_224 = vector.shape_cast %reduce_max3A_223 : vector<128xf32> to vector<1x128xf32>
    %broadcast_in_dim3A_225 = vector.shape_cast %get3A_40 : vector<1000xi32> to vector<1000x1xi32>
    %eq3A_226 = arith.constant 15 : i32
    %eq3A_227 = vector.broadcast %eq3A_226 : i32 to vector<1000x1xi32>
    %eq3A_228 = arith.cmpi eq, %broadcast_in_dim3A_225, %eq3A_227 : vector<1000x1xi32>
    %jit3A_229 = arith.constant -3.000000e+38 : f32
    %broadcast_in_dim3A_230 = vector.shape_cast %eq3A_228 : vector<1000x1xi1> to vector<1000x1xi1>
    %broadcast_in_dim3A_231 = vector.broadcast %broadcast_in_dim3A_230 : vector<1000x1xi1> to vector<1000x128xi1>
    %broadcast_in_dim3A_232 = vector.broadcast %jit3A_229 : f32 to vector<1000x128xf32>
    %select_n3A_233 = arith.select %broadcast_in_dim3A_231, %add3A_35, %broadcast_in_dim3A_232 : vector<1000x128xi1>, vector<1000x128xf32>
    %reduce_max3A_234 = arith.constant dense<0xFF800000> : vector<128xf32>
    %reduce_max3A_235 = vector.multi_reduction <maximumf>, %select_n3A_233, %reduce_max3A_234 [0] : vector<1000x128xf32> to vector<128xf32>
    %broadcast_in_dim3A_236 = vector.shape_cast %reduce_max3A_235 : vector<128xf32> to vector<1x128xf32>
    %broadcast_in_dim3A_237 = vector.shape_cast %get3A_40 : vector<1000xi32> to vector<1000x1xi32>
    %eq3A_238 = arith.constant 16 : i32
    %eq3A_239 = vector.broadcast %eq3A_238 : i32 to vector<1000x1xi32>
    %eq3A_240 = arith.cmpi eq, %broadcast_in_dim3A_237, %eq3A_239 : vector<1000x1xi32>
    %jit3A_241 = arith.constant -3.000000e+38 : f32
    %broadcast_in_dim3A_242 = vector.shape_cast %eq3A_240 : vector<1000x1xi1> to vector<1000x1xi1>
    %broadcast_in_dim3A_243 = vector.broadcast %broadcast_in_dim3A_242 : vector<1000x1xi1> to vector<1000x128xi1>
    %broadcast_in_dim3A_244 = vector.broadcast %jit3A_241 : f32 to vector<1000x128xf32>
    %select_n3A_245 = arith.select %broadcast_in_dim3A_243, %add3A_35, %broadcast_in_dim3A_244 : vector<1000x128xi1>, vector<1000x128xf32>
    %reduce_max3A_246 = arith.constant dense<0xFF800000> : vector<128xf32>
    %reduce_max3A_247 = vector.multi_reduction <maximumf>, %select_n3A_245, %reduce_max3A_246 [0] : vector<1000x128xf32> to vector<128xf32>
    %broadcast_in_dim3A_248 = vector.shape_cast %reduce_max3A_247 : vector<128xf32> to vector<1x128xf32>
    %broadcast_in_dim3A_249 = vector.shape_cast %get3A_40 : vector<1000xi32> to vector<1000x1xi32>
    %eq3A_250 = arith.constant 17 : i32
    %eq3A_251 = vector.broadcast %eq3A_250 : i32 to vector<1000x1xi32>
    %eq3A_252 = arith.cmpi eq, %broadcast_in_dim3A_249, %eq3A_251 : vector<1000x1xi32>
    %jit3A_253 = arith.constant -3.000000e+38 : f32
    %broadcast_in_dim3A_254 = vector.shape_cast %eq3A_252 : vector<1000x1xi1> to vector<1000x1xi1>
    %broadcast_in_dim3A_255 = vector.broadcast %broadcast_in_dim3A_254 : vector<1000x1xi1> to vector<1000x128xi1>
    %broadcast_in_dim3A_256 = vector.broadcast %jit3A_253 : f32 to vector<1000x128xf32>
    %select_n3A_257 = arith.select %broadcast_in_dim3A_255, %add3A_35, %broadcast_in_dim3A_256 : vector<1000x128xi1>, vector<1000x128xf32>
    %reduce_max3A_258 = arith.constant dense<0xFF800000> : vector<128xf32>
    %reduce_max3A_259 = vector.multi_reduction <maximumf>, %select_n3A_257, %reduce_max3A_258 [0] : vector<1000x128xf32> to vector<128xf32>
    %broadcast_in_dim3A_260 = vector.shape_cast %reduce_max3A_259 : vector<128xf32> to vector<1x128xf32>
    %broadcast_in_dim3A_261 = vector.shape_cast %get3A_40 : vector<1000xi32> to vector<1000x1xi32>
    %eq3A_262 = arith.constant 18 : i32
    %eq3A_263 = vector.broadcast %eq3A_262 : i32 to vector<1000x1xi32>
    %eq3A_264 = arith.cmpi eq, %broadcast_in_dim3A_261, %eq3A_263 : vector<1000x1xi32>
    %jit3A_265 = arith.constant -3.000000e+38 : f32
    %broadcast_in_dim3A_266 = vector.shape_cast %eq3A_264 : vector<1000x1xi1> to vector<1000x1xi1>
    %broadcast_in_dim3A_267 = vector.broadcast %broadcast_in_dim3A_266 : vector<1000x1xi1> to vector<1000x128xi1>
    %broadcast_in_dim3A_268 = vector.broadcast %jit3A_265 : f32 to vector<1000x128xf32>
    %select_n3A_269 = arith.select %broadcast_in_dim3A_267, %add3A_35, %broadcast_in_dim3A_268 : vector<1000x128xi1>, vector<1000x128xf32>
    %reduce_max3A_270 = arith.constant dense<0xFF800000> : vector<128xf32>
    %reduce_max3A_271 = vector.multi_reduction <maximumf>, %select_n3A_269, %reduce_max3A_270 [0] : vector<1000x128xf32> to vector<128xf32>
    %broadcast_in_dim3A_272 = vector.shape_cast %reduce_max3A_271 : vector<128xf32> to vector<1x128xf32>
    %broadcast_in_dim3A_273 = vector.shape_cast %get3A_40 : vector<1000xi32> to vector<1000x1xi32>
    %eq3A_274 = arith.constant 19 : i32
    %eq3A_275 = vector.broadcast %eq3A_274 : i32 to vector<1000x1xi32>
    %eq3A_276 = arith.cmpi eq, %broadcast_in_dim3A_273, %eq3A_275 : vector<1000x1xi32>
    %jit3A_277 = arith.constant -3.000000e+38 : f32
    %broadcast_in_dim3A_278 = vector.shape_cast %eq3A_276 : vector<1000x1xi1> to vector<1000x1xi1>
    %broadcast_in_dim3A_279 = vector.broadcast %broadcast_in_dim3A_278 : vector<1000x1xi1> to vector<1000x128xi1>
    %broadcast_in_dim3A_280 = vector.broadcast %jit3A_277 : f32 to vector<1000x128xf32>
    %select_n3A_281 = arith.select %broadcast_in_dim3A_279, %add3A_35, %broadcast_in_dim3A_280 : vector<1000x128xi1>, vector<1000x128xf32>
    %reduce_max3A_282 = arith.constant dense<0xFF800000> : vector<128xf32>
    %reduce_max3A_283 = vector.multi_reduction <maximumf>, %select_n3A_281, %reduce_max3A_282 [0] : vector<1000x128xf32> to vector<128xf32>
    %broadcast_in_dim3A_284 = vector.shape_cast %reduce_max3A_283 : vector<128xf32> to vector<1x128xf32>
    %broadcast_in_dim3A_285 = vector.shape_cast %get3A_40 : vector<1000xi32> to vector<1000x1xi32>
    %eq3A_286 = arith.constant 20 : i32
    %eq3A_287 = vector.broadcast %eq3A_286 : i32 to vector<1000x1xi32>
    %eq3A_288 = arith.cmpi eq, %broadcast_in_dim3A_285, %eq3A_287 : vector<1000x1xi32>
    %jit3A_289 = arith.constant -3.000000e+38 : f32
    %broadcast_in_dim3A_290 = vector.shape_cast %eq3A_288 : vector<1000x1xi1> to vector<1000x1xi1>
    %broadcast_in_dim3A_291 = vector.broadcast %broadcast_in_dim3A_290 : vector<1000x1xi1> to vector<1000x128xi1>
    %broadcast_in_dim3A_292 = vector.broadcast %jit3A_289 : f32 to vector<1000x128xf32>
    %select_n3A_293 = arith.select %broadcast_in_dim3A_291, %add3A_35, %broadcast_in_dim3A_292 : vector<1000x128xi1>, vector<1000x128xf32>
    %reduce_max3A_294 = arith.constant dense<0xFF800000> : vector<128xf32>
    %reduce_max3A_295 = vector.multi_reduction <maximumf>, %select_n3A_293, %reduce_max3A_294 [0] : vector<1000x128xf32> to vector<128xf32>
    %broadcast_in_dim3A_296 = vector.shape_cast %reduce_max3A_295 : vector<128xf32> to vector<1x128xf32>
    %broadcast_in_dim3A_297 = vector.shape_cast %get3A_40 : vector<1000xi32> to vector<1000x1xi32>
    %eq3A_298 = arith.constant 21 : i32
    %eq3A_299 = vector.broadcast %eq3A_298 : i32 to vector<1000x1xi32>
    %eq3A_300 = arith.cmpi eq, %broadcast_in_dim3A_297, %eq3A_299 : vector<1000x1xi32>
    %jit3A_301 = arith.constant -3.000000e+38 : f32
    %broadcast_in_dim3A_302 = vector.shape_cast %eq3A_300 : vector<1000x1xi1> to vector<1000x1xi1>
    %broadcast_in_dim3A_303 = vector.broadcast %broadcast_in_dim3A_302 : vector<1000x1xi1> to vector<1000x128xi1>
    %broadcast_in_dim3A_304 = vector.broadcast %jit3A_301 : f32 to vector<1000x128xf32>
    %select_n3A_305 = arith.select %broadcast_in_dim3A_303, %add3A_35, %broadcast_in_dim3A_304 : vector<1000x128xi1>, vector<1000x128xf32>
    %reduce_max3A_306 = arith.constant dense<0xFF800000> : vector<128xf32>
    %reduce_max3A_307 = vector.multi_reduction <maximumf>, %select_n3A_305, %reduce_max3A_306 [0] : vector<1000x128xf32> to vector<128xf32>
    %broadcast_in_dim3A_308 = vector.shape_cast %reduce_max3A_307 : vector<128xf32> to vector<1x128xf32>
    %broadcast_in_dim3A_309 = vector.shape_cast %get3A_40 : vector<1000xi32> to vector<1000x1xi32>
    %eq3A_310 = arith.constant 22 : i32
    %eq3A_311 = vector.broadcast %eq3A_310 : i32 to vector<1000x1xi32>
    %eq3A_312 = arith.cmpi eq, %broadcast_in_dim3A_309, %eq3A_311 : vector<1000x1xi32>
    %jit3A_313 = arith.constant -3.000000e+38 : f32
    %broadcast_in_dim3A_314 = vector.shape_cast %eq3A_312 : vector<1000x1xi1> to vector<1000x1xi1>
    %broadcast_in_dim3A_315 = vector.broadcast %broadcast_in_dim3A_314 : vector<1000x1xi1> to vector<1000x128xi1>
    %broadcast_in_dim3A_316 = vector.broadcast %jit3A_313 : f32 to vector<1000x128xf32>
    %select_n3A_317 = arith.select %broadcast_in_dim3A_315, %add3A_35, %broadcast_in_dim3A_316 : vector<1000x128xi1>, vector<1000x128xf32>
    %reduce_max3A_318 = arith.constant dense<0xFF800000> : vector<128xf32>
    %reduce_max3A_319 = vector.multi_reduction <maximumf>, %select_n3A_317, %reduce_max3A_318 [0] : vector<1000x128xf32> to vector<128xf32>
    %broadcast_in_dim3A_320 = vector.shape_cast %reduce_max3A_319 : vector<128xf32> to vector<1x128xf32>
    %broadcast_in_dim3A_321 = vector.shape_cast %get3A_40 : vector<1000xi32> to vector<1000x1xi32>
    %eq3A_322 = arith.constant 23 : i32
    %eq3A_323 = vector.broadcast %eq3A_322 : i32 to vector<1000x1xi32>
    %eq3A_324 = arith.cmpi eq, %broadcast_in_dim3A_321, %eq3A_323 : vector<1000x1xi32>
    %jit3A_325 = arith.constant -3.000000e+38 : f32
    %broadcast_in_dim3A_326 = vector.shape_cast %eq3A_324 : vector<1000x1xi1> to vector<1000x1xi1>
    %broadcast_in_dim3A_327 = vector.broadcast %broadcast_in_dim3A_326 : vector<1000x1xi1> to vector<1000x128xi1>
    %broadcast_in_dim3A_328 = vector.broadcast %jit3A_325 : f32 to vector<1000x128xf32>
    %select_n3A_329 = arith.select %broadcast_in_dim3A_327, %add3A_35, %broadcast_in_dim3A_328 : vector<1000x128xi1>, vector<1000x128xf32>
    %reduce_max3A_330 = arith.constant dense<0xFF800000> : vector<128xf32>
    %reduce_max3A_331 = vector.multi_reduction <maximumf>, %select_n3A_329, %reduce_max3A_330 [0] : vector<1000x128xf32> to vector<128xf32>
    %broadcast_in_dim3A_332 = vector.shape_cast %reduce_max3A_331 : vector<128xf32> to vector<1x128xf32>
    %broadcast_in_dim3A_333 = vector.shape_cast %get3A_40 : vector<1000xi32> to vector<1000x1xi32>
    %eq3A_334 = arith.constant 24 : i32
    %eq3A_335 = vector.broadcast %eq3A_334 : i32 to vector<1000x1xi32>
    %eq3A_336 = arith.cmpi eq, %broadcast_in_dim3A_333, %eq3A_335 : vector<1000x1xi32>
    %jit3A_337 = arith.constant -3.000000e+38 : f32
    %broadcast_in_dim3A_338 = vector.shape_cast %eq3A_336 : vector<1000x1xi1> to vector<1000x1xi1>
    %broadcast_in_dim3A_339 = vector.broadcast %broadcast_in_dim3A_338 : vector<1000x1xi1> to vector<1000x128xi1>
    %broadcast_in_dim3A_340 = vector.broadcast %jit3A_337 : f32 to vector<1000x128xf32>
    %select_n3A_341 = arith.select %broadcast_in_dim3A_339, %add3A_35, %broadcast_in_dim3A_340 : vector<1000x128xi1>, vector<1000x128xf32>
    %reduce_max3A_342 = arith.constant dense<0xFF800000> : vector<128xf32>
    %reduce_max3A_343 = vector.multi_reduction <maximumf>, %select_n3A_341, %reduce_max3A_342 [0] : vector<1000x128xf32> to vector<128xf32>
    %broadcast_in_dim3A_344 = vector.shape_cast %reduce_max3A_343 : vector<128xf32> to vector<1x128xf32>
    %broadcast_in_dim3A_345 = vector.shape_cast %get3A_40 : vector<1000xi32> to vector<1000x1xi32>
    %eq3A_346 = arith.constant 25 : i32
    %eq3A_347 = vector.broadcast %eq3A_346 : i32 to vector<1000x1xi32>
    %eq3A_348 = arith.cmpi eq, %broadcast_in_dim3A_345, %eq3A_347 : vector<1000x1xi32>
    %jit3A_349 = arith.constant -3.000000e+38 : f32
    %broadcast_in_dim3A_350 = vector.shape_cast %eq3A_348 : vector<1000x1xi1> to vector<1000x1xi1>
    %broadcast_in_dim3A_351 = vector.broadcast %broadcast_in_dim3A_350 : vector<1000x1xi1> to vector<1000x128xi1>
    %broadcast_in_dim3A_352 = vector.broadcast %jit3A_349 : f32 to vector<1000x128xf32>
    %select_n3A_353 = arith.select %broadcast_in_dim3A_351, %add3A_35, %broadcast_in_dim3A_352 : vector<1000x128xi1>, vector<1000x128xf32>
    %reduce_max3A_354 = arith.constant dense<0xFF800000> : vector<128xf32>
    %reduce_max3A_355 = vector.multi_reduction <maximumf>, %select_n3A_353, %reduce_max3A_354 [0] : vector<1000x128xf32> to vector<128xf32>
    %broadcast_in_dim3A_356 = vector.shape_cast %reduce_max3A_355 : vector<128xf32> to vector<1x128xf32>
    %broadcast_in_dim3A_357 = vector.shape_cast %get3A_40 : vector<1000xi32> to vector<1000x1xi32>
    %eq3A_358 = arith.constant 26 : i32
    %eq3A_359 = vector.broadcast %eq3A_358 : i32 to vector<1000x1xi32>
    %eq3A_360 = arith.cmpi eq, %broadcast_in_dim3A_357, %eq3A_359 : vector<1000x1xi32>
    %jit3A_361 = arith.constant -3.000000e+38 : f32
    %broadcast_in_dim3A_362 = vector.shape_cast %eq3A_360 : vector<1000x1xi1> to vector<1000x1xi1>
    %broadcast_in_dim3A_363 = vector.broadcast %broadcast_in_dim3A_362 : vector<1000x1xi1> to vector<1000x128xi1>
    %broadcast_in_dim3A_364 = vector.broadcast %jit3A_361 : f32 to vector<1000x128xf32>
    %select_n3A_365 = arith.select %broadcast_in_dim3A_363, %add3A_35, %broadcast_in_dim3A_364 : vector<1000x128xi1>, vector<1000x128xf32>
    %reduce_max3A_366 = arith.constant dense<0xFF800000> : vector<128xf32>
    %reduce_max3A_367 = vector.multi_reduction <maximumf>, %select_n3A_365, %reduce_max3A_366 [0] : vector<1000x128xf32> to vector<128xf32>
    %broadcast_in_dim3A_368 = vector.shape_cast %reduce_max3A_367 : vector<128xf32> to vector<1x128xf32>
    %broadcast_in_dim3A_369 = vector.shape_cast %get3A_40 : vector<1000xi32> to vector<1000x1xi32>
    %eq3A_370 = arith.constant 27 : i32
    %eq3A_371 = vector.broadcast %eq3A_370 : i32 to vector<1000x1xi32>
    %eq3A_372 = arith.cmpi eq, %broadcast_in_dim3A_369, %eq3A_371 : vector<1000x1xi32>
    %jit3A_373 = arith.constant -3.000000e+38 : f32
    %broadcast_in_dim3A_374 = vector.shape_cast %eq3A_372 : vector<1000x1xi1> to vector<1000x1xi1>
    %broadcast_in_dim3A_375 = vector.broadcast %broadcast_in_dim3A_374 : vector<1000x1xi1> to vector<1000x128xi1>
    %broadcast_in_dim3A_376 = vector.broadcast %jit3A_373 : f32 to vector<1000x128xf32>
    %select_n3A_377 = arith.select %broadcast_in_dim3A_375, %add3A_35, %broadcast_in_dim3A_376 : vector<1000x128xi1>, vector<1000x128xf32>
    %reduce_max3A_378 = arith.constant dense<0xFF800000> : vector<128xf32>
    %reduce_max3A_379 = vector.multi_reduction <maximumf>, %select_n3A_377, %reduce_max3A_378 [0] : vector<1000x128xf32> to vector<128xf32>
    %broadcast_in_dim3A_380 = vector.shape_cast %reduce_max3A_379 : vector<128xf32> to vector<1x128xf32>
    %broadcast_in_dim3A_381 = vector.shape_cast %get3A_40 : vector<1000xi32> to vector<1000x1xi32>
    %eq3A_382 = arith.constant 28 : i32
    %eq3A_383 = vector.broadcast %eq3A_382 : i32 to vector<1000x1xi32>
    %eq3A_384 = arith.cmpi eq, %broadcast_in_dim3A_381, %eq3A_383 : vector<1000x1xi32>
    %jit3A_385 = arith.constant -3.000000e+38 : f32
    %broadcast_in_dim3A_386 = vector.shape_cast %eq3A_384 : vector<1000x1xi1> to vector<1000x1xi1>
    %broadcast_in_dim3A_387 = vector.broadcast %broadcast_in_dim3A_386 : vector<1000x1xi1> to vector<1000x128xi1>
    %broadcast_in_dim3A_388 = vector.broadcast %jit3A_385 : f32 to vector<1000x128xf32>
    %select_n3A_389 = arith.select %broadcast_in_dim3A_387, %add3A_35, %broadcast_in_dim3A_388 : vector<1000x128xi1>, vector<1000x128xf32>
    %reduce_max3A_390 = arith.constant dense<0xFF800000> : vector<128xf32>
    %reduce_max3A_391 = vector.multi_reduction <maximumf>, %select_n3A_389, %reduce_max3A_390 [0] : vector<1000x128xf32> to vector<128xf32>
    %broadcast_in_dim3A_392 = vector.shape_cast %reduce_max3A_391 : vector<128xf32> to vector<1x128xf32>
    %broadcast_in_dim3A_393 = vector.shape_cast %get3A_40 : vector<1000xi32> to vector<1000x1xi32>
    %eq3A_394 = arith.constant 29 : i32
    %eq3A_395 = vector.broadcast %eq3A_394 : i32 to vector<1000x1xi32>
    %eq3A_396 = arith.cmpi eq, %broadcast_in_dim3A_393, %eq3A_395 : vector<1000x1xi32>
    %jit3A_397 = arith.constant -3.000000e+38 : f32
    %broadcast_in_dim3A_398 = vector.shape_cast %eq3A_396 : vector<1000x1xi1> to vector<1000x1xi1>
    %broadcast_in_dim3A_399 = vector.broadcast %broadcast_in_dim3A_398 : vector<1000x1xi1> to vector<1000x128xi1>
    %broadcast_in_dim3A_400 = vector.broadcast %jit3A_397 : f32 to vector<1000x128xf32>
    %select_n3A_401 = arith.select %broadcast_in_dim3A_399, %add3A_35, %broadcast_in_dim3A_400 : vector<1000x128xi1>, vector<1000x128xf32>
    %reduce_max3A_402 = arith.constant dense<0xFF800000> : vector<128xf32>
    %reduce_max3A_403 = vector.multi_reduction <maximumf>, %select_n3A_401, %reduce_max3A_402 [0] : vector<1000x128xf32> to vector<128xf32>
    %broadcast_in_dim3A_404 = vector.shape_cast %reduce_max3A_403 : vector<128xf32> to vector<1x128xf32>
    %broadcast_in_dim3A_405 = vector.shape_cast %get3A_40 : vector<1000xi32> to vector<1000x1xi32>
    %eq3A_406 = arith.constant 30 : i32
    %eq3A_407 = vector.broadcast %eq3A_406 : i32 to vector<1000x1xi32>
    %eq3A_408 = arith.cmpi eq, %broadcast_in_dim3A_405, %eq3A_407 : vector<1000x1xi32>
    %jit3A_409 = arith.constant -3.000000e+38 : f32
    %broadcast_in_dim3A_410 = vector.shape_cast %eq3A_408 : vector<1000x1xi1> to vector<1000x1xi1>
    %broadcast_in_dim3A_411 = vector.broadcast %broadcast_in_dim3A_410 : vector<1000x1xi1> to vector<1000x128xi1>
    %broadcast_in_dim3A_412 = vector.broadcast %jit3A_409 : f32 to vector<1000x128xf32>
    %select_n3A_413 = arith.select %broadcast_in_dim3A_411, %add3A_35, %broadcast_in_dim3A_412 : vector<1000x128xi1>, vector<1000x128xf32>
    %reduce_max3A_414 = arith.constant dense<0xFF800000> : vector<128xf32>
    %reduce_max3A_415 = vector.multi_reduction <maximumf>, %select_n3A_413, %reduce_max3A_414 [0] : vector<1000x128xf32> to vector<128xf32>
    %broadcast_in_dim3A_416 = vector.shape_cast %reduce_max3A_415 : vector<128xf32> to vector<1x128xf32>
    %broadcast_in_dim3A_417 = vector.shape_cast %get3A_40 : vector<1000xi32> to vector<1000x1xi32>
    %eq3A_418 = arith.constant 31 : i32
    %eq3A_419 = vector.broadcast %eq3A_418 : i32 to vector<1000x1xi32>
    %eq3A_420 = arith.cmpi eq, %broadcast_in_dim3A_417, %eq3A_419 : vector<1000x1xi32>
    %jit3A_421 = arith.constant -3.000000e+38 : f32
    %broadcast_in_dim3A_422 = vector.shape_cast %eq3A_420 : vector<1000x1xi1> to vector<1000x1xi1>
    %broadcast_in_dim3A_423 = vector.broadcast %broadcast_in_dim3A_422 : vector<1000x1xi1> to vector<1000x128xi1>
    %broadcast_in_dim3A_424 = vector.broadcast %jit3A_421 : f32 to vector<1000x128xf32>
    %select_n3A_425 = arith.select %broadcast_in_dim3A_423, %add3A_35, %broadcast_in_dim3A_424 : vector<1000x128xi1>, vector<1000x128xf32>
    %reduce_max3A_426 = arith.constant dense<0xFF800000> : vector<128xf32>
    %reduce_max3A_427 = vector.multi_reduction <maximumf>, %select_n3A_425, %reduce_max3A_426 [0] : vector<1000x128xf32> to vector<128xf32>
    %broadcast_in_dim3A_428 = vector.shape_cast %reduce_max3A_427 : vector<128xf32> to vector<1x128xf32>
    %broadcast_in_dim3A_429 = vector.shape_cast %get3A_40 : vector<1000xi32> to vector<1000x1xi32>
    %eq3A_430 = arith.constant 32 : i32
    %eq3A_431 = vector.broadcast %eq3A_430 : i32 to vector<1000x1xi32>
    %eq3A_432 = arith.cmpi eq, %broadcast_in_dim3A_429, %eq3A_431 : vector<1000x1xi32>
    %jit3A_433 = arith.constant -3.000000e+38 : f32
    %broadcast_in_dim3A_434 = vector.shape_cast %eq3A_432 : vector<1000x1xi1> to vector<1000x1xi1>
    %broadcast_in_dim3A_435 = vector.broadcast %broadcast_in_dim3A_434 : vector<1000x1xi1> to vector<1000x128xi1>
    %broadcast_in_dim3A_436 = vector.broadcast %jit3A_433 : f32 to vector<1000x128xf32>
    %select_n3A_437 = arith.select %broadcast_in_dim3A_435, %add3A_35, %broadcast_in_dim3A_436 : vector<1000x128xi1>, vector<1000x128xf32>
    %reduce_max3A_438 = arith.constant dense<0xFF800000> : vector<128xf32>
    %reduce_max3A_439 = vector.multi_reduction <maximumf>, %select_n3A_437, %reduce_max3A_438 [0] : vector<1000x128xf32> to vector<128xf32>
    %broadcast_in_dim3A_440 = vector.shape_cast %reduce_max3A_439 : vector<128xf32> to vector<1x128xf32>
    %broadcast_in_dim3A_441 = vector.shape_cast %get3A_40 : vector<1000xi32> to vector<1000x1xi32>
    %eq3A_442 = arith.constant 33 : i32
    %eq3A_443 = vector.broadcast %eq3A_442 : i32 to vector<1000x1xi32>
    %eq3A_444 = arith.cmpi eq, %broadcast_in_dim3A_441, %eq3A_443 : vector<1000x1xi32>
    %jit3A_445 = arith.constant -3.000000e+38 : f32
    %broadcast_in_dim3A_446 = vector.shape_cast %eq3A_444 : vector<1000x1xi1> to vector<1000x1xi1>
    %broadcast_in_dim3A_447 = vector.broadcast %broadcast_in_dim3A_446 : vector<1000x1xi1> to vector<1000x128xi1>
    %broadcast_in_dim3A_448 = vector.broadcast %jit3A_445 : f32 to vector<1000x128xf32>
    %select_n3A_449 = arith.select %broadcast_in_dim3A_447, %add3A_35, %broadcast_in_dim3A_448 : vector<1000x128xi1>, vector<1000x128xf32>
    %reduce_max3A_450 = arith.constant dense<0xFF800000> : vector<128xf32>
    %reduce_max3A_451 = vector.multi_reduction <maximumf>, %select_n3A_449, %reduce_max3A_450 [0] : vector<1000x128xf32> to vector<128xf32>
    %broadcast_in_dim3A_452 = vector.shape_cast %reduce_max3A_451 : vector<128xf32> to vector<1x128xf32>
    %broadcast_in_dim3A_453 = vector.shape_cast %get3A_40 : vector<1000xi32> to vector<1000x1xi32>
    %eq3A_454 = arith.constant 34 : i32
    %eq3A_455 = vector.broadcast %eq3A_454 : i32 to vector<1000x1xi32>
    %eq3A_456 = arith.cmpi eq, %broadcast_in_dim3A_453, %eq3A_455 : vector<1000x1xi32>
    %jit3A_457 = arith.constant -3.000000e+38 : f32
    %broadcast_in_dim3A_458 = vector.shape_cast %eq3A_456 : vector<1000x1xi1> to vector<1000x1xi1>
    %broadcast_in_dim3A_459 = vector.broadcast %broadcast_in_dim3A_458 : vector<1000x1xi1> to vector<1000x128xi1>
    %broadcast_in_dim3A_460 = vector.broadcast %jit3A_457 : f32 to vector<1000x128xf32>
    %select_n3A_461 = arith.select %broadcast_in_dim3A_459, %add3A_35, %broadcast_in_dim3A_460 : vector<1000x128xi1>, vector<1000x128xf32>
    %reduce_max3A_462 = arith.constant dense<0xFF800000> : vector<128xf32>
    %reduce_max3A_463 = vector.multi_reduction <maximumf>, %select_n3A_461, %reduce_max3A_462 [0] : vector<1000x128xf32> to vector<128xf32>
    %broadcast_in_dim3A_464 = vector.shape_cast %reduce_max3A_463 : vector<128xf32> to vector<1x128xf32>
    %broadcast_in_dim3A_465 = vector.shape_cast %get3A_40 : vector<1000xi32> to vector<1000x1xi32>
    %eq3A_466 = arith.constant 35 : i32
    %eq3A_467 = vector.broadcast %eq3A_466 : i32 to vector<1000x1xi32>
    %eq3A_468 = arith.cmpi eq, %broadcast_in_dim3A_465, %eq3A_467 : vector<1000x1xi32>
    %jit3A_469 = arith.constant -3.000000e+38 : f32
    %broadcast_in_dim3A_470 = vector.shape_cast %eq3A_468 : vector<1000x1xi1> to vector<1000x1xi1>
    %broadcast_in_dim3A_471 = vector.broadcast %broadcast_in_dim3A_470 : vector<1000x1xi1> to vector<1000x128xi1>
    %broadcast_in_dim3A_472 = vector.broadcast %jit3A_469 : f32 to vector<1000x128xf32>
    %select_n3A_473 = arith.select %broadcast_in_dim3A_471, %add3A_35, %broadcast_in_dim3A_472 : vector<1000x128xi1>, vector<1000x128xf32>
    %reduce_max3A_474 = arith.constant dense<0xFF800000> : vector<128xf32>
    %reduce_max3A_475 = vector.multi_reduction <maximumf>, %select_n3A_473, %reduce_max3A_474 [0] : vector<1000x128xf32> to vector<128xf32>
    %broadcast_in_dim3A_476 = vector.shape_cast %reduce_max3A_475 : vector<128xf32> to vector<1x128xf32>
    %broadcast_in_dim3A_477 = vector.shape_cast %get3A_40 : vector<1000xi32> to vector<1000x1xi32>
    %eq3A_478 = arith.constant 36 : i32
    %eq3A_479 = vector.broadcast %eq3A_478 : i32 to vector<1000x1xi32>
    %eq3A_480 = arith.cmpi eq, %broadcast_in_dim3A_477, %eq3A_479 : vector<1000x1xi32>
    %jit3A_481 = arith.constant -3.000000e+38 : f32
    %broadcast_in_dim3A_482 = vector.shape_cast %eq3A_480 : vector<1000x1xi1> to vector<1000x1xi1>
    %broadcast_in_dim3A_483 = vector.broadcast %broadcast_in_dim3A_482 : vector<1000x1xi1> to vector<1000x128xi1>
    %broadcast_in_dim3A_484 = vector.broadcast %jit3A_481 : f32 to vector<1000x128xf32>
    %select_n3A_485 = arith.select %broadcast_in_dim3A_483, %add3A_35, %broadcast_in_dim3A_484 : vector<1000x128xi1>, vector<1000x128xf32>
    %reduce_max3A_486 = arith.constant dense<0xFF800000> : vector<128xf32>
    %reduce_max3A_487 = vector.multi_reduction <maximumf>, %select_n3A_485, %reduce_max3A_486 [0] : vector<1000x128xf32> to vector<128xf32>
    %broadcast_in_dim3A_488 = vector.shape_cast %reduce_max3A_487 : vector<128xf32> to vector<1x128xf32>
    %broadcast_in_dim3A_489 = vector.shape_cast %get3A_40 : vector<1000xi32> to vector<1000x1xi32>
    %eq3A_490 = arith.constant 37 : i32
    %eq3A_491 = vector.broadcast %eq3A_490 : i32 to vector<1000x1xi32>
    %eq3A_492 = arith.cmpi eq, %broadcast_in_dim3A_489, %eq3A_491 : vector<1000x1xi32>
    %jit3A_493 = arith.constant -3.000000e+38 : f32
    %broadcast_in_dim3A_494 = vector.shape_cast %eq3A_492 : vector<1000x1xi1> to vector<1000x1xi1>
    %broadcast_in_dim3A_495 = vector.broadcast %broadcast_in_dim3A_494 : vector<1000x1xi1> to vector<1000x128xi1>
    %broadcast_in_dim3A_496 = vector.broadcast %jit3A_493 : f32 to vector<1000x128xf32>
    %select_n3A_497 = arith.select %broadcast_in_dim3A_495, %add3A_35, %broadcast_in_dim3A_496 : vector<1000x128xi1>, vector<1000x128xf32>
    %reduce_max3A_498 = arith.constant dense<0xFF800000> : vector<128xf32>
    %reduce_max3A_499 = vector.multi_reduction <maximumf>, %select_n3A_497, %reduce_max3A_498 [0] : vector<1000x128xf32> to vector<128xf32>
    %broadcast_in_dim3A_500 = vector.shape_cast %reduce_max3A_499 : vector<128xf32> to vector<1x128xf32>
    %broadcast_in_dim3A_501 = vector.shape_cast %get3A_40 : vector<1000xi32> to vector<1000x1xi32>
    %eq3A_502 = arith.constant 38 : i32
    %eq3A_503 = vector.broadcast %eq3A_502 : i32 to vector<1000x1xi32>
    %eq3A_504 = arith.cmpi eq, %broadcast_in_dim3A_501, %eq3A_503 : vector<1000x1xi32>
    %jit3A_505 = arith.constant -3.000000e+38 : f32
    %broadcast_in_dim3A_506 = vector.shape_cast %eq3A_504 : vector<1000x1xi1> to vector<1000x1xi1>
    %broadcast_in_dim3A_507 = vector.broadcast %broadcast_in_dim3A_506 : vector<1000x1xi1> to vector<1000x128xi1>
    %broadcast_in_dim3A_508 = vector.broadcast %jit3A_505 : f32 to vector<1000x128xf32>
    %select_n3A_509 = arith.select %broadcast_in_dim3A_507, %add3A_35, %broadcast_in_dim3A_508 : vector<1000x128xi1>, vector<1000x128xf32>
    %reduce_max3A_510 = arith.constant dense<0xFF800000> : vector<128xf32>
    %reduce_max3A_511 = vector.multi_reduction <maximumf>, %select_n3A_509, %reduce_max3A_510 [0] : vector<1000x128xf32> to vector<128xf32>
    %broadcast_in_dim3A_512 = vector.shape_cast %reduce_max3A_511 : vector<128xf32> to vector<1x128xf32>
    %broadcast_in_dim3A_513 = vector.shape_cast %get3A_40 : vector<1000xi32> to vector<1000x1xi32>
    %eq3A_514 = arith.constant 39 : i32
    %eq3A_515 = vector.broadcast %eq3A_514 : i32 to vector<1000x1xi32>
    %eq3A_516 = arith.cmpi eq, %broadcast_in_dim3A_513, %eq3A_515 : vector<1000x1xi32>
    %jit3A_517 = arith.constant -3.000000e+38 : f32
    %broadcast_in_dim3A_518 = vector.shape_cast %eq3A_516 : vector<1000x1xi1> to vector<1000x1xi1>
    %broadcast_in_dim3A_519 = vector.broadcast %broadcast_in_dim3A_518 : vector<1000x1xi1> to vector<1000x128xi1>
    %broadcast_in_dim3A_520 = vector.broadcast %jit3A_517 : f32 to vector<1000x128xf32>
    %select_n3A_521 = arith.select %broadcast_in_dim3A_519, %add3A_35, %broadcast_in_dim3A_520 : vector<1000x128xi1>, vector<1000x128xf32>
    %reduce_max3A_522 = arith.constant dense<0xFF800000> : vector<128xf32>
    %reduce_max3A_523 = vector.multi_reduction <maximumf>, %select_n3A_521, %reduce_max3A_522 [0] : vector<1000x128xf32> to vector<128xf32>
    %broadcast_in_dim3A_524 = vector.shape_cast %reduce_max3A_523 : vector<128xf32> to vector<1x128xf32>
    %broadcast_in_dim3A_525 = vector.shape_cast %get3A_40 : vector<1000xi32> to vector<1000x1xi32>
    %eq3A_526 = arith.constant 40 : i32
    %eq3A_527 = vector.broadcast %eq3A_526 : i32 to vector<1000x1xi32>
    %eq3A_528 = arith.cmpi eq, %broadcast_in_dim3A_525, %eq3A_527 : vector<1000x1xi32>
    %jit3A_529 = arith.constant -3.000000e+38 : f32
    %broadcast_in_dim3A_530 = vector.shape_cast %eq3A_528 : vector<1000x1xi1> to vector<1000x1xi1>
    %broadcast_in_dim3A_531 = vector.broadcast %broadcast_in_dim3A_530 : vector<1000x1xi1> to vector<1000x128xi1>
    %broadcast_in_dim3A_532 = vector.broadcast %jit3A_529 : f32 to vector<1000x128xf32>
    %select_n3A_533 = arith.select %broadcast_in_dim3A_531, %add3A_35, %broadcast_in_dim3A_532 : vector<1000x128xi1>, vector<1000x128xf32>
    %reduce_max3A_534 = arith.constant dense<0xFF800000> : vector<128xf32>
    %reduce_max3A_535 = vector.multi_reduction <maximumf>, %select_n3A_533, %reduce_max3A_534 [0] : vector<1000x128xf32> to vector<128xf32>
    %broadcast_in_dim3A_536 = vector.shape_cast %reduce_max3A_535 : vector<128xf32> to vector<1x128xf32>
    %broadcast_in_dim3A_537 = vector.shape_cast %get3A_40 : vector<1000xi32> to vector<1000x1xi32>
    %eq3A_538 = arith.constant 41 : i32
    %eq3A_539 = vector.broadcast %eq3A_538 : i32 to vector<1000x1xi32>
    %eq3A_540 = arith.cmpi eq, %broadcast_in_dim3A_537, %eq3A_539 : vector<1000x1xi32>
    %jit3A_541 = arith.constant -3.000000e+38 : f32
    %broadcast_in_dim3A_542 = vector.shape_cast %eq3A_540 : vector<1000x1xi1> to vector<1000x1xi1>
    %broadcast_in_dim3A_543 = vector.broadcast %broadcast_in_dim3A_542 : vector<1000x1xi1> to vector<1000x128xi1>
    %broadcast_in_dim3A_544 = vector.broadcast %jit3A_541 : f32 to vector<1000x128xf32>
    %select_n3A_545 = arith.select %broadcast_in_dim3A_543, %add3A_35, %broadcast_in_dim3A_544 : vector<1000x128xi1>, vector<1000x128xf32>
    %reduce_max3A_546 = arith.constant dense<0xFF800000> : vector<128xf32>
    %reduce_max3A_547 = vector.multi_reduction <maximumf>, %select_n3A_545, %reduce_max3A_546 [0] : vector<1000x128xf32> to vector<128xf32>
    %broadcast_in_dim3A_548 = vector.shape_cast %reduce_max3A_547 : vector<128xf32> to vector<1x128xf32>
    %broadcast_in_dim3A_549 = vector.shape_cast %get3A_40 : vector<1000xi32> to vector<1000x1xi32>
    %eq3A_550 = arith.constant 42 : i32
    %eq3A_551 = vector.broadcast %eq3A_550 : i32 to vector<1000x1xi32>
    %eq3A_552 = arith.cmpi eq, %broadcast_in_dim3A_549, %eq3A_551 : vector<1000x1xi32>
    %jit3A_553 = arith.constant -3.000000e+38 : f32
    %broadcast_in_dim3A_554 = vector.shape_cast %eq3A_552 : vector<1000x1xi1> to vector<1000x1xi1>
    %broadcast_in_dim3A_555 = vector.broadcast %broadcast_in_dim3A_554 : vector<1000x1xi1> to vector<1000x128xi1>
    %broadcast_in_dim3A_556 = vector.broadcast %jit3A_553 : f32 to vector<1000x128xf32>
    %select_n3A_557 = arith.select %broadcast_in_dim3A_555, %add3A_35, %broadcast_in_dim3A_556 : vector<1000x128xi1>, vector<1000x128xf32>
    %reduce_max3A_558 = arith.constant dense<0xFF800000> : vector<128xf32>
    %reduce_max3A_559 = vector.multi_reduction <maximumf>, %select_n3A_557, %reduce_max3A_558 [0] : vector<1000x128xf32> to vector<128xf32>
    %broadcast_in_dim3A_560 = vector.shape_cast %reduce_max3A_559 : vector<128xf32> to vector<1x128xf32>
    %broadcast_in_dim3A_561 = vector.shape_cast %get3A_40 : vector<1000xi32> to vector<1000x1xi32>
    %eq3A_562 = arith.constant 43 : i32
    %eq3A_563 = vector.broadcast %eq3A_562 : i32 to vector<1000x1xi32>
    %eq3A_564 = arith.cmpi eq, %broadcast_in_dim3A_561, %eq3A_563 : vector<1000x1xi32>
    %jit3A_565 = arith.constant -3.000000e+38 : f32
    %broadcast_in_dim3A_566 = vector.shape_cast %eq3A_564 : vector<1000x1xi1> to vector<1000x1xi1>
    %broadcast_in_dim3A_567 = vector.broadcast %broadcast_in_dim3A_566 : vector<1000x1xi1> to vector<1000x128xi1>
    %broadcast_in_dim3A_568 = vector.broadcast %jit3A_565 : f32 to vector<1000x128xf32>
    %select_n3A_569 = arith.select %broadcast_in_dim3A_567, %add3A_35, %broadcast_in_dim3A_568 : vector<1000x128xi1>, vector<1000x128xf32>
    %reduce_max3A_570 = arith.constant dense<0xFF800000> : vector<128xf32>
    %reduce_max3A_571 = vector.multi_reduction <maximumf>, %select_n3A_569, %reduce_max3A_570 [0] : vector<1000x128xf32> to vector<128xf32>
    %broadcast_in_dim3A_572 = vector.shape_cast %reduce_max3A_571 : vector<128xf32> to vector<1x128xf32>
    %broadcast_in_dim3A_573 = vector.shape_cast %get3A_40 : vector<1000xi32> to vector<1000x1xi32>
    %eq3A_574 = arith.constant 44 : i32
    %eq3A_575 = vector.broadcast %eq3A_574 : i32 to vector<1000x1xi32>
    %eq3A_576 = arith.cmpi eq, %broadcast_in_dim3A_573, %eq3A_575 : vector<1000x1xi32>
    %jit3A_577 = arith.constant -3.000000e+38 : f32
    %broadcast_in_dim3A_578 = vector.shape_cast %eq3A_576 : vector<1000x1xi1> to vector<1000x1xi1>
    %broadcast_in_dim3A_579 = vector.broadcast %broadcast_in_dim3A_578 : vector<1000x1xi1> to vector<1000x128xi1>
    %broadcast_in_dim3A_580 = vector.broadcast %jit3A_577 : f32 to vector<1000x128xf32>
    %select_n3A_581 = arith.select %broadcast_in_dim3A_579, %add3A_35, %broadcast_in_dim3A_580 : vector<1000x128xi1>, vector<1000x128xf32>
    %reduce_max3A_582 = arith.constant dense<0xFF800000> : vector<128xf32>
    %reduce_max3A_583 = vector.multi_reduction <maximumf>, %select_n3A_581, %reduce_max3A_582 [0] : vector<1000x128xf32> to vector<128xf32>
    %broadcast_in_dim3A_584 = vector.shape_cast %reduce_max3A_583 : vector<128xf32> to vector<1x128xf32>
    %broadcast_in_dim3A_585 = vector.shape_cast %get3A_40 : vector<1000xi32> to vector<1000x1xi32>
    %eq3A_586 = arith.constant 45 : i32
    %eq3A_587 = vector.broadcast %eq3A_586 : i32 to vector<1000x1xi32>
    %eq3A_588 = arith.cmpi eq, %broadcast_in_dim3A_585, %eq3A_587 : vector<1000x1xi32>
    %jit3A_589 = arith.constant -3.000000e+38 : f32
    %broadcast_in_dim3A_590 = vector.shape_cast %eq3A_588 : vector<1000x1xi1> to vector<1000x1xi1>
    %broadcast_in_dim3A_591 = vector.broadcast %broadcast_in_dim3A_590 : vector<1000x1xi1> to vector<1000x128xi1>
    %broadcast_in_dim3A_592 = vector.broadcast %jit3A_589 : f32 to vector<1000x128xf32>
    %select_n3A_593 = arith.select %broadcast_in_dim3A_591, %add3A_35, %broadcast_in_dim3A_592 : vector<1000x128xi1>, vector<1000x128xf32>
    %reduce_max3A_594 = arith.constant dense<0xFF800000> : vector<128xf32>
    %reduce_max3A_595 = vector.multi_reduction <maximumf>, %select_n3A_593, %reduce_max3A_594 [0] : vector<1000x128xf32> to vector<128xf32>
    %broadcast_in_dim3A_596 = vector.shape_cast %reduce_max3A_595 : vector<128xf32> to vector<1x128xf32>
    %broadcast_in_dim3A_597 = vector.shape_cast %get3A_40 : vector<1000xi32> to vector<1000x1xi32>
    %eq3A_598 = arith.constant 46 : i32
    %eq3A_599 = vector.broadcast %eq3A_598 : i32 to vector<1000x1xi32>
    %eq3A_600 = arith.cmpi eq, %broadcast_in_dim3A_597, %eq3A_599 : vector<1000x1xi32>
    %jit3A_601 = arith.constant -3.000000e+38 : f32
    %broadcast_in_dim3A_602 = vector.shape_cast %eq3A_600 : vector<1000x1xi1> to vector<1000x1xi1>
    %broadcast_in_dim3A_603 = vector.broadcast %broadcast_in_dim3A_602 : vector<1000x1xi1> to vector<1000x128xi1>
    %broadcast_in_dim3A_604 = vector.broadcast %jit3A_601 : f32 to vector<1000x128xf32>
    %select_n3A_605 = arith.select %broadcast_in_dim3A_603, %add3A_35, %broadcast_in_dim3A_604 : vector<1000x128xi1>, vector<1000x128xf32>
    %reduce_max3A_606 = arith.constant dense<0xFF800000> : vector<128xf32>
    %reduce_max3A_607 = vector.multi_reduction <maximumf>, %select_n3A_605, %reduce_max3A_606 [0] : vector<1000x128xf32> to vector<128xf32>
    %broadcast_in_dim3A_608 = vector.shape_cast %reduce_max3A_607 : vector<128xf32> to vector<1x128xf32>
    %broadcast_in_dim3A_609 = vector.shape_cast %get3A_40 : vector<1000xi32> to vector<1000x1xi32>
    %eq3A_610 = arith.constant 47 : i32
    %eq3A_611 = vector.broadcast %eq3A_610 : i32 to vector<1000x1xi32>
    %eq3A_612 = arith.cmpi eq, %broadcast_in_dim3A_609, %eq3A_611 : vector<1000x1xi32>
    %jit3A_613 = arith.constant -3.000000e+38 : f32
    %broadcast_in_dim3A_614 = vector.shape_cast %eq3A_612 : vector<1000x1xi1> to vector<1000x1xi1>
    %broadcast_in_dim3A_615 = vector.broadcast %broadcast_in_dim3A_614 : vector<1000x1xi1> to vector<1000x128xi1>
    %broadcast_in_dim3A_616 = vector.broadcast %jit3A_613 : f32 to vector<1000x128xf32>
    %select_n3A_617 = arith.select %broadcast_in_dim3A_615, %add3A_35, %broadcast_in_dim3A_616 : vector<1000x128xi1>, vector<1000x128xf32>
    %reduce_max3A_618 = arith.constant dense<0xFF800000> : vector<128xf32>
    %reduce_max3A_619 = vector.multi_reduction <maximumf>, %select_n3A_617, %reduce_max3A_618 [0] : vector<1000x128xf32> to vector<128xf32>
    %broadcast_in_dim3A_620 = vector.shape_cast %reduce_max3A_619 : vector<128xf32> to vector<1x128xf32>
    %broadcast_in_dim3A_621 = vector.shape_cast %get3A_40 : vector<1000xi32> to vector<1000x1xi32>
    %eq3A_622 = arith.constant 48 : i32
    %eq3A_623 = vector.broadcast %eq3A_622 : i32 to vector<1000x1xi32>
    %eq3A_624 = arith.cmpi eq, %broadcast_in_dim3A_621, %eq3A_623 : vector<1000x1xi32>
    %jit3A_625 = arith.constant -3.000000e+38 : f32
    %broadcast_in_dim3A_626 = vector.shape_cast %eq3A_624 : vector<1000x1xi1> to vector<1000x1xi1>
    %broadcast_in_dim3A_627 = vector.broadcast %broadcast_in_dim3A_626 : vector<1000x1xi1> to vector<1000x128xi1>
    %broadcast_in_dim3A_628 = vector.broadcast %jit3A_625 : f32 to vector<1000x128xf32>
    %select_n3A_629 = arith.select %broadcast_in_dim3A_627, %add3A_35, %broadcast_in_dim3A_628 : vector<1000x128xi1>, vector<1000x128xf32>
    %reduce_max3A_630 = arith.constant dense<0xFF800000> : vector<128xf32>
    %reduce_max3A_631 = vector.multi_reduction <maximumf>, %select_n3A_629, %reduce_max3A_630 [0] : vector<1000x128xf32> to vector<128xf32>
    %broadcast_in_dim3A_632 = vector.shape_cast %reduce_max3A_631 : vector<128xf32> to vector<1x128xf32>
    %broadcast_in_dim3A_633 = vector.shape_cast %get3A_40 : vector<1000xi32> to vector<1000x1xi32>
    %eq3A_634 = arith.constant 49 : i32
    %eq3A_635 = vector.broadcast %eq3A_634 : i32 to vector<1000x1xi32>
    %eq3A_636 = arith.cmpi eq, %broadcast_in_dim3A_633, %eq3A_635 : vector<1000x1xi32>
    %jit3A_637 = arith.constant -3.000000e+38 : f32
    %broadcast_in_dim3A_638 = vector.shape_cast %eq3A_636 : vector<1000x1xi1> to vector<1000x1xi1>
    %broadcast_in_dim3A_639 = vector.broadcast %broadcast_in_dim3A_638 : vector<1000x1xi1> to vector<1000x128xi1>
    %broadcast_in_dim3A_640 = vector.broadcast %jit3A_637 : f32 to vector<1000x128xf32>
    %select_n3A_641 = arith.select %broadcast_in_dim3A_639, %add3A_35, %broadcast_in_dim3A_640 : vector<1000x128xi1>, vector<1000x128xf32>
    %reduce_max3A_642 = arith.constant dense<0xFF800000> : vector<128xf32>
    %reduce_max3A_643 = vector.multi_reduction <maximumf>, %select_n3A_641, %reduce_max3A_642 [0] : vector<1000x128xf32> to vector<128xf32>
    %broadcast_in_dim3A_644 = vector.shape_cast %reduce_max3A_643 : vector<128xf32> to vector<1x128xf32>
    %broadcast_in_dim3A_645 = vector.shape_cast %get3A_40 : vector<1000xi32> to vector<1000x1xi32>
    %eq3A_646 = arith.constant 50 : i32
    %eq3A_647 = vector.broadcast %eq3A_646 : i32 to vector<1000x1xi32>
    %eq3A_648 = arith.cmpi eq, %broadcast_in_dim3A_645, %eq3A_647 : vector<1000x1xi32>
    %jit3A_649 = arith.constant -3.000000e+38 : f32
    %broadcast_in_dim3A_650 = vector.shape_cast %eq3A_648 : vector<1000x1xi1> to vector<1000x1xi1>
    %broadcast_in_dim3A_651 = vector.broadcast %broadcast_in_dim3A_650 : vector<1000x1xi1> to vector<1000x128xi1>
    %broadcast_in_dim3A_652 = vector.broadcast %jit3A_649 : f32 to vector<1000x128xf32>
    %select_n3A_653 = arith.select %broadcast_in_dim3A_651, %add3A_35, %broadcast_in_dim3A_652 : vector<1000x128xi1>, vector<1000x128xf32>
    %reduce_max3A_654 = arith.constant dense<0xFF800000> : vector<128xf32>
    %reduce_max3A_655 = vector.multi_reduction <maximumf>, %select_n3A_653, %reduce_max3A_654 [0] : vector<1000x128xf32> to vector<128xf32>
    %broadcast_in_dim3A_656 = vector.shape_cast %reduce_max3A_655 : vector<128xf32> to vector<1x128xf32>
    %broadcast_in_dim3A_657 = vector.shape_cast %get3A_40 : vector<1000xi32> to vector<1000x1xi32>
    %eq3A_658 = arith.constant 51 : i32
    %eq3A_659 = vector.broadcast %eq3A_658 : i32 to vector<1000x1xi32>
    %eq3A_660 = arith.cmpi eq, %broadcast_in_dim3A_657, %eq3A_659 : vector<1000x1xi32>
    %jit3A_661 = arith.constant -3.000000e+38 : f32
    %broadcast_in_dim3A_662 = vector.shape_cast %eq3A_660 : vector<1000x1xi1> to vector<1000x1xi1>
    %broadcast_in_dim3A_663 = vector.broadcast %broadcast_in_dim3A_662 : vector<1000x1xi1> to vector<1000x128xi1>
    %broadcast_in_dim3A_664 = vector.broadcast %jit3A_661 : f32 to vector<1000x128xf32>
    %select_n3A_665 = arith.select %broadcast_in_dim3A_663, %add3A_35, %broadcast_in_dim3A_664 : vector<1000x128xi1>, vector<1000x128xf32>
    %reduce_max3A_666 = arith.constant dense<0xFF800000> : vector<128xf32>
    %reduce_max3A_667 = vector.multi_reduction <maximumf>, %select_n3A_665, %reduce_max3A_666 [0] : vector<1000x128xf32> to vector<128xf32>
    %broadcast_in_dim3A_668 = vector.shape_cast %reduce_max3A_667 : vector<128xf32> to vector<1x128xf32>
    %broadcast_in_dim3A_669 = vector.shape_cast %get3A_40 : vector<1000xi32> to vector<1000x1xi32>
    %eq3A_670 = arith.constant 52 : i32
    %eq3A_671 = vector.broadcast %eq3A_670 : i32 to vector<1000x1xi32>
    %eq3A_672 = arith.cmpi eq, %broadcast_in_dim3A_669, %eq3A_671 : vector<1000x1xi32>
    %jit3A_673 = arith.constant -3.000000e+38 : f32
    %broadcast_in_dim3A_674 = vector.shape_cast %eq3A_672 : vector<1000x1xi1> to vector<1000x1xi1>
    %broadcast_in_dim3A_675 = vector.broadcast %broadcast_in_dim3A_674 : vector<1000x1xi1> to vector<1000x128xi1>
    %broadcast_in_dim3A_676 = vector.broadcast %jit3A_673 : f32 to vector<1000x128xf32>
    %select_n3A_677 = arith.select %broadcast_in_dim3A_675, %add3A_35, %broadcast_in_dim3A_676 : vector<1000x128xi1>, vector<1000x128xf32>
    %reduce_max3A_678 = arith.constant dense<0xFF800000> : vector<128xf32>
    %reduce_max3A_679 = vector.multi_reduction <maximumf>, %select_n3A_677, %reduce_max3A_678 [0] : vector<1000x128xf32> to vector<128xf32>
    %broadcast_in_dim3A_680 = vector.shape_cast %reduce_max3A_679 : vector<128xf32> to vector<1x128xf32>
    %broadcast_in_dim3A_681 = vector.shape_cast %get3A_40 : vector<1000xi32> to vector<1000x1xi32>
    %eq3A_682 = arith.constant 53 : i32
    %eq3A_683 = vector.broadcast %eq3A_682 : i32 to vector<1000x1xi32>
    %eq3A_684 = arith.cmpi eq, %broadcast_in_dim3A_681, %eq3A_683 : vector<1000x1xi32>
    %jit3A_685 = arith.constant -3.000000e+38 : f32
    %broadcast_in_dim3A_686 = vector.shape_cast %eq3A_684 : vector<1000x1xi1> to vector<1000x1xi1>
    %broadcast_in_dim3A_687 = vector.broadcast %broadcast_in_dim3A_686 : vector<1000x1xi1> to vector<1000x128xi1>
    %broadcast_in_dim3A_688 = vector.broadcast %jit3A_685 : f32 to vector<1000x128xf32>
    %select_n3A_689 = arith.select %broadcast_in_dim3A_687, %add3A_35, %broadcast_in_dim3A_688 : vector<1000x128xi1>, vector<1000x128xf32>
    %reduce_max3A_690 = arith.constant dense<0xFF800000> : vector<128xf32>
    %reduce_max3A_691 = vector.multi_reduction <maximumf>, %select_n3A_689, %reduce_max3A_690 [0] : vector<1000x128xf32> to vector<128xf32>
    %broadcast_in_dim3A_692 = vector.shape_cast %reduce_max3A_691 : vector<128xf32> to vector<1x128xf32>
    %broadcast_in_dim3A_693 = vector.shape_cast %get3A_40 : vector<1000xi32> to vector<1000x1xi32>
    %eq3A_694 = arith.constant 54 : i32
    %eq3A_695 = vector.broadcast %eq3A_694 : i32 to vector<1000x1xi32>
    %eq3A_696 = arith.cmpi eq, %broadcast_in_dim3A_693, %eq3A_695 : vector<1000x1xi32>
    %jit3A_697 = arith.constant -3.000000e+38 : f32
    %broadcast_in_dim3A_698 = vector.shape_cast %eq3A_696 : vector<1000x1xi1> to vector<1000x1xi1>
    %broadcast_in_dim3A_699 = vector.broadcast %broadcast_in_dim3A_698 : vector<1000x1xi1> to vector<1000x128xi1>
    %broadcast_in_dim3A_700 = vector.broadcast %jit3A_697 : f32 to vector<1000x128xf32>
    %select_n3A_701 = arith.select %broadcast_in_dim3A_699, %add3A_35, %broadcast_in_dim3A_700 : vector<1000x128xi1>, vector<1000x128xf32>
    %reduce_max3A_702 = arith.constant dense<0xFF800000> : vector<128xf32>
    %reduce_max3A_703 = vector.multi_reduction <maximumf>, %select_n3A_701, %reduce_max3A_702 [0] : vector<1000x128xf32> to vector<128xf32>
    %broadcast_in_dim3A_704 = vector.shape_cast %reduce_max3A_703 : vector<128xf32> to vector<1x128xf32>
    %broadcast_in_dim3A_705 = vector.shape_cast %get3A_40 : vector<1000xi32> to vector<1000x1xi32>
    %eq3A_706 = arith.constant 55 : i32
    %eq3A_707 = vector.broadcast %eq3A_706 : i32 to vector<1000x1xi32>
    %eq3A_708 = arith.cmpi eq, %broadcast_in_dim3A_705, %eq3A_707 : vector<1000x1xi32>
    %jit3A_709 = arith.constant -3.000000e+38 : f32
    %broadcast_in_dim3A_710 = vector.shape_cast %eq3A_708 : vector<1000x1xi1> to vector<1000x1xi1>
    %broadcast_in_dim3A_711 = vector.broadcast %broadcast_in_dim3A_710 : vector<1000x1xi1> to vector<1000x128xi1>
    %broadcast_in_dim3A_712 = vector.broadcast %jit3A_709 : f32 to vector<1000x128xf32>
    %select_n3A_713 = arith.select %broadcast_in_dim3A_711, %add3A_35, %broadcast_in_dim3A_712 : vector<1000x128xi1>, vector<1000x128xf32>
    %reduce_max3A_714 = arith.constant dense<0xFF800000> : vector<128xf32>
    %reduce_max3A_715 = vector.multi_reduction <maximumf>, %select_n3A_713, %reduce_max3A_714 [0] : vector<1000x128xf32> to vector<128xf32>
    %broadcast_in_dim3A_716 = vector.shape_cast %reduce_max3A_715 : vector<128xf32> to vector<1x128xf32>
    %broadcast_in_dim3A_717 = vector.shape_cast %get3A_40 : vector<1000xi32> to vector<1000x1xi32>
    %eq3A_718 = arith.constant 56 : i32
    %eq3A_719 = vector.broadcast %eq3A_718 : i32 to vector<1000x1xi32>
    %eq3A_720 = arith.cmpi eq, %broadcast_in_dim3A_717, %eq3A_719 : vector<1000x1xi32>
    %jit3A_721 = arith.constant -3.000000e+38 : f32
    %broadcast_in_dim3A_722 = vector.shape_cast %eq3A_720 : vector<1000x1xi1> to vector<1000x1xi1>
    %broadcast_in_dim3A_723 = vector.broadcast %broadcast_in_dim3A_722 : vector<1000x1xi1> to vector<1000x128xi1>
    %broadcast_in_dim3A_724 = vector.broadcast %jit3A_721 : f32 to vector<1000x128xf32>
    %select_n3A_725 = arith.select %broadcast_in_dim3A_723, %add3A_35, %broadcast_in_dim3A_724 : vector<1000x128xi1>, vector<1000x128xf32>
    %reduce_max3A_726 = arith.constant dense<0xFF800000> : vector<128xf32>
    %reduce_max3A_727 = vector.multi_reduction <maximumf>, %select_n3A_725, %reduce_max3A_726 [0] : vector<1000x128xf32> to vector<128xf32>
    %broadcast_in_dim3A_728 = vector.shape_cast %reduce_max3A_727 : vector<128xf32> to vector<1x128xf32>
    %broadcast_in_dim3A_729 = vector.shape_cast %get3A_40 : vector<1000xi32> to vector<1000x1xi32>
    %eq3A_730 = arith.constant 57 : i32
    %eq3A_731 = vector.broadcast %eq3A_730 : i32 to vector<1000x1xi32>
    %eq3A_732 = arith.cmpi eq, %broadcast_in_dim3A_729, %eq3A_731 : vector<1000x1xi32>
    %jit3A_733 = arith.constant -3.000000e+38 : f32
    %broadcast_in_dim3A_734 = vector.shape_cast %eq3A_732 : vector<1000x1xi1> to vector<1000x1xi1>
    %broadcast_in_dim3A_735 = vector.broadcast %broadcast_in_dim3A_734 : vector<1000x1xi1> to vector<1000x128xi1>
    %broadcast_in_dim3A_736 = vector.broadcast %jit3A_733 : f32 to vector<1000x128xf32>
    %select_n3A_737 = arith.select %broadcast_in_dim3A_735, %add3A_35, %broadcast_in_dim3A_736 : vector<1000x128xi1>, vector<1000x128xf32>
    %reduce_max3A_738 = arith.constant dense<0xFF800000> : vector<128xf32>
    %reduce_max3A_739 = vector.multi_reduction <maximumf>, %select_n3A_737, %reduce_max3A_738 [0] : vector<1000x128xf32> to vector<128xf32>
    %broadcast_in_dim3A_740 = vector.shape_cast %reduce_max3A_739 : vector<128xf32> to vector<1x128xf32>
    %broadcast_in_dim3A_741 = vector.shape_cast %get3A_40 : vector<1000xi32> to vector<1000x1xi32>
    %eq3A_742 = arith.constant 58 : i32
    %eq3A_743 = vector.broadcast %eq3A_742 : i32 to vector<1000x1xi32>
    %eq3A_744 = arith.cmpi eq, %broadcast_in_dim3A_741, %eq3A_743 : vector<1000x1xi32>
    %jit3A_745 = arith.constant -3.000000e+38 : f32
    %broadcast_in_dim3A_746 = vector.shape_cast %eq3A_744 : vector<1000x1xi1> to vector<1000x1xi1>
    %broadcast_in_dim3A_747 = vector.broadcast %broadcast_in_dim3A_746 : vector<1000x1xi1> to vector<1000x128xi1>
    %broadcast_in_dim3A_748 = vector.broadcast %jit3A_745 : f32 to vector<1000x128xf32>
    %select_n3A_749 = arith.select %broadcast_in_dim3A_747, %add3A_35, %broadcast_in_dim3A_748 : vector<1000x128xi1>, vector<1000x128xf32>
    %reduce_max3A_750 = arith.constant dense<0xFF800000> : vector<128xf32>
    %reduce_max3A_751 = vector.multi_reduction <maximumf>, %select_n3A_749, %reduce_max3A_750 [0] : vector<1000x128xf32> to vector<128xf32>
    %broadcast_in_dim3A_752 = vector.shape_cast %reduce_max3A_751 : vector<128xf32> to vector<1x128xf32>
    %broadcast_in_dim3A_753 = vector.shape_cast %get3A_40 : vector<1000xi32> to vector<1000x1xi32>
    %eq3A_754 = arith.constant 59 : i32
    %eq3A_755 = vector.broadcast %eq3A_754 : i32 to vector<1000x1xi32>
    %eq3A_756 = arith.cmpi eq, %broadcast_in_dim3A_753, %eq3A_755 : vector<1000x1xi32>
    %jit3A_757 = arith.constant -3.000000e+38 : f32
    %broadcast_in_dim3A_758 = vector.shape_cast %eq3A_756 : vector<1000x1xi1> to vector<1000x1xi1>
    %broadcast_in_dim3A_759 = vector.broadcast %broadcast_in_dim3A_758 : vector<1000x1xi1> to vector<1000x128xi1>
    %broadcast_in_dim3A_760 = vector.broadcast %jit3A_757 : f32 to vector<1000x128xf32>
    %select_n3A_761 = arith.select %broadcast_in_dim3A_759, %add3A_35, %broadcast_in_dim3A_760 : vector<1000x128xi1>, vector<1000x128xf32>
    %reduce_max3A_762 = arith.constant dense<0xFF800000> : vector<128xf32>
    %reduce_max3A_763 = vector.multi_reduction <maximumf>, %select_n3A_761, %reduce_max3A_762 [0] : vector<1000x128xf32> to vector<128xf32>
    %broadcast_in_dim3A_764 = vector.shape_cast %reduce_max3A_763 : vector<128xf32> to vector<1x128xf32>
    %broadcast_in_dim3A_765 = vector.shape_cast %get3A_40 : vector<1000xi32> to vector<1000x1xi32>
    %eq3A_766 = arith.constant 60 : i32
    %eq3A_767 = vector.broadcast %eq3A_766 : i32 to vector<1000x1xi32>
    %eq3A_768 = arith.cmpi eq, %broadcast_in_dim3A_765, %eq3A_767 : vector<1000x1xi32>
    %jit3A_769 = arith.constant -3.000000e+38 : f32
    %broadcast_in_dim3A_770 = vector.shape_cast %eq3A_768 : vector<1000x1xi1> to vector<1000x1xi1>
    %broadcast_in_dim3A_771 = vector.broadcast %broadcast_in_dim3A_770 : vector<1000x1xi1> to vector<1000x128xi1>
    %broadcast_in_dim3A_772 = vector.broadcast %jit3A_769 : f32 to vector<1000x128xf32>
    %select_n3A_773 = arith.select %broadcast_in_dim3A_771, %add3A_35, %broadcast_in_dim3A_772 : vector<1000x128xi1>, vector<1000x128xf32>
    %reduce_max3A_774 = arith.constant dense<0xFF800000> : vector<128xf32>
    %reduce_max3A_775 = vector.multi_reduction <maximumf>, %select_n3A_773, %reduce_max3A_774 [0] : vector<1000x128xf32> to vector<128xf32>
    %broadcast_in_dim3A_776 = vector.shape_cast %reduce_max3A_775 : vector<128xf32> to vector<1x128xf32>
    %broadcast_in_dim3A_777 = vector.shape_cast %get3A_40 : vector<1000xi32> to vector<1000x1xi32>
    %eq3A_778 = arith.constant 61 : i32
    %eq3A_779 = vector.broadcast %eq3A_778 : i32 to vector<1000x1xi32>
    %eq3A_780 = arith.cmpi eq, %broadcast_in_dim3A_777, %eq3A_779 : vector<1000x1xi32>
    %jit3A_781 = arith.constant -3.000000e+38 : f32
    %broadcast_in_dim3A_782 = vector.shape_cast %eq3A_780 : vector<1000x1xi1> to vector<1000x1xi1>
    %broadcast_in_dim3A_783 = vector.broadcast %broadcast_in_dim3A_782 : vector<1000x1xi1> to vector<1000x128xi1>
    %broadcast_in_dim3A_784 = vector.broadcast %jit3A_781 : f32 to vector<1000x128xf32>
    %select_n3A_785 = arith.select %broadcast_in_dim3A_783, %add3A_35, %broadcast_in_dim3A_784 : vector<1000x128xi1>, vector<1000x128xf32>
    %reduce_max3A_786 = arith.constant dense<0xFF800000> : vector<128xf32>
    %reduce_max3A_787 = vector.multi_reduction <maximumf>, %select_n3A_785, %reduce_max3A_786 [0] : vector<1000x128xf32> to vector<128xf32>
    %broadcast_in_dim3A_788 = vector.shape_cast %reduce_max3A_787 : vector<128xf32> to vector<1x128xf32>
    %broadcast_in_dim3A_789 = vector.shape_cast %get3A_40 : vector<1000xi32> to vector<1000x1xi32>
    %eq3A_790 = arith.constant 62 : i32
    %eq3A_791 = vector.broadcast %eq3A_790 : i32 to vector<1000x1xi32>
    %eq3A_792 = arith.cmpi eq, %broadcast_in_dim3A_789, %eq3A_791 : vector<1000x1xi32>
    %jit3A_793 = arith.constant -3.000000e+38 : f32
    %broadcast_in_dim3A_794 = vector.shape_cast %eq3A_792 : vector<1000x1xi1> to vector<1000x1xi1>
    %broadcast_in_dim3A_795 = vector.broadcast %broadcast_in_dim3A_794 : vector<1000x1xi1> to vector<1000x128xi1>
    %broadcast_in_dim3A_796 = vector.broadcast %jit3A_793 : f32 to vector<1000x128xf32>
    %select_n3A_797 = arith.select %broadcast_in_dim3A_795, %add3A_35, %broadcast_in_dim3A_796 : vector<1000x128xi1>, vector<1000x128xf32>
    %reduce_max3A_798 = arith.constant dense<0xFF800000> : vector<128xf32>
    %reduce_max3A_799 = vector.multi_reduction <maximumf>, %select_n3A_797, %reduce_max3A_798 [0] : vector<1000x128xf32> to vector<128xf32>
    %broadcast_in_dim3A_800 = vector.shape_cast %reduce_max3A_799 : vector<128xf32> to vector<1x128xf32>
    %broadcast_in_dim3A_801 = vector.shape_cast %get3A_40 : vector<1000xi32> to vector<1000x1xi32>
    %eq3A_802 = arith.constant 63 : i32
    %eq3A_803 = vector.broadcast %eq3A_802 : i32 to vector<1000x1xi32>
    %eq3A_804 = arith.cmpi eq, %broadcast_in_dim3A_801, %eq3A_803 : vector<1000x1xi32>
    %jit3A_805 = arith.constant -3.000000e+38 : f32
    %broadcast_in_dim3A_806 = vector.shape_cast %eq3A_804 : vector<1000x1xi1> to vector<1000x1xi1>
    %broadcast_in_dim3A_807 = vector.broadcast %broadcast_in_dim3A_806 : vector<1000x1xi1> to vector<1000x128xi1>
    %broadcast_in_dim3A_808 = vector.broadcast %jit3A_805 : f32 to vector<1000x128xf32>
    %select_n3A_809 = arith.select %broadcast_in_dim3A_807, %add3A_35, %broadcast_in_dim3A_808 : vector<1000x128xi1>, vector<1000x128xf32>
    %reduce_max3A_810 = arith.constant dense<0xFF800000> : vector<128xf32>
    %reduce_max3A_811 = vector.multi_reduction <maximumf>, %select_n3A_809, %reduce_max3A_810 [0] : vector<1000x128xf32> to vector<128xf32>
    %broadcast_in_dim3A_812 = vector.shape_cast %reduce_max3A_811 : vector<128xf32> to vector<1x128xf32>
    %concatenate3A_813 = tpu.concatenate %broadcast_in_dim3A_56, %broadcast_in_dim3A_68, %broadcast_in_dim3A_80, %broadcast_in_dim3A_92, %broadcast_in_dim3A_104, %broadcast_in_dim3A_116, %broadcast_in_dim3A_128, %broadcast_in_dim3A_140, %broadcast_in_dim3A_152, %broadcast_in_dim3A_164, %broadcast_in_dim3A_176, %broadcast_in_dim3A_188, %broadcast_in_dim3A_200, %broadcast_in_dim3A_212, %broadcast_in_dim3A_224, %broadcast_in_dim3A_236, %broadcast_in_dim3A_248, %broadcast_in_dim3A_260, %broadcast_in_dim3A_272, %broadcast_in_dim3A_284, %broadcast_in_dim3A_296, %broadcast_in_dim3A_308, %broadcast_in_dim3A_320, %broadcast_in_dim3A_332, %broadcast_in_dim3A_344, %broadcast_in_dim3A_356, %broadcast_in_dim3A_368, %broadcast_in_dim3A_380, %broadcast_in_dim3A_392, %broadcast_in_dim3A_404, %broadcast_in_dim3A_416, %broadcast_in_dim3A_428, %broadcast_in_dim3A_440, %broadcast_in_dim3A_452, %broadcast_in_dim3A_464, %broadcast_in_dim3A_476, %broadcast_in_dim3A_488, %broadcast_in_dim3A_500, %broadcast_in_dim3A_512, %broadcast_in_dim3A_524, %broadcast_in_dim3A_536, %broadcast_in_dim3A_548, %broadcast_in_dim3A_560, %broadcast_in_dim3A_572, %broadcast_in_dim3A_584, %broadcast_in_dim3A_596, %broadcast_in_dim3A_608, %broadcast_in_dim3A_620, %broadcast_in_dim3A_632, %broadcast_in_dim3A_644, %broadcast_in_dim3A_656, %broadcast_in_dim3A_668, %broadcast_in_dim3A_680, %broadcast_in_dim3A_692, %broadcast_in_dim3A_704, %broadcast_in_dim3A_716, %broadcast_in_dim3A_728, %broadcast_in_dim3A_740, %broadcast_in_dim3A_752, %broadcast_in_dim3A_764, %broadcast_in_dim3A_776, %broadcast_in_dim3A_788, %broadcast_in_dim3A_800, %broadcast_in_dim3A_812 in 0 : vector<1x128xf32>, vector<1x128xf32>, vector<1x128xf32>, vector<1x128xf32>, vector<1x128xf32>, vector<1x128xf32>, vector<1x128xf32>, vector<1x128xf32>, vector<1x128xf32>, vector<1x128xf32>, vector<1x128xf32>, vector<1x128xf32>, vector<1x128xf32>, vector<1x128xf32>, vector<1x128xf32>, vector<1x128xf32>, vector<1x128xf32>, vector<1x128xf32>, vector<1x128xf32>, vector<1x128xf32>, vector<1x128xf32>, vector<1x128xf32>, vector<1x128xf32>, vector<1x128xf32>, vector<1x128xf32>, vector<1x128xf32>, vector<1x128xf32>, vector<1x128xf32>, vector<1x128xf32>, vector<1x128xf32>, vector<1x128xf32>, vector<1x128xf32>, vector<1x128xf32>, vector<1x128xf32>, vector<1x128xf32>, vector<1x128xf32>, vector<1x128xf32>, vector<1x128xf32>, vector<1x128xf32>, vector<1x128xf32>, vector<1x128xf32>, vector<1x128xf32>, vector<1x128xf32>, vector<1x128xf32>, vector<1x128xf32>, vector<1x128xf32>, vector<1x128xf32>, vector<1x128xf32>, vector<1x128xf32>, vector<1x128xf32>, vector<1x128xf32>, vector<1x128xf32>, vector<1x128xf32>, vector<1x128xf32>, vector<1x128xf32>, vector<1x128xf32>, vector<1x128xf32>, vector<1x128xf32>, vector<1x128xf32>, vector<1x128xf32>, vector<1x128xf32>, vector<1x128xf32>, vector<1x128xf32>, vector<1x128xf32> -> vector<64x128xf32>
    %eq3A_814 = arith.constant 0 : i32
    %eq3A_815 = arith.cmpi eq, %arg0, %eq3A_814 : i32
    %convert_element_type3A_816 = arith.extui %eq3A_815 : i1 to i32
    %cond3A = arith.constant 0 : i32
    %cond3A_817 = arith.cmpi ne, %convert_element_type3A_816, %cond3A : i32
    scf.if %cond3A_817 {
      %swap3A = arith.constant 0 : index
      %swap3A_827 = arith.constant 0 : index
      %swap3A_828 = vector.load %arg10[%swap3A, %swap3A_827] : memref<64x128xf32, #tpu.memory_space<vmem>>, vector<64x128xf32>
      tpu.vector_store %arg10[%swap3A, %swap3A_827], %dot_general3A_43 {strides = array<i32>} : memref<64x128xf32, #tpu.memory_space<vmem>>, vector<64x128xf32>,
      %swap3A_829 = arith.constant 0 : index
      %swap3A_830 = arith.constant 0 : index
      %swap3A_831 = vector.load %arg11[%swap3A_829, %swap3A_830] : memref<64x128xf32, #tpu.memory_space<vmem>>, vector<64x128xf32>
      tpu.vector_store %arg11[%swap3A_829, %swap3A_830], %broadcast_in_dim3A_47 {strides = array<i32>} : memref<64x128xf32, #tpu.memory_space<vmem>>, vector<64x128xf32>,
      %swap3A_832 = arith.constant 0 : index
      %swap3A_833 = arith.constant 0 : index
      %swap3A_834 = vector.load %arg12[%swap3A_832, %swap3A_833] : memref<64x128xf32, #tpu.memory_space<vmem>>, vector<64x128xf32>
      tpu.vector_store %arg12[%swap3A_832, %swap3A_833], %concatenate3A_813 {strides = array<i32>} : memref<64x128xf32, #tpu.memory_space<vmem>>, vector<64x128xf32>,
    } else {
    }
    %gt3A = arith.constant 0 : i32
    %gt3A_818 = arith.cmpi sgt, %arg0, %gt3A : i32
    %convert_element_type3A_819 = arith.extui %gt3A_818 : i1 to i32
    %cond3A_820 = arith.constant 0 : i32
    %cond3A_821 = arith.cmpi ne, %convert_element_type3A_819, %cond3A_820 : i32
    scf.if %cond3A_821 {
      %get3A_827 = arith.constant 0 : index
      %get3A_828 = arith.constant 0 : index
      %get3A_829 = vector.load %arg10[%get3A_827, %get3A_828] : memref<64x128xf32, #tpu.memory_space<vmem>>, vector<64x128xf32>
      %add3A_830 = arith.addf %get3A_829, %dot_general3A_43 : vector<64x128xf32>
      %swap3A = arith.constant 0 : index
      %swap3A_831 = arith.constant 0 : index
      %swap3A_832 = vector.load %arg10[%swap3A, %swap3A_831] : memref<64x128xf32, #tpu.memory_space<vmem>>, vector<64x128xf32>
      tpu.vector_store %arg10[%swap3A, %swap3A_831], %add3A_830 {strides = array<i32>} : memref<64x128xf32, #tpu.memory_space<vmem>>, vector<64x128xf32>,
      %get3A_833 = arith.constant 0 : index
      %get3A_834 = arith.constant 0 : index
      %get3A_835 = vector.load %arg11[%get3A_833, %get3A_834] : memref<64x128xf32, #tpu.memory_space<vmem>>, vector<64x128xf32>
      %add3A_836 = arith.addf %get3A_835, %broadcast_in_dim3A_47 : vector<64x128xf32>
      %swap3A_837 = arith.constant 0 : index
      %swap3A_838 = arith.constant 0 : index
      %swap3A_839 = vector.load %arg11[%swap3A_837, %swap3A_838] : memref<64x128xf32, #tpu.memory_space<vmem>>, vector<64x128xf32>
      tpu.vector_store %arg11[%swap3A_837, %swap3A_838], %add3A_836 {strides = array<i32>} : memref<64x128xf32, #tpu.memory_space<vmem>>, vector<64x128xf32>,
      %get3A_840 = arith.constant 0 : index
      %get3A_841 = arith.constant 0 : index
      %get3A_842 = vector.load %arg12[%get3A_840, %get3A_841] : memref<64x128xf32, #tpu.memory_space<vmem>>, vector<64x128xf32>
      %max3A = arith.maximumf %get3A_842, %concatenate3A_813 : vector<64x128xf32>
      %swap3A_843 = arith.constant 0 : index
      %swap3A_844 = arith.constant 0 : index
      %swap3A_845 = vector.load %arg12[%swap3A_843, %swap3A_844] : memref<64x128xf32, #tpu.memory_space<vmem>>, vector<64x128xf32>
      tpu.vector_store %arg12[%swap3A_843, %swap3A_844], %max3A {strides = array<i32>} : memref<64x128xf32, #tpu.memory_space<vmem>>, vector<64x128xf32>,
    } else {
    }
    %eq3A_822 = arith.constant 9 : i32
    %eq3A_823 = arith.cmpi eq, %arg0, %eq3A_822 : i32
    %convert_element_type3A_824 = arith.extui %eq3A_823 : i1 to i32
    %cond3A_825 = arith.constant 0 : i32
    %cond3A_826 = arith.cmpi ne, %convert_element_type3A_824, %cond3A_825 : i32
    scf.if %cond3A_826 {
      %get3A_827 = arith.constant 0 : index
      %get3A_828 = arith.constant 0 : index
      %get3A_829 = vector.load %arg10[%get3A_827, %get3A_828] : memref<64x128xf32, #tpu.memory_space<vmem>>, vector<64x128xf32>
      %get3A_830 = arith.constant 0 : index
      %get3A_831 = arith.constant 0 : index
      %get3A_832 = vector.load %arg11[%get3A_830, %get3A_831] : memref<64x128xf32, #tpu.memory_space<vmem>>, vector<64x128xf32>
      %max3A = arith.constant 1.000000e+00 : f32
      %max3A_833 = vector.broadcast %max3A : f32 to vector<64x128xf32>
      %max3A_834 = arith.maximumf %get3A_832, %max3A_833 : vector<64x128xf32>
      %div3A = arith.divf %get3A_829, %max3A_834 : vector<64x128xf32>
      %gt3A_835 = arith.constant 0.000000e+00 : f32
      %gt3A_836 = vector.broadcast %gt3A_835 : f32 to vector<64x128xf32>
      %gt3A_837 = arith.cmpf ogt, %get3A_832, %gt3A_836 : vector<64x128xf32>
      %get3A_838 = arith.constant 0 : index
      %get3A_839 = arith.constant 0 : index
      %get3A_840 = vector.load %arg12[%get3A_838, %get3A_839] : memref<64x128xf32, #tpu.memory_space<vmem>>, vector<64x128xf32>
      %jit3A_841 = arith.constant 0.000000e+00 : f32
      %broadcast_in_dim3A_842 = vector.broadcast %jit3A_841 : f32 to vector<64x128xf32>
      %select_n3A_843 = arith.select %gt3A_837, %get3A_840, %broadcast_in_dim3A_842 : vector<64x128xi1>, vector<64x128xf32>
      %get3A_844 = arith.constant 0 : index
      %get3A_845 = arith.constant 0 : index
      %get3A_846 = arith.constant 0 : index
      %get3A_847 = vector.load %arg7[%get3A_844, %get3A_845, %get3A_846] : memref<3x128x128xf32, #tpu.memory_space<vmem>>, vector<1x128x128xf32>
      %get3A_848 = vector.shape_cast %get3A_847 : vector<1x128x128xf32> to vector<128x128xf32>
      %dot_general3A_849 = arith.constant dense<0.000000e+00> : vector<64x128xf32>
      %dot_general3A_850 = tpu.matmul %get3A_829, %get3A_848, %dot_general3A_849 {dimension_numbers = #tpu.dot_dimension_numbers<[1], [0], [0], [1], [0, 0, 1, 1], [], []>, transpose_lhs_hint = false} : vector<64x128xf32>, vector<128x128xf32>, vector<64x128xf32> -> vector<64x128xf32>
      %get3A_851 = arith.constant 1 : index
      %get3A_852 = arith.constant 0 : index
      %get3A_853 = arith.constant 0 : index
      %get3A_854 = vector.load %arg7[%get3A_851, %get3A_852, %get3A_853] : memref<3x128x128xf32, #tpu.memory_space<vmem>>, vector<1x128x128xf32>
      %get3A_855 = vector.shape_cast %get3A_854 : vector<1x128x128xf32> to vector<128x128xf32>
      %dot_general3A_856 = arith.constant dense<0.000000e+00> : vector<64x128xf32>
      %dot_general3A_857 = tpu.matmul %div3A, %get3A_855, %dot_general3A_856 {dimension_numbers = #tpu.dot_dimension_numbers<[1], [0], [0], [1], [0, 0, 1, 1], [], []>, transpose_lhs_hint = false} : vector<64x128xf32>, vector<128x128xf32>, vector<64x128xf32> -> vector<64x128xf32>
      %add3A_858 = arith.addf %dot_general3A_850, %dot_general3A_857 : vector<64x128xf32>
      %get3A_859 = arith.constant 2 : index
      %get3A_860 = arith.constant 0 : index
      %get3A_861 = arith.constant 0 : index
      %get3A_862 = vector.load %arg7[%get3A_859, %get3A_860, %get3A_861] : memref<3x128x128xf32, #tpu.memory_space<vmem>>, vector<1x128x128xf32>
      %get3A_863 = vector.shape_cast %get3A_862 : vector<1x128x128xf32> to vector<128x128xf32>
      %dot_general3A_864 = arith.constant dense<0.000000e+00> : vector<64x128xf32>
      %dot_general3A_865 = tpu.matmul %select_n3A_843, %get3A_863, %dot_general3A_864 {dimension_numbers = #tpu.dot_dimension_numbers<[1], [0], [0], [1], [0, 0, 1, 1], [], []>, transpose_lhs_hint = false} : vector<64x128xf32>, vector<128x128xf32>, vector<64x128xf32> -> vector<64x128xf32>
      %add3A_866 = arith.addf %add3A_858, %dot_general3A_865 : vector<64x128xf32>
      %get3A_867 = arith.constant 0 : index
      %get3A_868 = arith.constant 0 : index
      %get3A_869 = vector.load %arg8[%get3A_867, %get3A_868] : memref<1x128xf32, #tpu.memory_space<vmem>>, vector<1x128xf32>
      %add3A_870 = vector.broadcast %get3A_869 : vector<1x128xf32> to vector<64x128xf32>
      %add3A_871 = arith.addf %add3A_866, %add3A_870 : vector<64x128xf32>
      %swap3A = arith.constant 0 : index
      %swap3A_872 = arith.constant 0 : index
      %swap3A_873 = vector.load %arg9[%swap3A, %swap3A_872] : memref<64x128xf32, #tpu.memory_space<vmem>>, vector<64x128xf32>
      tpu.vector_store %arg9[%swap3A, %swap3A_872], %add3A_871 {strides = array<i32>} : memref<64x128xf32, #tpu.memory_space<vmem>>, vector<64x128xf32>,
    } else {
    }
    return
  }
  func.func @transform_0(%arg0: i32) -> (i32, i32, i32) {
    %c0_i32 = arith.constant 0 : i32
    %c0_i32_0 = arith.constant 0 : i32
    %c0_i32_1 = arith.constant 0 : i32
    return %c0_i32, %arg0, %c0_i32_0 : i32, i32, i32
  }
  func.func @transform_1(%arg0: i32) -> (i32, i32) {
    %c0_i32 = arith.constant 0 : i32
    %c0_i32_0 = arith.constant 0 : i32
    return %arg0, %c0_i32 : i32, i32
  }
  func.func @transform_2(%arg0: i32) -> (i32, i32) {
    %c0_i32 = arith.constant 0 : i32
    %c0_i32_0 = arith.constant 0 : i32
    return %arg0, %c0_i32 : i32, i32
  }
  func.func @transform_3(%arg0: i32) -> (i32, i32, i32) {
    %c0_i32 = arith.constant 0 : i32
    %c0_i32_0 = arith.constant 0 : i32
    %c0_i32_1 = arith.constant 0 : i32
    return %c0_i32, %arg0, %c0_i32_0 : i32, i32, i32
  }
  func.func @transform_4(%arg0: i32) -> (i32, i32) {
    %c0_i32 = arith.constant 0 : i32
    %c0_i32_0 = arith.constant 0 : i32
    %c0_i32_1 = arith.constant 0 : i32
    return %c0_i32, %c0_i32_0 : i32, i32
  }
  func.func @transform_5(%arg0: i32) -> (i32, i32, i32) {
    %c0_i32 = arith.constant 0 : i32
    %c0_i32_0 = arith.constant 0 : i32
    %c0_i32_1 = arith.constant 0 : i32
    return %arg0, %c0_i32, %c0_i32_0 : i32, i32, i32
  }
  func.func @transform_6(%arg0: i32) -> (i32, i32, i32) {
    %c0_i32 = arith.constant 0 : i32
    %c0_i32_0 = arith.constant 0 : i32
    %c0_i32_1 = arith.constant 0 : i32
    %c0_i32_2 = arith.constant 0 : i32
    return %c0_i32, %c0_i32_0, %c0_i32_1 : i32, i32, i32
  }
  func.func @transform_7(%arg0: i32) -> (i32, i32) {
    %c0_i32 = arith.constant 0 : i32
    %c0_i32_0 = arith.constant 0 : i32
    %c0_i32_1 = arith.constant 0 : i32
    return %c0_i32, %c0_i32_0 : i32, i32
  }
  func.func @transform_8(%arg0: i32) -> (i32, i32) {
    %c0_i32 = arith.constant 0 : i32
    %c0_i32_0 = arith.constant 0 : i32
    %c0_i32_1 = arith.constant 0 : i32
    return %c0_i32, %c0_i32_0 : i32, i32
  }
}

</mosaic_0001>

<sc_bundles>
// kernel: kernel.12.cloned.1.call-start
scs
__scs_entry_jumppad:
0x0: {  	(pc) =	sbr.rel $0x88, $3  }
0x1: {  	(tag) =	ssettag $0x0;
	lr =	simm.s32 $0x1  }
0x2: {  	[smem:$0x3F96] =	sst lr;
	_ =	strace $0xD0000000  }
0x3: {  	_ = 	snop  }
0x4: {  	_ = 	snop  }
0x5: {  	_ = 	snop  }
0x6: {  	_ = 	snop  }
0x7: {  	_ = 	snop  }
__scs_overlays_trampoline_lowered:
0x8: {  	[smem:$0x3FA5] =	sst s0  }
0x9: {  	[smem:$0x3FA6] =	sst s1  }
0xa: {  	[smem:$0x3FA7] =	sst s2  }
0xb: {  	[smem:$0x3FA8] =	sst s3  }
0xc: {  	[smem:$0x3FA9] =	sst s4  }
0xd: {  	[smem:$0x3FAA] =	sst s5  }
0xe: {  	[smem:$0x3FAB] =	sst s6  }
0xf: {  	[smem:$0x3FAC] =	sst s7  }
0x10: {  	[smem:$0x3FAD] =	sst s8  }
0x11: {  	[smem:$0x3FAE] =	sst s9;
	s0 =	simm.s32 @!p0 $0x0  }
0x12: {  	s1 =	sld [smem:$0x3F94];
	s0 =	simm.s32 @p0 $0x1  }
0x13: {  	[smem:$0x3FAF] =	sst s0;
	s0 =	simm.s32 @!p1 $0x0  }
0x14: {  	s2 =	sld [smem:$0x3F93];
	s0 =	simm.s32 @p1 $0x1  }
0x15: {  	[smem:$0x3FB0] =	sst s0;
	s0 =	simm.s32 @!p2 $0x0  }
0x16: {  	s3 =	sld [smem:$0x3FDB];
	s0 =	simm.s32 @p2 $0x1  }
0x17: {  	s4 =	simm.s32 $0x1BF5;
	[smem:$0x3FB2] =	sst s0  }
0x18: {  	s0 =	sld [smem:$0x3F95];
	_ =	swait.ge [sflag:s4], $0x0  }
0x19: {  	s7 =	sld [smem:$0x3F96]  }
0x1a: {  	s8 =	sadd.s32 $0xFFFFE003, lr  }
0x1b: {  	s9 =	sadd.s32 $0xFFFFFEF7, lr;
	s5 =	simm.s32 $0xFFFFFFFF;
	p2 =	slt.u32 s8, $0xFFFFF086  }
0x1c: {  	p1 =	slt.u32 s9, $0xF7A;
	s5 =	simm.s32 @!p2 $0x0  }
0x1d: {  	s5 =	simm.s32 @p1 $0x1;
	p0 =	seq.s32 s7, s2  }
0x1e: {  	s7 =	smul.u32 @!p0 $0xF7A, s2;
	p2 =	seq.s32 @!p0 s5, $0x0  }
0x1f: {  	s9 =	smul.u32 $0xF7A, s1;
	s8 =	simm.s32 @!p0 $0x1BF5;
	p2 =	por !p2, p0  }
0x20: {  	[sflag:s8] =	ssyncset.s32 @!p0 $0xFFFFF086;
	s6 =	sadd.s32 @!p0 s3, s7;
	s7 =	simm.s32 @!p0 $0x108  }
0x21: {  	s3 =	sadd.s32 s3, s9;
	s6 =	sadd.s32 @!p0 $0x88, s6;
	s7 =	simm.s32 @p2 $0x1082  }
0x22: {  	[simem:s7], [sflag:s8] =	dma.local @!p0 [hbm:s6], $0xF7A  }
0x23: {  	s9 =	sor.u32 $0xD0000000, s2;
	s6 =	simm.s32 $0x108;
	_ =	swait.ge @!p0 [sflag:s8], $0x0  }
0x24: {  	s3 =	sadd.s32 $0x88, s3;
	s6 =	simm.s32 @!p1 $0x1082;
	[sflag:s4] =	ssyncset.s32 $0xFFFFF086  }
0x25: {  	[simem:s6], [sflag:s4] =	dma.local [hbm:s3], $0xF7A  }
0x26: {  	[smem:$0x3F96] =	sst s1;
	(tag) =	ssettag s2;
	_ =	strace s9  }
0x27: {  	s1 =	sld [smem:$0x3FA6]  }
0x28: {  	s2 =	sld [smem:$0x3FA7]  }
0x29: {  	s4 =	sld [smem:$0x3FA9]  }
0x2a: {  	p0 =	seq.s32 s5, $0x0;
	s5 =	sld [smem:$0x3FAA]  }
0x2b: {  	s6 =	sld [smem:$0x3FAB]  }
0x2c: {  	s7 =	sld [smem:$0x3FAC]  }
0x2d: {  	s3 =	simm.s32 $0x108;
	s8 =	sld [smem:$0x3FAD]  }
0x2e: {  	s3 =	simm.s32 @!p0 $0x1082;
	s9 =	sld [smem:$0x3FAE]  }
0x2f: {  	lr =	sadd.s32 s0, s3;
	s0 =	sld [smem:$0x3FA5]  }
0x30: {  	s3 =	sld [smem:$0x3FA8]  }
0x31: {  	[smem:$0x3FB1] =	sst s10  }
0x32: {  	s10 =	sld [smem:$0x3FAF];
	_ =	sdelay $0x3  }
0x33: {  	p0 =	seq.s32 s10, $0x1;
	s10 =	sld [smem:$0x3FB1];
	_ =	sdelay $0x3  }
0x34: {  	[smem:$0x3FB1] =	sst s10  }
0x35: {  	s10 =	sld [smem:$0x3FB0];
	_ =	sdelay $0x3  }
0x36: {  	p1 =	seq.s32 s10, $0x1;
	s10 =	sld [smem:$0x3FB1];
	_ =	sdelay $0x3  }
0x37: {  	[smem:$0x3FB1] =	sst s10  }
0x38: {  	s10 =	sld [smem:$0x3FB2]  }
0x39: {  	_ = 	snop;
	(pc) =	sbr.ind lr, $3  }
0x3a: {  	_ = 	snop  }
0x3b: {  	_ = 	snop  }
0x3c: {  	p2 =	seq.s32 s10, $0x1;
	s10 =	sld [smem:$0x3FB1]  }
0x3d: {  	_ =	shalt  }
0x3e: {  	_ =	shalt  }
0x3f: {  	_ =	shalt  }
0x40: {  	_ =	shalt  }
0x41: {  	_ =	shalt  }
0x42: {  	_ =	shalt  }
0x43: {  	_ =	shalt  }
0x44: {  	_ =	shalt  }
0x45: {  	_ =	shalt  }
0x46: {  	_ =	shalt  }
0x47: {  	_ =	shalt  }
0x48: {  	_ =	shalt  }
0x49: {  	_ =	shalt  }
0x4a: {  	_ =	shalt  }
0x4b: {  	_ =	shalt  }
0x4c: {  	_ =	shalt  }
0x4d: {  	_ =	shalt  }
0x4e: {  	_ =	shalt  }
0x4f: {  	_ =	shalt  }
0x50: {  	_ =	shalt  }
0x51: {  	_ =	shalt  }
0x52: {  	_ =	shalt  }
0x53: {  	_ =	shalt  }
0x54: {  	_ =	shalt  }
0x55: {  	_ =	shalt  }
0x56: {  	_ =	shalt  }
0x57: {  	_ =	shalt  }
0x58: {  	_ =	shalt  }
0x59: {  	_ =	shalt  }
0x5a: {  	_ =	shalt  }
0x5b: {  	_ =	shalt  }
0x5c: {  	_ =	shalt  }
0x5d: {  	_ =	shalt  }
0x5e: {  	_ =	shalt  }
0x5f: {  	_ =	shalt  }
0x60: {  	_ =	shalt  }
0x61: {  	_ =	shalt  }
0x62: {  	_ =	shalt  }
0x63: {  	_ =	shalt  }
0x64: {  	_ =	shalt  }
0x65: {  	_ =	shalt  }
0x66: {  	_ =	shalt  }
0x67: {  	_ =	shalt  }
0x68: {  	_ =	shalt  }
0x69: {  	_ =	shalt  }
0x6a: {  	_ =	shalt  }
0x6b: {  	_ =	shalt  }
0x6c: {  	_ =	shalt  }
0x6d: {  	_ =	shalt  }
0x6e: {  	_ =	shalt  }
0x6f: {  	_ =	shalt  }
0x70: {  	_ =	shalt  }
0x71: {  	_ =	shalt  }
0x72: {  	_ =	shalt  }
0x73: {  	_ =	shalt  }
0x74: {  	_ =	shalt  }
0x75: {  	_ =	shalt  }
0x76: {  	_ =	shalt  }
0x77: {  	_ =	shalt  }
0x78: {  	_ =	shalt  }
0x79: {  	_ =	shalt  }
0x7a: {  	_ =	shalt  }
0x7b: {  	_ =	shalt  }
0x7c: {  	_ =	shalt  }
0x7d: {  	_ =	shalt  }
0x7e: {  	_ =	shalt  }
0x7f: {  	_ =	shalt  }
0x80: {  	_ =	shalt  }
0x81: {  	_ =	shalt  }
0x82: {  	_ =	shalt  }
0x83: {  	_ =	shalt  }
0x84: {  	_ =	shalt  }
0x85: {  	_ =	shalt  }
0x86: {  	_ =	shalt  }
0x87: {  	_ =	shalt  }
.Lfunc_end0:
.L_simem_size_0:
called_computation.1_lowered:
.L_overlay_start_0:
0x88: {  	s2 =	sld [smem:$0x3FD9]  }
0x89: {  	s3 =	sld [smem:$0x3FFE];
	_ =	sdelay $0x1  }
0x8a: {  	s1 =	srdreg.scid  }
0x8b: {  	s0 =	sand.u32 $0x1, s1  }
0x8c: {  	s16 =	sshll.u32 s0, $0xA;
	s2 =	sadd.s32 s3, s2  }
0x8d: {  	s2 =	sadd.s32 s2, s16  }
0x8e: {  	[smem:$0x3FBD] =	sst s2  }
0x8f: {  	_ = 	snop  }
0x90: {  	(tm) =	ssettm $0x1  }
0x91: {  	s17 =	sld [smem:$0x3FFB];
	_ =	sdelay $0x3  }
0x92: {  	_ =	strace s17  }
0x93: {  	s2 =	sld [smem:$0x3FFC];
	_ =	sdelay $0x3  }
0x94: {  	_ =	strace s2  }
0x95: {  	s2 =	sld [smem:$0x3FFD];
	_ =	sdelay $0x3  }
0x96: {  	_ =	strace s2  }
0x97: {  	_ =	strace $0x8FFFFFFF  }
0x98: {  	s18 =	sld [smem:$0x3FDB];
	_ =	sdelay $0x1  }
0x99: {  	s19 =	simm.s32 $_scs_section_size  }
0x9a: {  	s4 =	simm.s32 $_size__tile_overlayer_lowered;
	s5 =	simm.s32 $_tile_overlayer_lowered  }
0x9b: {  	s22 =	simm.s32 $0x1BFF;
	s21 =	sshll.u32 s5, $0x1;
	s2 =	sadd.s32 s19, s18  }
0x9c: {  	s6 =	simm.s32 $0x0;
	s20 =	sshll.u32 s4, $0x1;
	s4 =	sadd.s32 s21, s2  }
0x9d: {  	[timem:s6], [sflag:s22] =	dma.local [hbm:s4], s20  }
0x9e: {  	_ =	swait.ge [sflag:s22], s20  }
0x9f: {  	s3 =	ssub.s32 $0x0, s20;
	[sflag:s22] =	ssyncset.done $0x0  }
0xa0: {  	[sflag:s22] =	ssyncadd.s32 s3;
	_ =	sdelay $0x1  }
0xa1: {  	s23 =	simm.s32 $0x1B8B  }
0xa2: {  	_ =	swait.ge [sflag:s23], $0x1  }
0xa3: {  	[sflag:s23] =	ssyncset.done $0x0  }
0xa4: {  	s25 =	simm.s32 $0x1B8E;
	s24 =	sld [smem:$0x3FFE];
	[sflag:s23] =	ssyncadd.s32 $0xFFFFFFFF  }
0xa5: {  	s26 =	simm.s32 $execute0_lowered;
	[smem:$0x3FD2] =	sst s25  }
0xa6: {  	s4 =	sshll.u32 s26, $0x1;
	_ =	strace $0x80000049;
	[dreg:$0x1] =	wrdreg $0xFFFFFFFF  }
0xa7: {  	s28 =	simm.s32 $_size_execute0_lowered;
	s2 =	sadd.s32 s2, s4;
	[dreg:$0x0] =	wrdreg $0x0  }
0xa8: {  	s4 =	sshll.u32 s28, $0x1;
	[dreg:$0x2] =	wrdreg s2  }
0xa9: {  	[dreg:$0x3] =	wrdreg s4  }
0xaa: {  	[dreg:$0x4] =	wrdreg $0xC0  }
0xab: {  	_ =	task [dreg:s6], $0x5FFFF  }
0xac: {  	[dreg:$0x1] =	wrdreg $0xFFFFFFFF  }
0xad: {  	[dreg:$0x0] =	wrdreg $0x60  }
0xae: {  	[dreg:$0x2] =	wrdreg s24  }
0xaf: {  	[dreg:$0x3] =	wrdreg $0xE4400  }
0xb0: {  	[dreg:$0x4] =	wrdreg $0x9  }
0xb1: {  	_ =	task.clear_ibuf [dreg:s6], $0x5FFFF;
	_ =	strace $0x90000049  }
0xb2: {  	s29 =	simm.s32 $0x9;
	_ =	strace $0x8000004B  }
0xb3: {  	_ =	swait.ge [sflag:s29], $0x1  }
0xb4: {  	[sflag:s29] =	ssyncadd.s32 $0xFFFFFFFF  }
0xb5: {  	_ =	strace $0x9000004B  }
0xb6: {  	_ =	sfence  }
0xb7: {  	s30 =	sld [smem:$0x0];
	_ =	sdelay $0x2  }
0xb8: {  	s31 =	sshll.u32 s1, $0xD;
	s1 =	sshrl.u32 s1, $0x2  }
0xb9: {  	s3 =	sand.u32 $0x4000, s31;
	s1 =	sadd.s32 s1, s30  }
0xba: {  	s0 =	sor.u32 s3, s0;
	s1 =	sshll.u32 s1, $0x11  }
0xbb: {  	s0 =	sor.u32 s1, s0  }
0xbc: {  	s0 =	sadd.s32 $0x8F2B, s0  }
0xbd: {  	[sflag:s0] =	ssyncadd.remote.s32 $0x1  }
0xbe: {  	_ =	sfence.sel $0xFFFF  }
0xbf: {  	[dreg:$0x0] =	wrdreg $0xFFFFFFFF;
	(pc) =	sbr.abs _section_cstart, $3  }
0xc0: {  	[dreg:$0x1] =	wrdreg $0xFFFFFFFF  }
0xc1: {  	_ =	task.clear_ibuf [dreg:s6], $0x2FFFF;
	_ =	strace $0x9FFFFFFF  }
0xc2: {  	(tm) =	ssettm $0x7FFFFFFF  }
0xc3: {  	_ =	shalt  }
tec
execute0_lowered:
.L_overlay_start_1:
0x0: {  	(tag) =	ssettag $0x1  }
0x1: {  	s6 =	rddreg [dreg:$0x0]  }
0x2: {  	s1 =	rddreg [dreg:$0x1]  }
0x3: {  	s0 =	rddreg [dreg:$0x2];
	s3 =	simm.s32 $0x0;
	s2 =	stileid.u32  }
0x4: {  	s8 =	srdreg.scid;
	s17 =	simm.s32 $0x4E20;
	s18 =	simm.s32 $0x50  }
0x5: {  	s19 =	simm.s32 $0x9C40;
	s20 =	simm.s32 $0x1;
	[smem:$0x7FF] =	sst s3  }
0x6: {  	s4 =	sadd.s32 $0x81A00, s6;
	s7 =	smul.u32 $0x9C4, s2;
	s5 =	sadd.s32 $0x6E000, s6  }
0x7: {  	s12 =	sand.u32 $0x1, s8;
	s29 =	smul.u32 $0x27000, s2;
	s13 =	sadd.s32 $0x95400, s6  }
0x8: {  	s14 =	smul.u32 $0x9C00, s2;
	s9 =	sadd.s32 $0x9C000, s1;
	p1 =	sne.s32 s2, $0xF  }
0x9: {  	_ =	strace $0x8000004A;
	s30 =	ssub.s32 $0x2, s12;
	s16 =	smul.u32 $0x9C400, s12  }
0xa: {  	p0 =	seq.s32 s12, $0x1;
	s11 =	sadd.s32 s7, s6;
	s31 =	sshrl.u32 s30, $0x1  }
0xb: {  	s8 =	sshrl.u32 s29, $0x2;
	s6 =	sadd.s32 s14, s1;
	s15 =	ssub.s32 s30, s31  }
.Ltmp0:
0xc: {  	s8 =	sadd.s32 s8, s1;
	s10 =	sadd.s32 $0x2400, s11;
	(pc) =	sbr.rel .LBB2_1-.Ltmp0, $4  }
0xd: {  	s14 =	sadd.s32 s14, s16;
	s11 =	sadd.s32 $0xC200, s11;
	s16 =	sshrl.u32 s16, $0x3  }
0xe: {  	s7 =	sadd.s32 $0x3400, s8;
	s8 =	sadd.s32 $0x6800, s8;
	s14 =	sshrl.u32 s14, $0x3  }
0xf: {  	s12 =	sadd.s32 s13, s14;
	s13 =	sadd.s32 s13, s16;
	s14 =	smax.u32 s15, $0x1  }
0x10: {  	v0 =	vimm.f32 $0.0e+00;
	s15 =	simm.s32 $0xB040;
	s16 =	simm.s32 $0x2;
	s13 =	sadd.s32 $0x13800, s13  }
.LBB2_6:
0x11: {  	s21 =	sshra.s32 s21, $0x2;
	[sflag:s16] =	ssyncadd.s32 $0xFFFFEC00  }
0x12: {  	[tilespmem:s19], [sflag:$0x1] =	stream.indirect.gather [hbm4b:s4+s18], $0x40, s21, s18, $0xb8;
	[tilespmem:$0x18080] =	vst v63  }
0x13: {  	_ =	swait.ge [sflag:s20], $0x1400  }
0x14: {  	[sflag:s20] =	ssyncset.done $0x0  }
0x15: {  	s21 =	sadd.s32 $0x4E20, s21;
	[sflag:s20] =	ssyncadd.s32 $0xFFFFEC00  }
0x16: {  	[spmem:s1] =	stream.indirect.scatter.add.f32 [tilespmem:s19], [sflag:$0x2], $0x40, s21, s18, $0xb8;
	[tilespmem:$0x18080] =	vst v63  }
0x17: {  	_ =	swait.ge [sflag:s16], $0x1400  }
0x18: {  	[sflag:s16] =	ssyncset.done $0x0  }
0x19: {  	[sflag:s16] =	ssyncadd.s32 $0xFFFFEC00  }
.LBB2_10:
0x1a: {  	s21 =	sshll.u32 s2, $0x6  }
0x1b: {  	[bflag:$0x0] =	sbarrier.arrive $0xFFFF;
	s22 =	sshrl.u32 s6, $0x3;
	s21 =	sor.u32 $0x1C02, s21  }
0x1c: {  	[hbm:s12], [sflag:s21] =	dma.local [spmem:s22], $0x1380  }
0x1d: {  	_ =	swait.ge [sflag:s16], $0x1380  }
0x1e: {  	s3 =	sadd.s32 $0x1, s3;
	[sflag:s16] =	ssyncset.done $0x0  }
0x1f: {  	p2 =	sne.s32 s3, s14;
	s22 =	sshrl.u32 @!p1 s9, $0x3;
	[sflag:s16] =	ssyncadd.s32 $0xFFFFEC80  }
0x20: {  	[hbm:s13], [sflag:s21] =	dma.local @!p1 [spmem:s22], $0x80  }
.Ltmp1:
0x21: {  	_ = 	snop;
	(pc) =	sbr.rel @!p2 .LBB2_11-.Ltmp1, $4  }
0x22: {  	s21 =	simm.s32 @!p1 $0x2  }
0x23: {  	_ =	swait.ge @!p1 [sflag:s21], $0x80  }
0x24: {  	[sflag:s21] =	ssyncset.done @!p1 $0x0  }
0x25: {  	[sflag:s21] =	ssyncadd.s32 @!p1 $0xFFFFFF80  }
.LBB2_1:
0x26: {  	s22 =	simm.s32 $0x100;
	s21 =	simm.s32 $0x0  }
.LBB2_2:
0x27: {  	p2 =	sne.s32 s22, $0xCF00;
	[tilespmem:s21+$0xB070] =	vst v0;
	s23 =	smov.u32 s22;
	s22 =	sadd.s32 $0x100, s22  }
.Ltmp2:
0x28: {  	[tilespmem:s21+$0xB060] =	vst v0;
	(pc) =	sbr.rel @p2 .LBB2_2-.Ltmp2, $3  }
0x29: {  	[tilespmem:s21+$0xB040] =	vst v0  }
0x2a: {  	[tilespmem:s21+$0xB050] =	vst v0;
	_ =	sdelay $0x1  }
0x2b: {  	s21 =	sshra.s32 s23, $0x2  }
0x2c: {  	[tilespmem:s21+$0xB070] =	vst v0  }
0x2d: {  	[tilespmem:s21+$0xB060] =	vst v0  }
0x2e: {  	[tilespmem:s21+$0xB040] =	vst v0  }
0x2f: {  	[tilespmem:s21+$0xB050] =	vst v0  }
0x30: {  	[spmem:s6] =	stream.linear.scatter [tilespmem:s15], [sflag:$0x2], $0x3400, $0x38;
	[tilespmem:$0x18080] =	vst v63  }
0x31: {  	_ =	swait.ge [sflag:s16], $0x3400  }
0x32: {  	[sflag:s16] =	ssyncset.done $0x0  }
0x33: {  	[sflag:s16] =	ssyncadd.s32 $0xFFFFCC00  }
0x34: {  	[spmem:s7] =	stream.linear.scatter [tilespmem:s15], [sflag:$0x2], $0x3400, $0x38;
	[tilespmem:$0x18080] =	vst v63  }
0x35: {  	_ =	swait.ge [sflag:s16], $0x3400  }
0x36: {  	[sflag:s16] =	ssyncset.done $0x0  }
0x37: {  	[sflag:s16] =	ssyncadd.s32 $0xFFFFCC00  }
0x38: {  	[spmem:s8] =	stream.linear.scatter [tilespmem:s15], [sflag:$0x2], $0x3400, $0x38;
	[tilespmem:$0x18080] =	vst v63  }
0x39: {  	_ =	swait.ge [sflag:s16], $0x3400  }
0x3a: {  	[sflag:s16] =	ssyncset.done $0x0  }
0x3b: {  	s21 =	simm.s32 @!p1 $0xB040;
	[sflag:s16] =	ssyncadd.s32 $0xFFFFCC00  }
0x3c: {  	[spmem:s9] =	stream.linear.scatter @!p1 [tilespmem:s21], [sflag:$0x2], $0x400, $0x38;
	[tilespmem:$0x18080] =	vst v63  }
0x3d: {  	s21 =	simm.s32 @!p1 $0x2  }
0x3e: {  	_ =	swait.ge @!p1 [sflag:s21], $0x400  }
0x3f: {  	[sflag:s21] =	ssyncset.done @!p1 $0x0  }
0x40: {  	[sflag:s21] =	ssyncadd.s32 @!p1 $0xFFFFFC00  }
0x41: {  	s31 =	simm.s32 $0x0;
	[bflag:$0x0] =	sbarrier.arrive $0xFFFF  }
0x42: {  	[tilespmem:s31], [sflag:$0x2] =	stream.linear.gather [hbm4b:s10+s31], $0x4E20, $0x38;
	[tilespmem:$0x18080] =	vst v63  }
0x43: {  	_ =	swait.ge [sflag:s16], $0x4E20  }
0x44: {  	[sflag:s16] =	ssyncset.done $0x0  }
.Ltmp3:
0x45: {  	[sflag:s16] =	ssyncadd.s32 $0xFFFFB1E0;
	(pc) =	sbr.rel @!p0 .LBB2_4-.Ltmp3, $4  }
0x46: {  	[tilespmem:s17], [sflag:$0x2] =	stream.linear.gather [hbm4b:s11+s31], $0x4E20, $0x38;
	[tilespmem:$0x18080] =	vst v63  }
0x47: {  	_ =	swait.ge [sflag:s16], $0x4E20  }
0x48: {  	[sflag:s16] =	ssyncset.done $0x0  }
0x49: {  	s21 =	simm.s32 $0x0;
	[sflag:s16] =	ssyncadd.s32 $0xFFFFB1E0  }
0x4a: {  	[tilespmem:s19], [sflag:$0x1] =	stream.indirect.gather [hbm4b:s5+s18], $0x40, s21, s18, $0xb8;
	[tilespmem:$0x18080] =	vst v63  }
0x4b: {  	_ =	swait.ge [sflag:s20], $0x1400  }
0x4c: {  	[sflag:s20] =	ssyncset.done $0x0  }
0x4d: {  	s31 =	simm.s32 $0x4E20;
	[sflag:s20] =	ssyncadd.s32 $0xFFFFEC00  }
0x4e: {  	[spmem:s1] =	stream.indirect.scatter.add.f32 [tilespmem:s19], [sflag:$0x2], $0x40, s31, s18, $0xb8;
	[tilespmem:$0x18080] =	vst v63  }
0x4f: {  	_ =	swait.ge [sflag:s16], $0x1400  }
0x50: {  	s21 =	simm.s32 $0x140;
	s22 =	simm.s32 $0x280;
	[sflag:s16] =	ssyncset.done $0x0  }
.LBB2_8:
0x51: {  	s23 =	sshra.s32 s21, $0x2  }
0x52: {  	[sflag:s16] =	ssyncadd.s32 $0xFFFFEC00;
	s21 =	smov.u32 s22;
	s24 =	sadd.s32 $0x140, s22  }
0x53: {  	[tilespmem:s19], [sflag:$0x1] =	stream.indirect.gather [hbm4b:s5+s18], $0x40, s23, s18, $0xb8;
	[tilespmem:$0x18080] =	vst v63  }
0x54: {  	p2 =	sne.s32 s22, $0x13740;
	_ =	swait.ge [sflag:s20], $0x1400  }
.Ltmp4:
0x55: {  	[sflag:s20] =	ssyncset.done $0x0;
	(pc) =	sbr.rel @p2 .LBB2_8-.Ltmp4, $4  }
0x56: {  	s22 =	sadd.s32 $0x4E20, s23;
	[sflag:s20] =	ssyncadd.s32 $0xFFFFEC00  }
0x57: {  	[spmem:s1] =	stream.indirect.scatter.add.f32 [tilespmem:s19], [sflag:$0x2], $0x40, s22, s18, $0xb8;
	[tilespmem:$0x18080] =	vst v63  }
0x58: {  	_ =	swait.ge [sflag:s16], $0x1400  }
0x59: {  	s22 =	smov.u32 s24;
	[sflag:s16] =	ssyncset.done $0x0  }
0x5a: {  	s21 =	sshra.s32 s21, $0x2;
	[sflag:s16] =	ssyncadd.s32 $0xFFFFEC00  }
0x5b: {  	[tilespmem:s19], [sflag:$0x1] =	stream.indirect.gather [hbm4b:s5+s18], $0x40, s21, s18, $0xb8;
	[tilespmem:$0x18080] =	vst v63  }
0x5c: {  	_ =	swait.ge [sflag:s20], $0x1400  }
0x5d: {  	[sflag:s20] =	ssyncset.done $0x0  }
.Ltmp5:
0x5e: {  	s21 =	sadd.s32 $0x4E20, s21;
	[sflag:s20] =	ssyncadd.s32 $0xFFFFEC00;
	(pc) =	sbr.rel .LBB2_10-.Ltmp5, $4  }
0x5f: {  	[spmem:s1] =	stream.indirect.scatter.add.f32 [tilespmem:s19], [sflag:$0x2], $0x40, s21, s18, $0xb8;
	[tilespmem:$0x18080] =	vst v63  }
0x60: {  	_ =	swait.ge [sflag:s16], $0x1400  }
0x61: {  	[sflag:s16] =	ssyncset.done $0x0  }
0x62: {  	[sflag:s16] =	ssyncadd.s32 $0xFFFFEC00  }
.LBB2_4:
0x63: {  	[tilespmem:s19], [sflag:$0x1] =	stream.indirect.gather [hbm4b:s4+s18], $0x40, s21, s18, $0xb8;
	[tilespmem:$0x18080] =	vst v63  }
0x64: {  	_ =	swait.ge [sflag:s20], $0x1400  }
0x65: {  	[sflag:s20] =	ssyncset.done $0x0  }
0x66: {  	s31 =	simm.s32 $0x4E20;
	[sflag:s20] =	ssyncadd.s32 $0xFFFFEC00  }
0x67: {  	[spmem:s1] =	stream.indirect.scatter.add.f32 [tilespmem:s19], [sflag:$0x2], $0x40, s31, s18, $0xb8;
	[tilespmem:$0x18080] =	vst v63  }
0x68: {  	_ =	swait.ge [sflag:s16], $0x1400  }
0x69: {  	s21 =	simm.s32 $0x140;
	s22 =	simm.s32 $0x280;
	[sflag:s16] =	ssyncset.done $0x0  }
.LBB2_5:
0x6a: {  	s23 =	sshra.s32 s21, $0x2  }
0x6b: {  	[sflag:s16] =	ssyncadd.s32 $0xFFFFEC00;
	s21 =	smov.u32 s22;
	s24 =	sadd.s32 $0x140, s22  }
0x6c: {  	[tilespmem:s19], [sflag:$0x1] =	stream.indirect.gather [hbm4b:s4+s18], $0x40, s23, s18, $0xb8;
	[tilespmem:$0x18080] =	vst v63  }
0x6d: {  	p2 =	seq.s32 s22, $0x13740;
	_ =	swait.ge [sflag:s20], $0x1400  }
.Ltmp6:
0x6e: {  	[sflag:s20] =	ssyncset.done $0x0;
	(pc) =	sbr.rel @!p2 .LBB2_5-.Ltmp6, $4  }
0x6f: {  	s22 =	sadd.s32 $0x4E20, s23;
	[sflag:s20] =	ssyncadd.s32 $0xFFFFEC00  }
0x70: {  	[spmem:s1] =	stream.indirect.scatter.add.f32 [tilespmem:s19], [sflag:$0x2], $0x40, s22, s18, $0xb8;
	[tilespmem:$0x18080] =	vst v63  }
0x71: {  	_ =	swait.ge [sflag:s16], $0x1400  }
0x72: {  	s22 =	smov.u32 s24;
	[sflag:s16] =	ssyncset.done $0x0  }
.Ltmp7:
0x73: {  	_ = 	snop;
	(pc) =	sbr.rel .LBB2_6-.Ltmp7, $1  }
0x74: {  	_ =	sdelay $0x3  }
.LBB2_11:
0x75: {  	_ =	sfence.sel $0x180000  }
0x76: {  	[bflag:$0x0] =	sbarrier.arrive $0xFFFF  }
0x77: {  	p0 =	sne.s32 s2, $0x0;
	_ =	strace $0x9000004A  }
0x78: {  	s0 =	sadd.s32 @!p0 $0x100000, s0;
	[bflag:$0x2] =	sbarrier.arrive $0xFFFF  }
0x79: {  	[sflag:s0] =	ssyncadd.tile.s32 @!p0 $0x1;
	_ =	shalt  }
.Lfunc_end2:
_tile_overlayer_lowered:
.L_overlay_start_2:
0x7a: {  	(tag) =	ssettag $0x2  }
0x7b: {  	s0 =	rddreg [dreg:$0x0];
	s2 =	stileid.u32  }
0x7c: {  	s1 =	rddreg [dreg:$0x1];
	p0 =	sne.s32 s2, $0x0  }
0x7d: {  	s3 =	rddreg [dreg:$0x2];
	[bflag:$0x3] =	sbarrier.arrive $0xFFFF;
	s2 =	simm.s32 @!p0 $0x1C02  }
0x7e: {  	[timem:s3], [sflag:s2] =	dma.local @!p0 [hbm:s0], s1  }
0x7f: {  	s0 =	simm.s32 @!p0 $0x2  }
0x80: {  	_ =	swait.ge @!p0 [sflag:s0], s1  }
0x81: {  	s1 =	ssub.s32 @!p0 $0x0, s1;
	[sflag:s0] =	ssyncset.done @!p0 $0x0  }
0x82: {  	[sflag:s0] =	ssyncadd.s32 @!p0 s1  }
0x83: {  	[bflag:$0x3] =	sbarrier.arrive $0xFFFF  }
0x84: {  	_ =	shalt  }

// kernel: kernel.15.cloned.1.call-start
scs
__scs_entry_jumppad:
0x0: {  	(pc) =	sbr.rel $0x88, $3  }
0x1: {  	(tag) =	ssettag $0x0;
	lr =	simm.s32 $0x1  }
0x2: {  	[smem:$0x3F96] =	sst lr;
	_ =	strace $0xD0000000  }
0x3: {  	_ = 	snop  }
0x4: {  	_ = 	snop  }
0x5: {  	_ = 	snop  }
0x6: {  	_ = 	snop  }
0x7: {  	_ = 	snop  }
__scs_overlays_trampoline_lowered:
0x8: {  	[smem:$0x3FA5] =	sst s0  }
0x9: {  	[smem:$0x3FA6] =	sst s1  }
0xa: {  	[smem:$0x3FA7] =	sst s2  }
0xb: {  	[smem:$0x3FA8] =	sst s3  }
0xc: {  	[smem:$0x3FA9] =	sst s4  }
0xd: {  	[smem:$0x3FAA] =	sst s5  }
0xe: {  	[smem:$0x3FAB] =	sst s6  }
0xf: {  	[smem:$0x3FAC] =	sst s7  }
0x10: {  	[smem:$0x3FAD] =	sst s8  }
0x11: {  	[smem:$0x3FAE] =	sst s9;
	s0 =	simm.s32 @!p0 $0x0  }
0x12: {  	s1 =	sld [smem:$0x3F94];
	s0 =	simm.s32 @p0 $0x1  }
0x13: {  	[smem:$0x3FAF] =	sst s0;
	s0 =	simm.s32 @!p1 $0x0  }
0x14: {  	s2 =	sld [smem:$0x3F93];
	s0 =	simm.s32 @p1 $0x1  }
0x15: {  	[smem:$0x3FB0] =	sst s0;
	s0 =	simm.s32 @!p2 $0x0  }
0x16: {  	s3 =	sld [smem:$0x3FDB];
	s0 =	simm.s32 @p2 $0x1  }
0x17: {  	s4 =	simm.s32 $0x1BF5;
	[smem:$0x3FB2] =	sst s0  }
0x18: {  	s0 =	sld [smem:$0x3F95];
	_ =	swait.ge [sflag:s4], $0x0  }
0x19: {  	s7 =	sld [smem:$0x3F96]  }
0x1a: {  	s8 =	sadd.s32 $0xFFFFE003, lr  }
0x1b: {  	s9 =	sadd.s32 $0xFFFFFEF7, lr;
	s5 =	simm.s32 $0xFFFFFFFF;
	p2 =	slt.u32 s8, $0xFFFFF086  }
0x1c: {  	p1 =	slt.u32 s9, $0xF7A;
	s5 =	simm.s32 @!p2 $0x0  }
0x1d: {  	s5 =	simm.s32 @p1 $0x1;
	p0 =	seq.s32 s7, s2  }
0x1e: {  	s7 =	smul.u32 @!p0 $0xF7A, s2;
	p2 =	seq.s32 @!p0 s5, $0x0  }
0x1f: {  	s9 =	smul.u32 $0xF7A, s1;
	s8 =	simm.s32 @!p0 $0x1BF5;
	p2 =	por !p2, p0  }
0x20: {  	[sflag:s8] =	ssyncset.s32 @!p0 $0xFFFFF086;
	s6 =	sadd.s32 @!p0 s3, s7;
	s7 =	simm.s32 @!p0 $0x108  }
0x21: {  	s3 =	sadd.s32 s3, s9;
	s6 =	sadd.s32 @!p0 $0x88, s6;
	s7 =	simm.s32 @p2 $0x1082  }
0x22: {  	[simem:s7], [sflag:s8] =	dma.local @!p0 [hbm:s6], $0xF7A  }
0x23: {  	s9 =	sor.u32 $0xD0000000, s2;
	s6 =	simm.s32 $0x108;
	_ =	swait.ge @!p0 [sflag:s8], $0x0  }
0x24: {  	s3 =	sadd.s32 $0x88, s3;
	s6 =	simm.s32 @!p1 $0x1082;
	[sflag:s4] =	ssyncset.s32 $0xFFFFF086  }
0x25: {  	[simem:s6], [sflag:s4] =	dma.local [hbm:s3], $0xF7A  }
0x26: {  	[smem:$0x3F96] =	sst s1;
	(tag) =	ssettag s2;
	_ =	strace s9  }
0x27: {  	s1 =	sld [smem:$0x3FA6]  }
0x28: {  	s2 =	sld [smem:$0x3FA7]  }
0x29: {  	s4 =	sld [smem:$0x3FA9]  }
0x2a: {  	p0 =	seq.s32 s5, $0x0;
	s5 =	sld [smem:$0x3FAA]  }
0x2b: {  	s6 =	sld [smem:$0x3FAB]  }
0x2c: {  	s7 =	sld [smem:$0x3FAC]  }
0x2d: {  	s3 =	simm.s32 $0x108;
	s8 =	sld [smem:$0x3FAD]  }
0x2e: {  	s3 =	simm.s32 @!p0 $0x1082;
	s9 =	sld [smem:$0x3FAE]  }
0x2f: {  	lr =	sadd.s32 s0, s3;
	s0 =	sld [smem:$0x3FA5]  }
0x30: {  	s3 =	sld [smem:$0x3FA8]  }
0x31: {  	[smem:$0x3FB1] =	sst s10  }
0x32: {  	s10 =	sld [smem:$0x3FAF];
	_ =	sdelay $0x3  }
0x33: {  	p0 =	seq.s32 s10, $0x1;
	s10 =	sld [smem:$0x3FB1];
	_ =	sdelay $0x3  }
0x34: {  	[smem:$0x3FB1] =	sst s10  }
0x35: {  	s10 =	sld [smem:$0x3FB0];
	_ =	sdelay $0x3  }
0x36: {  	p1 =	seq.s32 s10, $0x1;
	s10 =	sld [smem:$0x3FB1];
	_ =	sdelay $0x3  }
0x37: {  	[smem:$0x3FB1] =	sst s10  }
0x38: {  	s10 =	sld [smem:$0x3FB2]  }
0x39: {  	_ = 	snop;
	(pc) =	sbr.ind lr, $3  }
0x3a: {  	_ = 	snop  }
0x3b: {  	_ = 	snop  }
0x3c: {  	p2 =	seq.s32 s10, $0x1;
	s10 =	sld [smem:$0x3FB1]  }
0x3d: {  	_ =	shalt  }
0x3e: {  	_ =	shalt  }
0x3f: {  	_ =	shalt  }
0x40: {  	_ =	shalt  }
0x41: {  	_ =	shalt  }
0x42: {  	_ =	shalt  }
0x43: {  	_ =	shalt  }
0x44: {  	_ =	shalt  }
0x45: {  	_ =	shalt  }
0x46: {  	_ =	shalt  }
0x47: {  	_ =	shalt  }
0x48: {  	_ =	shalt  }
0x49: {  	_ =	shalt  }
0x4a: {  	_ =	shalt  }
0x4b: {  	_ =	shalt  }
0x4c: {  	_ =	shalt  }
0x4d: {  	_ =	shalt  }
0x4e: {  	_ =	shalt  }
0x4f: {  	_ =	shalt  }
0x50: {  	_ =	shalt  }
0x51: {  	_ =	shalt  }
0x52: {  	_ =	shalt  }
0x53: {  	_ =	shalt  }
0x54: {  	_ =	shalt  }
0x55: {  	_ =	shalt  }
0x56: {  	_ =	shalt  }
0x57: {  	_ =	shalt  }
0x58: {  	_ =	shalt  }
0x59: {  	_ =	shalt  }
0x5a: {  	_ =	shalt  }
0x5b: {  	_ =	shalt  }
0x5c: {  	_ =	shalt  }
0x5d: {  	_ =	shalt  }
0x5e: {  	_ =	shalt  }
0x5f: {  	_ =	shalt  }
0x60: {  	_ =	shalt  }
0x61: {  	_ =	shalt  }
0x62: {  	_ =	shalt  }
0x63: {  	_ =	shalt  }
0x64: {  	_ =	shalt  }
0x65: {  	_ =	shalt  }
0x66: {  	_ =	shalt  }
0x67: {  	_ =	shalt  }
0x68: {  	_ =	shalt  }
0x69: {  	_ =	shalt  }
0x6a: {  	_ =	shalt  }
0x6b: {  	_ =	shalt  }
0x6c: {  	_ =	shalt  }
0x6d: {  	_ =	shalt  }
0x6e: {  	_ =	shalt  }
0x6f: {  	_ =	shalt  }
0x70: {  	_ =	shalt  }
0x71: {  	_ =	shalt  }
0x72: {  	_ =	shalt  }
0x73: {  	_ =	shalt  }
0x74: {  	_ =	shalt  }
0x75: {  	_ =	shalt  }
0x76: {  	_ =	shalt  }
0x77: {  	_ =	shalt  }
0x78: {  	_ =	shalt  }
0x79: {  	_ =	shalt  }
0x7a: {  	_ =	shalt  }
0x7b: {  	_ =	shalt  }
0x7c: {  	_ =	shalt  }
0x7d: {  	_ =	shalt  }
0x7e: {  	_ =	shalt  }
0x7f: {  	_ =	shalt  }
0x80: {  	_ =	shalt  }
0x81: {  	_ =	shalt  }
0x82: {  	_ =	shalt  }
0x83: {  	_ =	shalt  }
0x84: {  	_ =	shalt  }
0x85: {  	_ =	shalt  }
0x86: {  	_ =	shalt  }
0x87: {  	_ =	shalt  }
.Lfunc_end0:
.L_simem_size_0:
called_computation.2_lowered:
.L_overlay_start_0:
0x88: {  	s2 =	sld [smem:$0x3FD9]  }
0x89: {  	s3 =	sld [smem:$0x3FFE];
	_ =	sdelay $0x1  }
0x8a: {  	s1 =	srdreg.scid  }
0x8b: {  	s0 =	sand.u32 $0x1, s1  }
0x8c: {  	s16 =	sshll.u32 s0, $0xA;
	s2 =	sadd.s32 s3, s2  }
0x8d: {  	s2 =	sadd.s32 s2, s16  }
0x8e: {  	[smem:$0x3FBD] =	sst s2  }
0x8f: {  	_ = 	snop  }
0x90: {  	(tm) =	ssettm $0x1  }
0x91: {  	s17 =	sld [smem:$0x3FFB];
	_ =	sdelay $0x3  }
0x92: {  	_ =	strace s17  }
0x93: {  	s2 =	sld [smem:$0x3FFC];
	_ =	sdelay $0x3  }
0x94: {  	_ =	strace s2  }
0x95: {  	s2 =	sld [smem:$0x3FFD];
	_ =	sdelay $0x3  }
0x96: {  	_ =	strace s2  }
0x97: {  	_ =	strace $0x8FFFFFFF  }
0x98: {  	s18 =	sld [smem:$0x3FDB];
	_ =	sdelay $0x1  }
0x99: {  	s19 =	simm.s32 $_scs_section_size  }
0x9a: {  	s4 =	simm.s32 $_size__tile_overlayer_lowered;
	s5 =	simm.s32 $_tile_overlayer_lowered  }
0x9b: {  	s22 =	simm.s32 $0x1BFF;
	s21 =	sshll.u32 s5, $0x1;
	s2 =	sadd.s32 s19, s18  }
0x9c: {  	s6 =	simm.s32 $0x0;
	s20 =	sshll.u32 s4, $0x1;
	s4 =	sadd.s32 s21, s2  }
0x9d: {  	[timem:s6], [sflag:s22] =	dma.local [hbm:s4], s20  }
0x9e: {  	_ =	swait.ge [sflag:s22], s20  }
0x9f: {  	s3 =	ssub.s32 $0x0, s20;
	[sflag:s22] =	ssyncset.done $0x0  }
0xa0: {  	[sflag:s22] =	ssyncadd.s32 s3;
	_ =	sdelay $0x1  }
0xa1: {  	s23 =	simm.s32 $0x1B8B  }
0xa2: {  	_ =	swait.ge [sflag:s23], $0x1  }
0xa3: {  	[sflag:s23] =	ssyncset.done $0x0  }
0xa4: {  	s25 =	simm.s32 $0x1B8E;
	s24 =	sld [smem:$0x3FFE];
	[sflag:s23] =	ssyncadd.s32 $0xFFFFFFFF  }
0xa5: {  	s26 =	simm.s32 $execute0_lowered;
	[smem:$0x3FD2] =	sst s25  }
0xa6: {  	s4 =	sshll.u32 s26, $0x1;
	_ =	strace $0x8000004C;
	[dreg:$0x1] =	wrdreg $0xFFFFFFFF  }
0xa7: {  	s28 =	simm.s32 $_size_execute0_lowered;
	s2 =	sadd.s32 s2, s4;
	[dreg:$0x0] =	wrdreg $0x0  }
0xa8: {  	s4 =	sshll.u32 s28, $0x1;
	[dreg:$0x2] =	wrdreg s2  }
0xa9: {  	[dreg:$0x3] =	wrdreg s4  }
0xaa: {  	[dreg:$0x4] =	wrdreg $0xC0  }
0xab: {  	_ =	task [dreg:s6], $0x5FFFF  }
0xac: {  	[dreg:$0x1] =	wrdreg $0xFFFFFFFF  }
0xad: {  	[dreg:$0x0] =	wrdreg $0x60  }
0xae: {  	[dreg:$0x2] =	wrdreg s24  }
0xaf: {  	[dreg:$0x3] =	wrdreg $0xE4400  }
0xb0: {  	[dreg:$0x4] =	wrdreg $0x9  }
0xb1: {  	_ =	task.clear_ibuf [dreg:s6], $0x5FFFF;
	_ =	strace $0x9000004C  }
0xb2: {  	s29 =	simm.s32 $0x9;
	_ =	strace $0x8000004E  }
0xb3: {  	_ =	swait.ge [sflag:s29], $0x1  }
0xb4: {  	[sflag:s29] =	ssyncadd.s32 $0xFFFFFFFF  }
0xb5: {  	_ =	strace $0x9000004E  }
0xb6: {  	_ =	sfence  }
0xb7: {  	s30 =	sld [smem:$0x0];
	_ =	sdelay $0x2  }
0xb8: {  	s31 =	sshll.u32 s1, $0xD;
	s1 =	sshrl.u32 s1, $0x2  }
0xb9: {  	s3 =	sand.u32 $0x4000, s31;
	s1 =	sadd.s32 s1, s30  }
0xba: {  	s0 =	sor.u32 s3, s0;
	s1 =	sshll.u32 s1, $0x11  }
0xbb: {  	s0 =	sor.u32 s1, s0  }
0xbc: {  	s0 =	sadd.s32 $0x8F2B, s0  }
0xbd: {  	[sflag:s0] =	ssyncadd.remote.s32 $0x1  }
0xbe: {  	_ =	sfence.sel $0xFFFF  }
0xbf: {  	[dreg:$0x0] =	wrdreg $0xFFFFFFFF;
	(pc) =	sbr.abs _section_cstart, $3  }
0xc0: {  	[dreg:$0x1] =	wrdreg $0xFFFFFFFF  }
0xc1: {  	_ =	task.clear_ibuf [dreg:s6], $0x2FFFF;
	_ =	strace $0x9FFFFFFF  }
0xc2: {  	(tm) =	ssettm $0x7FFFFFFF  }
0xc3: {  	_ =	shalt  }
tec
execute0_lowered:
.L_overlay_start_1:
0x0: {  	(tag) =	ssettag $0x1  }
0x1: {  	s6 =	rddreg [dreg:$0x0]  }
0x2: {  	s1 =	rddreg [dreg:$0x1]  }
0x3: {  	s0 =	rddreg [dreg:$0x2];
	s3 =	simm.s32 $0x0;
	s2 =	stileid.u32  }
0x4: {  	s8 =	srdreg.scid;
	s17 =	simm.s32 $0x4E20;
	s18 =	simm.s32 $0x50  }
0x5: {  	s19 =	simm.s32 $0x9C40;
	s20 =	simm.s32 $0x1;
	[smem:$0x7FF] =	sst s3  }
0x6: {  	s4 =	sadd.s32 $0x81A00, s6;
	s7 =	smul.u32 $0x9C4, s2;
	s5 =	sadd.s32 $0x6E000, s6  }
0x7: {  	s12 =	sand.u32 $0x1, s8;
	s29 =	smul.u32 $0x27000, s2;
	s13 =	sadd.s32 $0x95400, s6  }
0x8: {  	s14 =	smul.u32 $0x9C00, s2;
	s9 =	sadd.s32 $0x9C000, s1;
	p1 =	sne.s32 s2, $0xF  }
0x9: {  	_ =	strace $0x8000004D;
	s30 =	ssub.s32 $0x2, s12;
	s16 =	smul.u32 $0x9C400, s12  }
0xa: {  	p0 =	seq.s32 s12, $0x1;
	s11 =	sadd.s32 s7, s6;
	s31 =	sshrl.u32 s30, $0x1  }
0xb: {  	s8 =	sshrl.u32 s29, $0x2;
	s6 =	sadd.s32 s14, s1;
	s15 =	ssub.s32 s30, s31  }
.Ltmp0:
0xc: {  	s8 =	sadd.s32 s8, s1;
	s10 =	sadd.s32 $0x2400, s11;
	(pc) =	sbr.rel .LBB2_1-.Ltmp0, $4  }
0xd: {  	s14 =	sadd.s32 s14, s16;
	s11 =	sadd.s32 $0xC200, s11;
	s16 =	sshrl.u32 s16, $0x3  }
0xe: {  	s7 =	sadd.s32 $0x3400, s8;
	s8 =	sadd.s32 $0x6800, s8;
	s14 =	sshrl.u32 s14, $0x3  }
0xf: {  	s12 =	sadd.s32 s13, s14;
	s13 =	sadd.s32 s13, s16;
	s14 =	smax.u32 s15, $0x1  }
0x10: {  	v0 =	vimm.f32 $0.0e+00;
	s15 =	simm.s32 $0xB040;
	s16 =	simm.s32 $0x2;
	s13 =	sadd.s32 $0x13800, s13  }
.LBB2_6:
0x11: {  	s21 =	sshra.s32 s21, $0x2;
	[sflag:s16] =	ssyncadd.s32 $0xFFFFEC00  }
0x12: {  	[tilespmem:s19], [sflag:$0x1] =	stream.indirect.gather [hbm4b:s4+s18], $0x40, s21, s18, $0xb8;
	[tilespmem:$0x18080] =	vst v63  }
0x13: {  	_ =	swait.ge [sflag:s20], $0x1400  }
0x14: {  	[sflag:s20] =	ssyncset.done $0x0  }
0x15: {  	s21 =	sadd.s32 $0x4E20, s21;
	[sflag:s20] =	ssyncadd.s32 $0xFFFFEC00  }
0x16: {  	[spmem:s1] =	stream.indirect.scatter.add.f32 [tilespmem:s19], [sflag:$0x2], $0x40, s21, s18, $0xb8;
	[tilespmem:$0x18080] =	vst v63  }
0x17: {  	_ =	swait.ge [sflag:s16], $0x1400  }
0x18: {  	[sflag:s16] =	ssyncset.done $0x0  }
0x19: {  	[sflag:s16] =	ssyncadd.s32 $0xFFFFEC00  }
.LBB2_10:
0x1a: {  	s21 =	sshll.u32 s2, $0x6  }
0x1b: {  	[bflag:$0x0] =	sbarrier.arrive $0xFFFF;
	s22 =	sshrl.u32 s6, $0x3;
	s21 =	sor.u32 $0x1C02, s21  }
0x1c: {  	[hbm:s12], [sflag:s21] =	dma.local [spmem:s22], $0x1380  }
0x1d: {  	_ =	swait.ge [sflag:s16], $0x1380  }
0x1e: {  	s3 =	sadd.s32 $0x1, s3;
	[sflag:s16] =	ssyncset.done $0x0  }
0x1f: {  	p2 =	sne.s32 s3, s14;
	s22 =	sshrl.u32 @!p1 s9, $0x3;
	[sflag:s16] =	ssyncadd.s32 $0xFFFFEC80  }
0x20: {  	[hbm:s13], [sflag:s21] =	dma.local @!p1 [spmem:s22], $0x80  }
.Ltmp1:
0x21: {  	_ = 	snop;
	(pc) =	sbr.rel @!p2 .LBB2_11-.Ltmp1, $4  }
0x22: {  	s21 =	simm.s32 @!p1 $0x2  }
0x23: {  	_ =	swait.ge @!p1 [sflag:s21], $0x80  }
0x24: {  	[sflag:s21] =	ssyncset.done @!p1 $0x0  }
0x25: {  	[sflag:s21] =	ssyncadd.s32 @!p1 $0xFFFFFF80  }
.LBB2_1:
0x26: {  	s22 =	simm.s32 $0x100;
	s21 =	simm.s32 $0x0  }
.LBB2_2:
0x27: {  	p2 =	sne.s32 s22, $0xCF00;
	[tilespmem:s21+$0xB070] =	vst v0;
	s23 =	smov.u32 s22;
	s22 =	sadd.s32 $0x100, s22  }
.Ltmp2:
0x28: {  	[tilespmem:s21+$0xB060] =	vst v0;
	(pc) =	sbr.rel @p2 .LBB2_2-.Ltmp2, $3  }
0x29: {  	[tilespmem:s21+$0xB040] =	vst v0  }
0x2a: {  	[tilespmem:s21+$0xB050] =	vst v0;
	_ =	sdelay $0x1  }
0x2b: {  	s21 =	sshra.s32 s23, $0x2  }
0x2c: {  	[tilespmem:s21+$0xB070] =	vst v0  }
0x2d: {  	[tilespmem:s21+$0xB060] =	vst v0  }
0x2e: {  	[tilespmem:s21+$0xB040] =	vst v0  }
0x2f: {  	[tilespmem:s21+$0xB050] =	vst v0  }
0x30: {  	[spmem:s6] =	stream.linear.scatter [tilespmem:s15], [sflag:$0x2], $0x3400, $0x38;
	[tilespmem:$0x18080] =	vst v63  }
0x31: {  	_ =	swait.ge [sflag:s16], $0x3400  }
0x32: {  	[sflag:s16] =	ssyncset.done $0x0  }
0x33: {  	[sflag:s16] =	ssyncadd.s32 $0xFFFFCC00  }
0x34: {  	[spmem:s7] =	stream.linear.scatter [tilespmem:s15], [sflag:$0x2], $0x3400, $0x38;
	[tilespmem:$0x18080] =	vst v63  }
0x35: {  	_ =	swait.ge [sflag:s16], $0x3400  }
0x36: {  	[sflag:s16] =	ssyncset.done $0x0  }
0x37: {  	[sflag:s16] =	ssyncadd.s32 $0xFFFFCC00  }
0x38: {  	[spmem:s8] =	stream.linear.scatter [tilespmem:s15], [sflag:$0x2], $0x3400, $0x38;
	[tilespmem:$0x18080] =	vst v63  }
0x39: {  	_ =	swait.ge [sflag:s16], $0x3400  }
0x3a: {  	[sflag:s16] =	ssyncset.done $0x0  }
0x3b: {  	s21 =	simm.s32 @!p1 $0xB040;
	[sflag:s16] =	ssyncadd.s32 $0xFFFFCC00  }
0x3c: {  	[spmem:s9] =	stream.linear.scatter @!p1 [tilespmem:s21], [sflag:$0x2], $0x400, $0x38;
	[tilespmem:$0x18080] =	vst v63  }
0x3d: {  	s21 =	simm.s32 @!p1 $0x2  }
0x3e: {  	_ =	swait.ge @!p1 [sflag:s21], $0x400  }
0x3f: {  	[sflag:s21] =	ssyncset.done @!p1 $0x0  }
0x40: {  	[sflag:s21] =	ssyncadd.s32 @!p1 $0xFFFFFC00  }
0x41: {  	s31 =	simm.s32 $0x0;
	[bflag:$0x0] =	sbarrier.arrive $0xFFFF  }
0x42: {  	[tilespmem:s31], [sflag:$0x2] =	stream.linear.gather [hbm4b:s10+s31], $0x4E20, $0x38;
	[tilespmem:$0x18080] =	vst v63  }
0x43: {  	_ =	swait.ge [sflag:s16], $0x4E20  }
0x44: {  	[sflag:s16] =	ssyncset.done $0x0  }
.Ltmp3:
0x45: {  	[sflag:s16] =	ssyncadd.s32 $0xFFFFB1E0;
	(pc) =	sbr.rel @!p0 .LBB2_4-.Ltmp3, $4  }
0x46: {  	[tilespmem:s17], [sflag:$0x2] =	stream.linear.gather [hbm4b:s11+s31], $0x4E20, $0x38;
	[tilespmem:$0x18080] =	vst v63  }
0x47: {  	_ =	swait.ge [sflag:s16], $0x4E20  }
0x48: {  	[sflag:s16] =	ssyncset.done $0x0  }
0x49: {  	s21 =	simm.s32 $0x0;
	[sflag:s16] =	ssyncadd.s32 $0xFFFFB1E0  }
0x4a: {  	[tilespmem:s19], [sflag:$0x1] =	stream.indirect.gather [hbm4b:s5+s18], $0x40, s21, s18, $0xb8;
	[tilespmem:$0x18080] =	vst v63  }
0x4b: {  	_ =	swait.ge [sflag:s20], $0x1400  }
0x4c: {  	[sflag:s20] =	ssyncset.done $0x0  }
0x4d: {  	s31 =	simm.s32 $0x4E20;
	[sflag:s20] =	ssyncadd.s32 $0xFFFFEC00  }
0x4e: {  	[spmem:s1] =	stream.indirect.scatter.add.f32 [tilespmem:s19], [sflag:$0x2], $0x40, s31, s18, $0xb8;
	[tilespmem:$0x18080] =	vst v63  }
0x4f: {  	_ =	swait.ge [sflag:s16], $0x1400  }
0x50: {  	s21 =	simm.s32 $0x140;
	s22 =	simm.s32 $0x280;
	[sflag:s16] =	ssyncset.done $0x0  }
.LBB2_8:
0x51: {  	s23 =	sshra.s32 s21, $0x2  }
0x52: {  	[sflag:s16] =	ssyncadd.s32 $0xFFFFEC00;
	s21 =	smov.u32 s22;
	s24 =	sadd.s32 $0x140, s22  }
0x53: {  	[tilespmem:s19], [sflag:$0x1] =	stream.indirect.gather [hbm4b:s5+s18], $0x40, s23, s18, $0xb8;
	[tilespmem:$0x18080] =	vst v63  }
0x54: {  	p2 =	sne.s32 s22, $0x13740;
	_ =	swait.ge [sflag:s20], $0x1400  }
.Ltmp4:
0x55: {  	[sflag:s20] =	ssyncset.done $0x0;
	(pc) =	sbr.rel @p2 .LBB2_8-.Ltmp4, $4  }
0x56: {  	s22 =	sadd.s32 $0x4E20, s23;
	[sflag:s20] =	ssyncadd.s32 $0xFFFFEC00  }
0x57: {  	[spmem:s1] =	stream.indirect.scatter.add.f32 [tilespmem:s19], [sflag:$0x2], $0x40, s22, s18, $0xb8;
	[tilespmem:$0x18080] =	vst v63  }
0x58: {  	_ =	swait.ge [sflag:s16], $0x1400  }
0x59: {  	s22 =	smov.u32 s24;
	[sflag:s16] =	ssyncset.done $0x0  }
0x5a: {  	s21 =	sshra.s32 s21, $0x2;
	[sflag:s16] =	ssyncadd.s32 $0xFFFFEC00  }
0x5b: {  	[tilespmem:s19], [sflag:$0x1] =	stream.indirect.gather [hbm4b:s5+s18], $0x40, s21, s18, $0xb8;
	[tilespmem:$0x18080] =	vst v63  }
0x5c: {  	_ =	swait.ge [sflag:s20], $0x1400  }
0x5d: {  	[sflag:s20] =	ssyncset.done $0x0  }
.Ltmp5:
0x5e: {  	s21 =	sadd.s32 $0x4E20, s21;
	[sflag:s20] =	ssyncadd.s32 $0xFFFFEC00;
	(pc) =	sbr.rel .LBB2_10-.Ltmp5, $4  }
0x5f: {  	[spmem:s1] =	stream.indirect.scatter.add.f32 [tilespmem:s19], [sflag:$0x2], $0x40, s21, s18, $0xb8;
	[tilespmem:$0x18080] =	vst v63  }
0x60: {  	_ =	swait.ge [sflag:s16], $0x1400  }
0x61: {  	[sflag:s16] =	ssyncset.done $0x0  }
0x62: {  	[sflag:s16] =	ssyncadd.s32 $0xFFFFEC00  }
.LBB2_4:
0x63: {  	[tilespmem:s19], [sflag:$0x1] =	stream.indirect.gather [hbm4b:s4+s18], $0x40, s21, s18, $0xb8;
	[tilespmem:$0x18080] =	vst v63  }
0x64: {  	_ =	swait.ge [sflag:s20], $0x1400  }
0x65: {  	[sflag:s20] =	ssyncset.done $0x0  }
0x66: {  	s31 =	simm.s32 $0x4E20;
	[sflag:s20] =	ssyncadd.s32 $0xFFFFEC00  }
0x67: {  	[spmem:s1] =	stream.indirect.scatter.add.f32 [tilespmem:s19], [sflag:$0x2], $0x40, s31, s18, $0xb8;
	[tilespmem:$0x18080] =	vst v63  }
0x68: {  	_ =	swait.ge [sflag:s16], $0x1400  }
0x69: {  	s21 =	simm.s32 $0x140;
	s22 =	simm.s32 $0x280;
	[sflag:s16] =	ssyncset.done $0x0  }
.LBB2_5:
0x6a: {  	s23 =	sshra.s32 s21, $0x2  }
0x6b: {  	[sflag:s16] =	ssyncadd.s32 $0xFFFFEC00;
	s21 =	smov.u32 s22;
	s24 =	sadd.s32 $0x140, s22  }
0x6c: {  	[tilespmem:s19], [sflag:$0x1] =	stream.indirect.gather [hbm4b:s4+s18], $0x40, s23, s18, $0xb8;
	[tilespmem:$0x18080] =	vst v63  }
0x6d: {  	p2 =	seq.s32 s22, $0x13740;
	_ =	swait.ge [sflag:s20], $0x1400  }
.Ltmp6:
0x6e: {  	[sflag:s20] =	ssyncset.done $0x0;
	(pc) =	sbr.rel @!p2 .LBB2_5-.Ltmp6, $4  }
0x6f: {  	s22 =	sadd.s32 $0x4E20, s23;
	[sflag:s20] =	ssyncadd.s32 $0xFFFFEC00  }
0x70: {  	[spmem:s1] =	stream.indirect.scatter.add.f32 [tilespmem:s19], [sflag:$0x2], $0x40, s22, s18, $0xb8;
	[tilespmem:$0x18080] =	vst v63  }
0x71: {  	_ =	swait.ge [sflag:s16], $0x1400  }
0x72: {  	s22 =	smov.u32 s24;
	[sflag:s16] =	ssyncset.done $0x0  }
.Ltmp7:
0x73: {  	_ = 	snop;
	(pc) =	sbr.rel .LBB2_6-.Ltmp7, $1  }
0x74: {  	_ =	sdelay $0x3  }
.LBB2_11:
0x75: {  	_ =	sfence.sel $0x180000  }
0x76: {  	[bflag:$0x0] =	sbarrier.arrive $0xFFFF  }
0x77: {  	p0 =	sne.s32 s2, $0x0;
	_ =	strace $0x9000004D  }
0x78: {  	s0 =	sadd.s32 @!p0 $0x100000, s0;
	[bflag:$0x2] =	sbarrier.arrive $0xFFFF  }
0x79: {  	[sflag:s0] =	ssyncadd.tile.s32 @!p0 $0x1;
	_ =	shalt  }
.Lfunc_end2:
_tile_overlayer_lowered:
.L_overlay_start_2:
0x7a: {  	(tag) =	ssettag $0x2  }
0x7b: {  	s0 =	rddreg [dreg:$0x0];
	s2 =	stileid.u32  }
0x7c: {  	s1 =	rddreg [dreg:$0x1];
	p0 =	sne.s32 s2, $0x0  }
0x7d: {  	s3 =	rddreg [dreg:$0x2];
	[bflag:$0x3] =	sbarrier.arrive $0xFFFF;
	s2 =	simm.s32 @!p0 $0x1C02  }
0x7e: {  	[timem:s3], [sflag:s2] =	dma.local @!p0 [hbm:s0], s1  }
0x7f: {  	s0 =	simm.s32 @!p0 $0x2  }
0x80: {  	_ =	swait.ge @!p0 [sflag:s0], s1  }
0x81: {  	s1 =	ssub.s32 @!p0 $0x0, s1;
	[sflag:s0] =	ssyncset.done @!p0 $0x0  }
0x82: {  	[sflag:s0] =	ssyncadd.s32 @!p0 s1  }
0x83: {  	[bflag:$0x3] =	sbarrier.arrive $0xFFFF  }
0x84: {  	_ =	shalt  }

// kernel: kernel.9.cloned.1.call-start
scs
__scs_entry_jumppad:
0x0: {  	(pc) =	sbr.rel $0x88, $3  }
0x1: {  	(tag) =	ssettag $0x0;
	lr =	simm.s32 $0x1  }
0x2: {  	[smem:$0x3F96] =	sst lr;
	_ =	strace $0xD0000000  }
0x3: {  	_ = 	snop  }
0x4: {  	_ = 	snop  }
0x5: {  	_ = 	snop  }
0x6: {  	_ = 	snop  }
0x7: {  	_ = 	snop  }
__scs_overlays_trampoline_lowered:
0x8: {  	[smem:$0x3FA5] =	sst s0  }
0x9: {  	[smem:$0x3FA6] =	sst s1  }
0xa: {  	[smem:$0x3FA7] =	sst s2  }
0xb: {  	[smem:$0x3FA8] =	sst s3  }
0xc: {  	[smem:$0x3FA9] =	sst s4  }
0xd: {  	[smem:$0x3FAA] =	sst s5  }
0xe: {  	[smem:$0x3FAB] =	sst s6  }
0xf: {  	[smem:$0x3FAC] =	sst s7  }
0x10: {  	[smem:$0x3FAD] =	sst s8  }
0x11: {  	[smem:$0x3FAE] =	sst s9;
	s0 =	simm.s32 @!p0 $0x0  }
0x12: {  	s1 =	sld [smem:$0x3F94];
	s0 =	simm.s32 @p0 $0x1  }
0x13: {  	[smem:$0x3FAF] =	sst s0;
	s0 =	simm.s32 @!p1 $0x0  }
0x14: {  	s2 =	sld [smem:$0x3F93];
	s0 =	simm.s32 @p1 $0x1  }
0x15: {  	[smem:$0x3FB0] =	sst s0;
	s0 =	simm.s32 @!p2 $0x0  }
0x16: {  	s3 =	sld [smem:$0x3FDB];
	s0 =	simm.s32 @p2 $0x1  }
0x17: {  	s4 =	simm.s32 $0x1BF5;
	[smem:$0x3FB2] =	sst s0  }
0x18: {  	s0 =	sld [smem:$0x3F95];
	_ =	swait.ge [sflag:s4], $0x0  }
0x19: {  	s7 =	sld [smem:$0x3F96]  }
0x1a: {  	s8 =	sadd.s32 $0xFFFFE003, lr  }
0x1b: {  	s9 =	sadd.s32 $0xFFFFFEF7, lr;
	s5 =	simm.s32 $0xFFFFFFFF;
	p2 =	slt.u32 s8, $0xFFFFF086  }
0x1c: {  	p1 =	slt.u32 s9, $0xF7A;
	s5 =	simm.s32 @!p2 $0x0  }
0x1d: {  	s5 =	simm.s32 @p1 $0x1;
	p0 =	seq.s32 s7, s2  }
0x1e: {  	s7 =	smul.u32 @!p0 $0xF7A, s2;
	p2 =	seq.s32 @!p0 s5, $0x0  }
0x1f: {  	s9 =	smul.u32 $0xF7A, s1;
	s8 =	simm.s32 @!p0 $0x1BF5;
	p2 =	por !p2, p0  }
0x20: {  	[sflag:s8] =	ssyncset.s32 @!p0 $0xFFFFF086;
	s6 =	sadd.s32 @!p0 s3, s7;
	s7 =	simm.s32 @!p0 $0x108  }
0x21: {  	s3 =	sadd.s32 s3, s9;
	s6 =	sadd.s32 @!p0 $0x88, s6;
	s7 =	simm.s32 @p2 $0x1082  }
0x22: {  	[simem:s7], [sflag:s8] =	dma.local @!p0 [hbm:s6], $0xF7A  }
0x23: {  	s9 =	sor.u32 $0xD0000000, s2;
	s6 =	simm.s32 $0x108;
	_ =	swait.ge @!p0 [sflag:s8], $0x0  }
0x24: {  	s3 =	sadd.s32 $0x88, s3;
	s6 =	simm.s32 @!p1 $0x1082;
	[sflag:s4] =	ssyncset.s32 $0xFFFFF086  }
0x25: {  	[simem:s6], [sflag:s4] =	dma.local [hbm:s3], $0xF7A  }
0x26: {  	[smem:$0x3F96] =	sst s1;
	(tag) =	ssettag s2;
	_ =	strace s9  }
0x27: {  	s1 =	sld [smem:$0x3FA6]  }
0x28: {  	s2 =	sld [smem:$0x3FA7]  }
0x29: {  	s4 =	sld [smem:$0x3FA9]  }
0x2a: {  	p0 =	seq.s32 s5, $0x0;
	s5 =	sld [smem:$0x3FAA]  }
0x2b: {  	s6 =	sld [smem:$0x3FAB]  }
0x2c: {  	s7 =	sld [smem:$0x3FAC]  }
0x2d: {  	s3 =	simm.s32 $0x108;
	s8 =	sld [smem:$0x3FAD]  }
0x2e: {  	s3 =	simm.s32 @!p0 $0x1082;
	s9 =	sld [smem:$0x3FAE]  }
0x2f: {  	lr =	sadd.s32 s0, s3;
	s0 =	sld [smem:$0x3FA5]  }
0x30: {  	s3 =	sld [smem:$0x3FA8]  }
0x31: {  	[smem:$0x3FB1] =	sst s10  }
0x32: {  	s10 =	sld [smem:$0x3FAF];
	_ =	sdelay $0x3  }
0x33: {  	p0 =	seq.s32 s10, $0x1;
	s10 =	sld [smem:$0x3FB1];
	_ =	sdelay $0x3  }
0x34: {  	[smem:$0x3FB1] =	sst s10  }
0x35: {  	s10 =	sld [smem:$0x3FB0];
	_ =	sdelay $0x3  }
0x36: {  	p1 =	seq.s32 s10, $0x1;
	s10 =	sld [smem:$0x3FB1];
	_ =	sdelay $0x3  }
0x37: {  	[smem:$0x3FB1] =	sst s10  }
0x38: {  	s10 =	sld [smem:$0x3FB2]  }
0x39: {  	_ = 	snop;
	(pc) =	sbr.ind lr, $3  }
0x3a: {  	_ = 	snop  }
0x3b: {  	_ = 	snop  }
0x3c: {  	p2 =	seq.s32 s10, $0x1;
	s10 =	sld [smem:$0x3FB1]  }
0x3d: {  	_ =	shalt  }
0x3e: {  	_ =	shalt  }
0x3f: {  	_ =	shalt  }
0x40: {  	_ =	shalt  }
0x41: {  	_ =	shalt  }
0x42: {  	_ =	shalt  }
0x43: {  	_ =	shalt  }
0x44: {  	_ =	shalt  }
0x45: {  	_ =	shalt  }
0x46: {  	_ =	shalt  }
0x47: {  	_ =	shalt  }
0x48: {  	_ =	shalt  }
0x49: {  	_ =	shalt  }
0x4a: {  	_ =	shalt  }
0x4b: {  	_ =	shalt  }
0x4c: {  	_ =	shalt  }
0x4d: {  	_ =	shalt  }
0x4e: {  	_ =	shalt  }
0x4f: {  	_ =	shalt  }
0x50: {  	_ =	shalt  }
0x51: {  	_ =	shalt  }
0x52: {  	_ =	shalt  }
0x53: {  	_ =	shalt  }
0x54: {  	_ =	shalt  }
0x55: {  	_ =	shalt  }
0x56: {  	_ =	shalt  }
0x57: {  	_ =	shalt  }
0x58: {  	_ =	shalt  }
0x59: {  	_ =	shalt  }
0x5a: {  	_ =	shalt  }
0x5b: {  	_ =	shalt  }
0x5c: {  	_ =	shalt  }
0x5d: {  	_ =	shalt  }
0x5e: {  	_ =	shalt  }
0x5f: {  	_ =	shalt  }
0x60: {  	_ =	shalt  }
0x61: {  	_ =	shalt  }
0x62: {  	_ =	shalt  }
0x63: {  	_ =	shalt  }
0x64: {  	_ =	shalt  }
0x65: {  	_ =	shalt  }
0x66: {  	_ =	shalt  }
0x67: {  	_ =	shalt  }
0x68: {  	_ =	shalt  }
0x69: {  	_ =	shalt  }
0x6a: {  	_ =	shalt  }
0x6b: {  	_ =	shalt  }
0x6c: {  	_ =	shalt  }
0x6d: {  	_ =	shalt  }
0x6e: {  	_ =	shalt  }
0x6f: {  	_ =	shalt  }
0x70: {  	_ =	shalt  }
0x71: {  	_ =	shalt  }
0x72: {  	_ =	shalt  }
0x73: {  	_ =	shalt  }
0x74: {  	_ =	shalt  }
0x75: {  	_ =	shalt  }
0x76: {  	_ =	shalt  }
0x77: {  	_ =	shalt  }
0x78: {  	_ =	shalt  }
0x79: {  	_ =	shalt  }
0x7a: {  	_ =	shalt  }
0x7b: {  	_ =	shalt  }
0x7c: {  	_ =	shalt  }
0x7d: {  	_ =	shalt  }
0x7e: {  	_ =	shalt  }
0x7f: {  	_ =	shalt  }
0x80: {  	_ =	shalt  }
0x81: {  	_ =	shalt  }
0x82: {  	_ =	shalt  }
0x83: {  	_ =	shalt  }
0x84: {  	_ =	shalt  }
0x85: {  	_ =	shalt  }
0x86: {  	_ =	shalt  }
0x87: {  	_ =	shalt  }
.Lfunc_end0:
.L_simem_size_0:
called_computation_lowered:
.L_overlay_start_0:
0x88: {  	s2 =	sld [smem:$0x3FD9]  }
0x89: {  	s3 =	sld [smem:$0x3FFE];
	_ =	sdelay $0x1  }
0x8a: {  	s1 =	srdreg.scid  }
0x8b: {  	s0 =	sand.u32 $0x1, s1  }
0x8c: {  	s16 =	sshll.u32 s0, $0xA;
	s2 =	sadd.s32 s3, s2  }
0x8d: {  	s2 =	sadd.s32 s2, s16  }
0x8e: {  	[smem:$0x3FBD] =	sst s2  }
0x8f: {  	_ = 	snop  }
0x90: {  	(tm) =	ssettm $0x1  }
0x91: {  	s17 =	sld [smem:$0x3FFB];
	_ =	sdelay $0x3  }
0x92: {  	_ =	strace s17  }
0x93: {  	s2 =	sld [smem:$0x3FFC];
	_ =	sdelay $0x3  }
0x94: {  	_ =	strace s2  }
0x95: {  	s2 =	sld [smem:$0x3FFD];
	_ =	sdelay $0x3  }
0x96: {  	_ =	strace s2  }
0x97: {  	_ =	strace $0x8FFFFFFF  }
0x98: {  	s18 =	sld [smem:$0x3FDB];
	_ =	sdelay $0x1  }
0x99: {  	s19 =	simm.s32 $_scs_section_size  }
0x9a: {  	s4 =	simm.s32 $_size__tile_overlayer_lowered;
	s5 =	simm.s32 $_tile_overlayer_lowered  }
0x9b: {  	s22 =	simm.s32 $0x1BFF;
	s21 =	sshll.u32 s5, $0x1;
	s2 =	sadd.s32 s19, s18  }
0x9c: {  	s6 =	simm.s32 $0x0;
	s20 =	sshll.u32 s4, $0x1;
	s4 =	sadd.s32 s21, s2  }
0x9d: {  	[timem:s6], [sflag:s22] =	dma.local [hbm:s4], s20  }
0x9e: {  	_ =	swait.ge [sflag:s22], s20  }
0x9f: {  	s3 =	ssub.s32 $0x0, s20;
	[sflag:s22] =	ssyncset.done $0x0  }
0xa0: {  	[sflag:s22] =	ssyncadd.s32 s3;
	_ =	sdelay $0x1  }
0xa1: {  	s23 =	simm.s32 $0x1B8B  }
0xa2: {  	_ =	swait.ge [sflag:s23], $0x1  }
0xa3: {  	[sflag:s23] =	ssyncset.done $0x0  }
0xa4: {  	s25 =	simm.s32 $0x1B8E;
	s24 =	sld [smem:$0x3FFE];
	[sflag:s23] =	ssyncadd.s32 $0xFFFFFFFF  }
0xa5: {  	s26 =	simm.s32 $execute0_lowered;
	[smem:$0x3FD2] =	sst s25  }
0xa6: {  	s4 =	sshll.u32 s26, $0x1;
	_ =	strace $0x80000046;
	[dreg:$0x1] =	wrdreg $0xFFFFFFFF  }
0xa7: {  	s28 =	simm.s32 $_size_execute0_lowered;
	s2 =	sadd.s32 s2, s4;
	[dreg:$0x0] =	wrdreg $0x0  }
0xa8: {  	s4 =	sshll.u32 s28, $0x1;
	[dreg:$0x2] =	wrdreg s2  }
0xa9: {  	[dreg:$0x3] =	wrdreg s4  }
0xaa: {  	[dreg:$0x4] =	wrdreg $0xC0  }
0xab: {  	_ =	task [dreg:s6], $0x5FFFF  }
0xac: {  	[dreg:$0x1] =	wrdreg $0xFFFFFFFF  }
0xad: {  	[dreg:$0x0] =	wrdreg $0x60  }
0xae: {  	[dreg:$0x2] =	wrdreg s24  }
0xaf: {  	[dreg:$0x3] =	wrdreg $0x53100  }
0xb0: {  	[dreg:$0x4] =	wrdreg $0x9  }
0xb1: {  	_ =	task.clear_ibuf [dreg:s6], $0x5FFFF;
	_ =	strace $0x90000046  }
0xb2: {  	s29 =	simm.s32 $0x9;
	_ =	strace $0x80000048  }
0xb3: {  	_ =	swait.ge [sflag:s29], $0x1  }
0xb4: {  	[sflag:s29] =	ssyncadd.s32 $0xFFFFFFFF  }
0xb5: {  	_ =	strace $0x90000048  }
0xb6: {  	_ =	sfence  }
0xb7: {  	s30 =	sld [smem:$0x0];
	_ =	sdelay $0x2  }
0xb8: {  	s31 =	sshll.u32 s1, $0xD;
	s1 =	sshrl.u32 s1, $0x2  }
0xb9: {  	s3 =	sand.u32 $0x4000, s31;
	s1 =	sadd.s32 s1, s30  }
0xba: {  	s0 =	sor.u32 s3, s0;
	s1 =	sshll.u32 s1, $0x11  }
0xbb: {  	s0 =	sor.u32 s1, s0  }
0xbc: {  	s0 =	sadd.s32 $0x8F2B, s0  }
0xbd: {  	[sflag:s0] =	ssyncadd.remote.s32 $0x1  }
0xbe: {  	_ =	sfence.sel $0xFFFF  }
0xbf: {  	[dreg:$0x0] =	wrdreg $0xFFFFFFFF;
	(pc) =	sbr.abs _section_cstart, $3  }
0xc0: {  	[dreg:$0x1] =	wrdreg $0xFFFFFFFF  }
0xc1: {  	_ =	task.clear_ibuf [dreg:s6], $0x2FFFF;
	_ =	strace $0x9FFFFFFF  }
0xc2: {  	(tm) =	ssettm $0x7FFFFFFF  }
0xc3: {  	_ =	shalt  }
tec
execute0_lowered:
.L_overlay_start_1:
0x0: {  	(tag) =	ssettag $0x1  }
0x1: {  	s4 =	rddreg [dreg:$0x0]  }
0x2: {  	s2 =	rddreg [dreg:$0x1]  }
0x3: {  	s0 =	srdreg.scid;
	s1 =	rddreg [dreg:$0x2];
	s3 =	simm.s32 $0x0  }
0x4: {  	s12 =	simm.s32 $0x50;
	s5 =	sand.u32 $0x1, s0;
	s0 =	stileid.u32  }
0x5: {  	s13 =	simm.s32 $0x2710;
	[smem:$0x7FF] =	sst s3;
	s6 =	smul.u32 $0x27100, s5  }
0x6: {  	s10 =	sadd.s32 $0x16000, s4;
	s7 =	smul.u32 $0x2710, s0;
	s5 =	ssub.s32 $0x2, s5  }
0x7: {  	s8 =	smul.u32 $0x2700, s0;
	_ =	strace $0x80000047;
	s14 =	sshll.u32 s0, $0x6  }
0x8: {  	p0 =	sne.s32 s0, $0xF;
	s9 =	sshrl.u32 s5, $0x1;
	s14 =	sor.u32 $0x1C01, s14  }
0x9: {  	s7 =	sadd.s32 s7, s6;
	s9 =	ssub.s32 s5, s9;
	s11 =	sshrl.u32 s6, $0x3  }
0xa: {  	s5 =	sadd.s32 $0x27000, s2;
	s7 =	sshrl.u32 s7, $0x3;
	s31 =	sadd.s32 s10, s11  }
0xb: {  	s9 =	smax.u32 s9, $0x1;
	s11 =	simm.s32 $0x1;
	s16 =	sshrl.u32 @!p0 s5, $0x3  }
0xc: {  	s7 =	sadd.s32 s7, s4;
	s4 =	sadd.s32 s8, s2;
	s8 =	sadd.s32 s8, s6  }
0xd: {  	s6 =	sadd.s32 $0xC200, s7;
	s30 =	sshrl.u32 s8, $0x3;
	s8 =	sadd.s32 $0x4E00, s31  }
0xe: {  	v0 =	vimm.f32 $1.000000000e+00;
	v1 =	vimm.f32 $0.0e+00;
	s15 =	sshrl.u32 s4, $0x3;
	s7 =	sadd.s32 s10, s30;
	s10 =	simm.s32 $0x2C10  }
.LBB2_1:
0xf: {  	s17 =	simm.s32 $0x0  }
.LBB2_2:
0x10: {  	p1 =	sne.s32 s17, $0x13C0  }
.Ltmp0:
0x11: {  	_ = 	snop;
	(pc) =	sbr.rel @p1 .LBB2_2-.Ltmp0, $3  }
0x12: {  	_ =	sdelay $0x1  }
0x13: {  	s18 =	sshra.s32 s17, $0x2  }
0x14: {  	s17 =	sadd.s32 $0x40, s17;
	[tilespmem:s18+$0x2710] =	vst v0  }
0x15: {  	s17 =	simm.s32 $0x40;
	s18 =	simm.s32 $0x0  }
.LBB2_4:
0x16: {  	p1 =	sne.s32 s17, $0x9BC0;
	[tilespmem:s18+$0x2C10] =	vst v1;
	s18 =	smov.u32 s17;
	s17 =	sadd.s32 $0x40, s17  }
.Ltmp1:
0x17: {  	(pc) =	sbr.rel @p1 .LBB2_4-.Ltmp1, $2  }
0x18: {  	_ =	sdelay $0x2  }
0x19: {  	s18 =	sshra.s32 s18, $0x2  }
0x1a: {  	[tilespmem:s18+$0x2C10] =	vst v1  }
0x1b: {  	[spmem:s4] =	stream.linear.scatter [tilespmem:s10], [sflag:$0x1], $0x2700, $0x38;
	[tilespmem:$0x7A20] =	vst v63  }
0x1c: {  	_ =	swait.ge [sflag:s11], $0x2700  }
0x1d: {  	[sflag:s11] =	ssyncset.done $0x0  }
0x1e: {  	s17 =	simm.s32 @!p0 $0x2C10;
	[sflag:s11] =	ssyncadd.s32 $0xFFFFD900  }
0x1f: {  	[spmem:s5] =	stream.linear.scatter @!p0 [tilespmem:s17], [sflag:$0x1], $0x100, $0x38;
	[tilespmem:$0x7A20] =	vst v63  }
0x20: {  	s17 =	simm.s32 @!p0 $0x1  }
0x21: {  	_ =	swait.ge @!p0 [sflag:s17], $0x100  }
0x22: {  	[sflag:s17] =	ssyncset.done @!p0 $0x0  }
0x23: {  	[sflag:s17] =	ssyncadd.s32 @!p0 $0xFFFFFF00  }
0x24: {  	s30 =	simm.s32 $0x0;
	[bflag:$0x0] =	sbarrier.arrive $0xFFFF  }
0x25: {  	[tilespmem:s30], [sflag:$0x1] =	stream.linear.gather [hbm4b:s6+s30], $0x2710, $0x38;
	[tilespmem:$0x7A20] =	vst v63  }
0x26: {  	_ =	swait.ge [sflag:s11], $0x2710  }
0x27: {  	[sflag:s11] =	ssyncset.done $0x0  }
0x28: {  	s31 =	simm.s32 $0x0;
	[sflag:s11] =	ssyncadd.s32 $0xFFFFD8F0  }
0x29: {  	[spmem:s2] =	stream.indirect.scatter.add.f32 [tilespmem:s13], [sflag:$0x1], $0x10, s31, s12, $0xb8;
	[tilespmem:$0x7A20] =	vst v63  }
0x2a: {  	_ =	swait.ge [sflag:s11], $0x500  }
0x2b: {  	s17 =	simm.s32 $0x140;
	[sflag:s11] =	ssyncset.done $0x0  }
.LBB2_6:
0x2c: {  	s18 =	sshra.s32 s17, $0x2;
	[sflag:s11] =	ssyncadd.s32 $0xFFFFFB00;
	p1 =	sne.s32 s17, $0x9B00  }
0x2d: {  	[spmem:s2] =	stream.indirect.scatter.add.f32 [tilespmem:s13], [sflag:$0x1], $0x10, s18, s12, $0xb8;
	[tilespmem:$0x7A20] =	vst v63  }
.Ltmp2:
0x2e: {  	_ = 	snop;
	(pc) =	sbr.rel @p1 .LBB2_6-.Ltmp2, $4  }
0x2f: {  	_ = 	snop  }
0x30: {  	s17 =	sadd.s32 $0x140, s17  }
0x31: {  	_ =	swait.ge [sflag:s11], $0x500  }
0x32: {  	[sflag:s11] =	ssyncset.done $0x0  }
0x33: {  	[sflag:s11] =	ssyncadd.s32 $0xFFFFFB00  }
0x34: {  	[bflag:$0x0] =	sbarrier.arrive $0xFFFF  }
0x35: {  	[hbm:s7], [sflag:s14] =	dma.local [spmem:s15], $0x4E0  }
0x36: {  	s3 =	sadd.s32 $0x1, s3;
	_ =	swait.ge [sflag:s11], $0x4E0  }
0x37: {  	p1 =	sne.s32 s3, s9;
	[sflag:s11] =	ssyncset.done $0x0  }
.Ltmp3:
0x38: {  	s17 =	simm.s32 @!p0 $0x1;
	[sflag:s11] =	ssyncadd.s32 $0xFFFFFB20;
	(pc) =	sbr.rel @p1 .LBB2_1-.Ltmp3, $4  }
0x39: {  	[hbm:s8], [sflag:s14] =	dma.local @!p0 [spmem:s16], $0x20  }
0x3a: {  	_ =	swait.ge @!p0 [sflag:s17], $0x20  }
0x3b: {  	[sflag:s17] =	ssyncset.done @!p0 $0x0  }
0x3c: {  	[sflag:s17] =	ssyncadd.s32 @!p0 $0xFFFFFFE0  }
0x3d: {  	_ =	sfence.sel $0x180000  }
0x3e: {  	[bflag:$0x0] =	sbarrier.arrive $0xFFFF  }
0x3f: {  	p0 =	sne.s32 s0, $0x0;
	_ =	strace $0x90000047  }
0x40: {  	s0 =	sadd.s32 @!p0 $0x100000, s1;
	[bflag:$0x2] =	sbarrier.arrive $0xFFFF  }
0x41: {  	[sflag:s0] =	ssyncadd.tile.s32 @!p0 $0x1;
	_ =	shalt  }
.Lfunc_end2:
_tile_overlayer_lowered:
.L_overlay_start_2:
0x42: {  	(tag) =	ssettag $0x2  }
0x43: {  	s0 =	rddreg [dreg:$0x0];
	s2 =	stileid.u32  }
0x44: {  	s1 =	rddreg [dreg:$0x1];
	p0 =	sne.s32 s2, $0x0  }
0x45: {  	s3 =	rddreg [dreg:$0x2];
	[bflag:$0x3] =	sbarrier.arrive $0xFFFF;
	s2 =	simm.s32 @!p0 $0x1C01  }
0x46: {  	[timem:s3], [sflag:s2] =	dma.local @!p0 [hbm:s0], s1  }
0x47: {  	s0 =	simm.s32 @!p0 $0x1  }
0x48: {  	_ =	swait.ge @!p0 [sflag:s0], s1  }
0x49: {  	s1 =	ssub.s32 @!p0 $0x0, s1;
	[sflag:s0] =	ssyncset.done @!p0 $0x0  }
0x4a: {  	[sflag:s0] =	ssyncadd.s32 @!p0 s1  }
0x4b: {  	[bflag:$0x3] =	sbarrier.arrive $0xFFFF  }
0x4c: {  	_ =	shalt  }

</sc_bundles>
